<compile_context>
chip_gen: v7x
topology: tpu7x:2x2x1
jax: 0.10.2.dev20260603
libtpu: 0.0.44.dev20260713+nightly
codegen_flags: <defaults>
</compile_context>

<pallas_src>
import functools

import jax
import jax.numpy as jnp
from jax import lax
from jax.experimental import pallas as pl
from jax.experimental.pallas import tpu as pltpu
from jax.experimental.pallas import tpu_sc as plsc

N = 10000
N_PAD = 10240
E = 320000
D = 128
C = 128
NC = 2
NS = 16
NW = NC * NS
NB = 4
ITERS = 80
E_PER_W = ITERS * C
E_PAD = NW * E_PER_W
RPS = N_PAD // NS

_mesh = plsc.VectorSubcoreMesh(core_axis_name="c", subcore_axis_name="s")
_f32 = jnp.float32


def _wid():
    return lax.axis_index("s") * NC + lax.axis_index("c")



DEG_W = 128


def _fill(buf, val):
    v = jnp.full((16,), val, _f32)

    @pl.loop(0, C)
    def _(r):
        for j in range(buf.shape[1] // 16):
            buf[r, pl.ds(j * 16, 16)] = v


def _zero_acc(buf, acc, rbase):
    _fill(buf, 0.0)

    @pl.loop(0, RPS // C)
    def _(p):
        pltpu.sync_copy(buf, acc.at[pl.ds(rbase + p * C, C)])


@functools.partial(
    pl.kernel,
    out_type=jax.ShapeDtypeStruct((NC, N_PAD, DEG_W), _f32),
    mesh=_mesh,
    scratch_types=[
        pltpu.VMEM((2, C), jnp.int32),
        pltpu.VMEM((2, C), jnp.int32),
        pltpu.VMEM((2, C), jnp.int32),
        pltpu.VMEM((2, C), jnp.int32),
        pltpu.VMEM((C, DEG_W), _f32),
        pltpu.VMEM_SHARED((N_PAD, DEG_W), _f32),
        pltpu.SemaphoreType.DMA,
        pltpu.SemaphoreType.DMA,
        pltpu.SemaphoreType.DMA,
        pltpu.SemaphoreType.DMA,
    ],
)
def _deg_kernel(edges_hbm, out_hbm,
                i0, i1, i2, i3, ones_v, acc, s0, s1, s2, s3):
    IDX = [i0, i1, i2, i3]
    SI = [s0, s1, s2, s3]
    cid = lax.axis_index("c")
    sid = lax.axis_index("s")
    wid = _wid()
    rbase = sid * RPS

    _zero_acc(ones_v, acc, rbase)
    _fill(ones_v, 1.0)
    for b in range(NB):
        pltpu.async_copy(edges_hbm.at[wid + b * NW], IDX[b], SI[b])
    plsc.subcore_barrier()

    @pl.loop(0, ITERS, step=NB)
    def _(k):
        for b in range(NB):
            kk = k + b
            pltpu.make_async_copy(edges_hbm.at[wid], IDX[b], SI[b]).wait()
            pltpu.sync_copy(ones_v, acc.at[IDX[b].at[1]], add=True)

            @pl.when(kk + NB < ITERS)
            def _():
                pltpu.async_copy(edges_hbm.at[wid + (kk + NB) * NW], IDX[b], SI[b])

    plsc.subcore_barrier()
    pltpu.sync_copy(acc.at[pl.ds(rbase, RPS)], out_hbm.at[cid, pl.ds(rbase, RPS)])



@functools.partial(
    pl.kernel,
    out_type=jax.ShapeDtypeStruct((NC, N_PAD, D), _f32),
    mesh=_mesh,
    scratch_types=[
        pltpu.VMEM((2, C), jnp.int32),
        pltpu.VMEM((2, C), jnp.int32),
        pltpu.VMEM((2, C), jnp.int32),
        pltpu.VMEM((2, C), jnp.int32),
        pltpu.VMEM((C, D), _f32),
        pltpu.VMEM((C, D), _f32),
        pltpu.VMEM_SHARED((N_PAD, D), _f32),
        pltpu.SemaphoreType.DMA,
        pltpu.SemaphoreType.DMA,
        pltpu.SemaphoreType.DMA,
        pltpu.SemaphoreType.DMA,
        pltpu.SemaphoreType.DMA,
        pltpu.SemaphoreType.DMA,
    ],
)
def _hop_kernel(y_hbm, edges_hbm, out_hbm,
                i0, i1, i2, i3, r0, r1, acc, s0, s1, s2, s3, g0, g1):
    IDX = [i0, i1, i2, i3]
    SI = [s0, s1, s2, s3]
    ROWS = [r0, r1]
    SG = [g0, g1]
    cid = lax.axis_index("c")
    sid = lax.axis_index("s")
    wid = _wid()
    rbase = sid * RPS

    for b in range(NB):
        pltpu.async_copy(edges_hbm.at[wid + b * NW], IDX[b], SI[b])
    _zero_acc(ROWS[0], acc, rbase)
    plsc.subcore_barrier()

    pltpu.make_async_copy(edges_hbm.at[wid], IDX[0], SI[0]).wait()
    pltpu.async_copy(y_hbm.at[IDX[0].at[0]], ROWS[0], SG[0])

    @pl.loop(0, ITERS, step=NB)
    def _(k):
        for b in range(NB):
            kk = k + b
            rb = b % 2
            nb = (b + 1) % NB
            nrb = (b + 1) % 2
            pltpu.make_async_copy(y_hbm.at[pl.ds(0, C)], ROWS[rb], SG[rb]).wait()

            @pl.when(kk + 1 < ITERS)
            def _():
                pltpu.make_async_copy(edges_hbm.at[wid], IDX[nb], SI[nb]).wait()
                pltpu.async_copy(y_hbm.at[IDX[nb].at[0]], ROWS[nrb], SG[nrb])

            pltpu.sync_copy(ROWS[rb], acc.at[IDX[b].at[1]], add=True)

            @pl.when(kk + NB < ITERS)
            def _():
                pltpu.async_copy(edges_hbm.at[wid + (kk + NB) * NW], IDX[b], SI[b])

    plsc.subcore_barrier()
    pltpu.sync_copy(acc.at[pl.ds(rbase, RPS)], out_hbm.at[cid, pl.ds(rbase, RPS)])



def _tc_scalings(d0, d1, x_pad):
    def body(d0_ref, d1_ref, x_ref, y_ref, dis_ref, inv_ref):
        deg = d0_ref[:, 0:1] + d1_ref[:, 0:1] + 1.0
        dis = lax.rsqrt(deg)
        dis_ref[...] = dis
        inv_ref[...] = 1.0 / deg
        y_ref[...] = x_ref[...] * dis

    return pl.pallas_call(
        body,
        out_shape=(
            jax.ShapeDtypeStruct((N_PAD, D), _f32),
            jax.ShapeDtypeStruct((N_PAD, 1), _f32),
            jax.ShapeDtypeStruct((N_PAD, 1), _f32),
        ),
    )(d0, d1, x_pad)


def _tc_mid(q0, q1, y1, inv):
    def body(q0_ref, q1_ref, y1_ref, inv_ref, y2_ref):
        z = q0_ref[...] + q1_ref[...] + y1_ref[...]
        y2_ref[...] = z * inv_ref[...]

    return pl.pallas_call(
        body, out_shape=jax.ShapeDtypeStruct((N_PAD, D), _f32),
    )(q0, q1, y1, inv)


def _tc_final(r0, r1, y2, dis, W, b2):
    def body(r0_ref, r1_ref, y2_ref, dis_ref, w_ref, b_ref, out_ref):
        h = (r0_ref[...] + r1_ref[...] + y2_ref[...]) * dis_ref[...]
        out_ref[...] = lax.dot_general(
            h, w_ref[...], (((1,), (1,)), ((), ())),
            preferred_element_type=_f32,
        ) + b_ref[...]

    return pl.pallas_call(
        body, out_shape=jax.ShapeDtypeStruct((N_PAD, D), _f32),
    )(r0, r1, y2, dis, W, b2)


def kernel(edge_index, x, W, b):
    src = edge_index[0].astype(jnp.int32)
    dst = edge_index[1].astype(jnp.int32)
    pad = N + (jnp.arange(E_PAD - E, dtype=jnp.int32) % (N_PAD - N))
    sp = jnp.concatenate([src, pad]).reshape(NW * ITERS, 1, C)
    dp = jnp.concatenate([dst, pad]).reshape(NW * ITERS, 1, C)
    edges = jnp.concatenate([sp, dp], axis=1)
    x_pad = jnp.pad(x, ((0, N_PAD - N), (0, 0)))

    dparts = _deg_kernel(edges)
    y1, dis, inv = _tc_scalings(dparts[0], dparts[1], x_pad)
    qparts = _hop_kernel(y1, edges)
    y2 = _tc_mid(qparts[0], qparts[1], y1, inv)
    rparts = _hop_kernel(y2, edges)
    out = _tc_final(rparts[0], rparts[1], y2, dis, W, b.reshape(1, D))
    return out[:N]

# --- scband reference (transcript-rebuilt; emitter-appended) ---
"""Pipeline reference for scband-sgc-21569325760840 (READ-ONLY COPY).

The authoritative reference and input builder live on the scoring server;
editing this copy changes nothing except your own understanding.
"""

import jax, jax.numpy as jnp
import numpy as np

N_NODES = 10000
N_EDGES = 320000
D_IN = 128
D_OUT = 128
K = 2


def setup_inputs(seed: int = 0) -> dict:
    key = jax.random.key(seed)
    k1, k2, k3, k4 = jax.random.split(key, 4)
    edge_index = jax.random.randint(k1, (2, N_EDGES), 0, N_NODES, dtype=jnp.int64)
    x = jax.random.normal(k2, (N_NODES, D_IN), dtype=jnp.float32)
    # Linear layer params (like torch.nn.Linear inside SGConv): y = x @ W.T + b
    W = jax.random.normal(k3, (D_OUT, D_IN), dtype=jnp.float32) * (1.0 / np.sqrt(D_IN))
    b = jax.random.normal(k4, (D_OUT,), dtype=jnp.float32) * 0.01
    return {"edge_index": edge_index, "x": x, "W": W, "b": b}


def reference(edge_index, x, W, b):
    # SGConv: x' = (D^{-1/2} (A + I) D^{-1/2})^K x, then linear layer.
    N = x.shape[0]
    src = edge_index[0]
    dst = edge_index[1]
    # add self-loops
    loop = jnp.arange(N, dtype=src.dtype)
    src = jnp.concatenate([src, loop])
    dst = jnp.concatenate([dst, loop])
    ew = jnp.ones(src.shape[0], dtype=x.dtype)
    # symmetric normalization (degree computed on target nodes)
    deg = jnp.zeros((N,), dtype=x.dtype).at[dst].add(ew)
    deg_inv_sqrt = jnp.where(deg > 0, 1.0 / jnp.sqrt(deg), 0.0)
    norm = deg_inv_sqrt[src] * ew * deg_inv_sqrt[dst]
    h = x
    for _ in range(K):
        msg = norm[:, None] * h[src]
        h = jnp.zeros_like(h).at[dst].add(msg)
    return h @ W.T + b

if __name__ == "__main__":
    import jax
    _d = setup_inputs()
    print(jax.jit(kernel)(*tuple(_d.values())))

</pallas_src>

<mosaic_0001>
#map = affine_map<(d0, d1) -> (0, 0, 0)>
module attributes {stable_mosaic.version = 14 : i64} {
  func.func @_deg_kernel(%arg0: i32, %arg1: i32, %arg2: memref<2560x2x128xi32, #tpu.memory_space<hbm>>, %arg3: memref<2x10240x128xf32, #tpu.memory_space<hbm>>, %arg4: memref<2x128xi32, #tpu.memory_space<vmem>>, %arg5: memref<2x128xi32, #tpu.memory_space<vmem>>, %arg6: memref<2x128xi32, #tpu.memory_space<vmem>>, %arg7: memref<2x128xi32, #tpu.memory_space<vmem>>, %arg8: memref<128x128xf32, #tpu.memory_space<vmem>>, %arg9: memref<10240x128xf32, #tpu.memory_space<vmem_shared>>, %arg10: memref<!tpu.dma_semaphore, #tpu.memory_space<semaphore_mem>>, %arg11: memref<!tpu.dma_semaphore, #tpu.memory_space<semaphore_mem>>, %arg12: memref<!tpu.dma_semaphore, #tpu.memory_space<semaphore_mem>>, %arg13: memref<!tpu.dma_semaphore, #tpu.memory_space<semaphore_mem>>) attributes {dimension_semantics = [#tpu.dimension_semantics<core_parallel>, #tpu.dimension_semantics<subcore_parallel>], iteration_bounds = array<i64: 2, 16>, scalar_prefetch = 0 : i64, scratch_operands = 10 : i64, tpu.core_type = #tpu.core_type<sc_vector_subcore>, window_params = [{transform_indices = #map}, {transform_indices = #map}]} {
    %mul3A = arith.constant 2 : i32
    %mul3A_0 = arith.muli %arg1, %mul3A : i32
    %add3A = arith.addi %mul3A_0, %arg0 : i32
    %mul3A_1 = arith.constant 640 : i32
    %mul3A_2 = arith.muli %arg1, %mul3A_1 : i32
    %broadcast_in_dim3A = arith.constant 0.000000e+00 : f32
    %broadcast_in_dim3A_3 = vector.broadcast %broadcast_in_dim3A : f32 to vector<16xf32>
    %scan3A = arith.constant 0 : i32
    %scan3A_4 = arith.constant 128 : i32
    %scan3A_5 = arith.addi %scan3A, %scan3A_4 : i32
    %scan3A_6 = arith.constant 1 : i32
    scf.for %scan3A_65 = %scan3A to %scan3A_5 step %scan3A_6  : i32 {
      %mul3A_66 = arith.constant 1 : i32
      %mul3A_67 = arith.muli %scan3A_65, %mul3A_66 : i32
      %add3A_68 = arith.constant 0 : i32
      %add3A_69 = arith.addi %add3A_68, %mul3A_67 : i32
      %swap3A = arith.index_cast %add3A_69 : i32 to index
      %swap3A_70 = arith.constant 0 : index
      %swap3A_71 = tpu.vector_load %arg8[%swap3A, %swap3A_70] {strides = array<i32>} : memref<128x128xf32, #tpu.memory_space<vmem>>, vector<1x16xf32>,
      %swap3A_72 = vector.shape_cast %swap3A_71 : vector<1x16xf32> to vector<16xf32>
      %swap3A_73 = vector.shape_cast %broadcast_in_dim3A_3 : vector<16xf32> to vector<1x16xf32>
      tpu.vector_store %arg8[%swap3A, %swap3A_70], %swap3A_73 {strides = array<i32>} : memref<128x128xf32, #tpu.memory_space<vmem>>, vector<1x16xf32>,
      %swap3A_74 = arith.index_cast %add3A_69 : i32 to index
      %swap3A_75 = arith.constant 16 : index
      %swap3A_76 = tpu.vector_load %arg8[%swap3A_74, %swap3A_75] {strides = array<i32>} : memref<128x128xf32, #tpu.memory_space<vmem>>, vector<1x16xf32>,
      %swap3A_77 = vector.shape_cast %swap3A_76 : vector<1x16xf32> to vector<16xf32>
      %swap3A_78 = vector.shape_cast %broadcast_in_dim3A_3 : vector<16xf32> to vector<1x16xf32>
      tpu.vector_store %arg8[%swap3A_74, %swap3A_75], %swap3A_78 {strides = array<i32>} : memref<128x128xf32, #tpu.memory_space<vmem>>, vector<1x16xf32>,
      %swap3A_79 = arith.index_cast %add3A_69 : i32 to index
      %swap3A_80 = arith.constant 32 : index
      %swap3A_81 = tpu.vector_load %arg8[%swap3A_79, %swap3A_80] {strides = array<i32>} : memref<128x128xf32, #tpu.memory_space<vmem>>, vector<1x16xf32>,
      %swap3A_82 = vector.shape_cast %swap3A_81 : vector<1x16xf32> to vector<16xf32>
      %swap3A_83 = vector.shape_cast %broadcast_in_dim3A_3 : vector<16xf32> to vector<1x16xf32>
      tpu.vector_store %arg8[%swap3A_79, %swap3A_80], %swap3A_83 {strides = array<i32>} : memref<128x128xf32, #tpu.memory_space<vmem>>, vector<1x16xf32>,
      %swap3A_84 = arith.index_cast %add3A_69 : i32 to index
      %swap3A_85 = arith.constant 48 : index
      %swap3A_86 = tpu.vector_load %arg8[%swap3A_84, %swap3A_85] {strides = array<i32>} : memref<128x128xf32, #tpu.memory_space<vmem>>, vector<1x16xf32>,
      %swap3A_87 = vector.shape_cast %swap3A_86 : vector<1x16xf32> to vector<16xf32>
      %swap3A_88 = vector.shape_cast %broadcast_in_dim3A_3 : vector<16xf32> to vector<1x16xf32>
      tpu.vector_store %arg8[%swap3A_84, %swap3A_85], %swap3A_88 {strides = array<i32>} : memref<128x128xf32, #tpu.memory_space<vmem>>, vector<1x16xf32>,
      %swap3A_89 = arith.index_cast %add3A_69 : i32 to index
      %swap3A_90 = arith.constant 64 : index
      %swap3A_91 = tpu.vector_load %arg8[%swap3A_89, %swap3A_90] {strides = array<i32>} : memref<128x128xf32, #tpu.memory_space<vmem>>, vector<1x16xf32>,
      %swap3A_92 = vector.shape_cast %swap3A_91 : vector<1x16xf32> to vector<16xf32>
      %swap3A_93 = vector.shape_cast %broadcast_in_dim3A_3 : vector<16xf32> to vector<1x16xf32>
      tpu.vector_store %arg8[%swap3A_89, %swap3A_90], %swap3A_93 {strides = array<i32>} : memref<128x128xf32, #tpu.memory_space<vmem>>, vector<1x16xf32>,
      %swap3A_94 = arith.index_cast %add3A_69 : i32 to index
      %swap3A_95 = arith.constant 80 : index
      %swap3A_96 = tpu.vector_load %arg8[%swap3A_94, %swap3A_95] {strides = array<i32>} : memref<128x128xf32, #tpu.memory_space<vmem>>, vector<1x16xf32>,
      %swap3A_97 = vector.shape_cast %swap3A_96 : vector<1x16xf32> to vector<16xf32>
      %swap3A_98 = vector.shape_cast %broadcast_in_dim3A_3 : vector<16xf32> to vector<1x16xf32>
      tpu.vector_store %arg8[%swap3A_94, %swap3A_95], %swap3A_98 {strides = array<i32>} : memref<128x128xf32, #tpu.memory_space<vmem>>, vector<1x16xf32>,
      %swap3A_99 = arith.index_cast %add3A_69 : i32 to index
      %swap3A_100 = arith.constant 96 : index
      %swap3A_101 = tpu.vector_load %arg8[%swap3A_99, %swap3A_100] {strides = array<i32>} : memref<128x128xf32, #tpu.memory_space<vmem>>, vector<1x16xf32>,
      %swap3A_102 = vector.shape_cast %swap3A_101 : vector<1x16xf32> to vector<16xf32>
      %swap3A_103 = vector.shape_cast %broadcast_in_dim3A_3 : vector<16xf32> to vector<1x16xf32>
      tpu.vector_store %arg8[%swap3A_99, %swap3A_100], %swap3A_103 {strides = array<i32>} : memref<128x128xf32, #tpu.memory_space<vmem>>, vector<1x16xf32>,
      %swap3A_104 = arith.index_cast %add3A_69 : i32 to index
      %swap3A_105 = arith.constant 112 : index
      %swap3A_106 = tpu.vector_load %arg8[%swap3A_104, %swap3A_105] {strides = array<i32>} : memref<128x128xf32, #tpu.memory_space<vmem>>, vector<1x16xf32>,
      %swap3A_107 = vector.shape_cast %swap3A_106 : vector<1x16xf32> to vector<16xf32>
      %swap3A_108 = vector.shape_cast %broadcast_in_dim3A_3 : vector<16xf32> to vector<1x16xf32>
      tpu.vector_store %arg8[%swap3A_104, %swap3A_105], %swap3A_108 {strides = array<i32>} : memref<128x128xf32, #tpu.memory_space<vmem>>, vector<1x16xf32>,
    }
    %scan3A_7 = arith.constant 128 : i32
    %scan3A_8 = arith.constant 0 : i32
    %scan3A_9 = arith.constant 5 : i32
    %scan3A_10 = arith.addi %scan3A_8, %scan3A_9 : i32
    %scan3A_11 = arith.constant 1 : i32
    scf.for %scan3A_65 = %scan3A_8 to %scan3A_10 step %scan3A_11  : i32 {
      %mul3A_66 = arith.constant 1 : i32
      %mul3A_67 = arith.muli %scan3A_65, %mul3A_66 : i32
      %add3A_68 = arith.constant 0 : i32
      %add3A_69 = arith.addi %add3A_68, %mul3A_67 : i32
      %mul3A_70 = arith.constant 128 : i32
      %mul3A_71 = arith.muli %add3A_69, %mul3A_70 : i32
      %add3A_72 = arith.addi %mul3A_2, %mul3A_71 : i32
      "tpu.region"() ({
        %run_scoped3A = tpu.sem_alloc : memref<!tpu.dma_semaphore, #tpu.memory_space<semaphore_mem>>
        %dma_start3A_73 = arith.constant 0 : i32
        %dma_start3A_74 = tpu.memref_slice %arg9[%add3A_72, %dma_start3A_73] : memref<10240x128xf32, #tpu.memory_space<vmem_shared>> -> memref<128x128xf32, #tpu.memory_space<vmem_shared>>
        %dma_start3A_75 = arith.constant 0 : i32
        %dma_start3A_76 = tpu.memref_slice %arg9[%add3A_72, %dma_start3A_75] : memref<10240x128xf32, #tpu.memory_space<vmem_shared>> -> memref<128x128xf32, #tpu.memory_space<vmem_shared>>
        tpu.enqueue_dma source(%arg8 : memref<128x128xf32, #tpu.memory_space<vmem>>) target(%dma_start3A_76 : memref<128x128xf32, #tpu.memory_space<vmem_shared>>) target_semaphore(%run_scoped3A : memref<!tpu.dma_semaphore, #tpu.memory_space<semaphore_mem>>)
        %dma_wait3A = arith.constant 0 : i32
        %dma_wait3A_77 = tpu.memref_slice %arg9[%add3A_72, %dma_wait3A] : memref<10240x128xf32, #tpu.memory_space<vmem_shared>> -> memref<128x128xf32, #tpu.memory_space<vmem_shared>>
        %dma_wait3A_78 = arith.constant 0 : i32
        %dma_wait3A_79 = tpu.memref_slice %arg9[%add3A_72, %dma_wait3A_78] : memref<10240x128xf32, #tpu.memory_space<vmem_shared>> -> memref<128x128xf32, #tpu.memory_space<vmem_shared>>
        tpu.wait_dma2 semaphore(%run_scoped3A : memref<!tpu.dma_semaphore, #tpu.memory_space<semaphore_mem>>) src(%arg8 : memref<128x128xf32, #tpu.memory_space<vmem>>) dst(%dma_wait3A_79 : memref<128x128xf32, #tpu.memory_space<vmem_shared>>)
        tpu.yield
      }) : () -> ()
    }
    %scan3A_12 = arith.constant 5 : i32
    %broadcast_in_dim3A_13 = arith.constant 1.000000e+00 : f32
    %broadcast_in_dim3A_14 = vector.broadcast %broadcast_in_dim3A_13 : f32 to vector<16xf32>
    %scan3A_15 = arith.constant 0 : i32
    %scan3A_16 = arith.constant 128 : i32
    %scan3A_17 = arith.addi %scan3A_15, %scan3A_16 : i32
    %scan3A_18 = arith.constant 1 : i32
    scf.for %scan3A_65 = %scan3A_15 to %scan3A_17 step %scan3A_18  : i32 {
      %mul3A_66 = arith.constant 1 : i32
      %mul3A_67 = arith.muli %scan3A_65, %mul3A_66 : i32
      %add3A_68 = arith.constant 0 : i32
      %add3A_69 = arith.addi %add3A_68, %mul3A_67 : i32
      %swap3A = arith.index_cast %add3A_69 : i32 to index
      %swap3A_70 = arith.constant 0 : index
      %swap3A_71 = tpu.vector_load %arg8[%swap3A, %swap3A_70] {strides = array<i32>} : memref<128x128xf32, #tpu.memory_space<vmem>>, vector<1x16xf32>,
      %swap3A_72 = vector.shape_cast %swap3A_71 : vector<1x16xf32> to vector<16xf32>
      %swap3A_73 = vector.shape_cast %broadcast_in_dim3A_14 : vector<16xf32> to vector<1x16xf32>
      tpu.vector_store %arg8[%swap3A, %swap3A_70], %swap3A_73 {strides = array<i32>} : memref<128x128xf32, #tpu.memory_space<vmem>>, vector<1x16xf32>,
      %swap3A_74 = arith.index_cast %add3A_69 : i32 to index
      %swap3A_75 = arith.constant 16 : index
      %swap3A_76 = tpu.vector_load %arg8[%swap3A_74, %swap3A_75] {strides = array<i32>} : memref<128x128xf32, #tpu.memory_space<vmem>>, vector<1x16xf32>,
      %swap3A_77 = vector.shape_cast %swap3A_76 : vector<1x16xf32> to vector<16xf32>
      %swap3A_78 = vector.shape_cast %broadcast_in_dim3A_14 : vector<16xf32> to vector<1x16xf32>
      tpu.vector_store %arg8[%swap3A_74, %swap3A_75], %swap3A_78 {strides = array<i32>} : memref<128x128xf32, #tpu.memory_space<vmem>>, vector<1x16xf32>,
      %swap3A_79 = arith.index_cast %add3A_69 : i32 to index
      %swap3A_80 = arith.constant 32 : index
      %swap3A_81 = tpu.vector_load %arg8[%swap3A_79, %swap3A_80] {strides = array<i32>} : memref<128x128xf32, #tpu.memory_space<vmem>>, vector<1x16xf32>,
      %swap3A_82 = vector.shape_cast %swap3A_81 : vector<1x16xf32> to vector<16xf32>
      %swap3A_83 = vector.shape_cast %broadcast_in_dim3A_14 : vector<16xf32> to vector<1x16xf32>
      tpu.vector_store %arg8[%swap3A_79, %swap3A_80], %swap3A_83 {strides = array<i32>} : memref<128x128xf32, #tpu.memory_space<vmem>>, vector<1x16xf32>,
      %swap3A_84 = arith.index_cast %add3A_69 : i32 to index
      %swap3A_85 = arith.constant 48 : index
      %swap3A_86 = tpu.vector_load %arg8[%swap3A_84, %swap3A_85] {strides = array<i32>} : memref<128x128xf32, #tpu.memory_space<vmem>>, vector<1x16xf32>,
      %swap3A_87 = vector.shape_cast %swap3A_86 : vector<1x16xf32> to vector<16xf32>
      %swap3A_88 = vector.shape_cast %broadcast_in_dim3A_14 : vector<16xf32> to vector<1x16xf32>
      tpu.vector_store %arg8[%swap3A_84, %swap3A_85], %swap3A_88 {strides = array<i32>} : memref<128x128xf32, #tpu.memory_space<vmem>>, vector<1x16xf32>,
      %swap3A_89 = arith.index_cast %add3A_69 : i32 to index
      %swap3A_90 = arith.constant 64 : index
      %swap3A_91 = tpu.vector_load %arg8[%swap3A_89, %swap3A_90] {strides = array<i32>} : memref<128x128xf32, #tpu.memory_space<vmem>>, vector<1x16xf32>,
      %swap3A_92 = vector.shape_cast %swap3A_91 : vector<1x16xf32> to vector<16xf32>
      %swap3A_93 = vector.shape_cast %broadcast_in_dim3A_14 : vector<16xf32> to vector<1x16xf32>
      tpu.vector_store %arg8[%swap3A_89, %swap3A_90], %swap3A_93 {strides = array<i32>} : memref<128x128xf32, #tpu.memory_space<vmem>>, vector<1x16xf32>,
      %swap3A_94 = arith.index_cast %add3A_69 : i32 to index
      %swap3A_95 = arith.constant 80 : index
      %swap3A_96 = tpu.vector_load %arg8[%swap3A_94, %swap3A_95] {strides = array<i32>} : memref<128x128xf32, #tpu.memory_space<vmem>>, vector<1x16xf32>,
      %swap3A_97 = vector.shape_cast %swap3A_96 : vector<1x16xf32> to vector<16xf32>
      %swap3A_98 = vector.shape_cast %broadcast_in_dim3A_14 : vector<16xf32> to vector<1x16xf32>
      tpu.vector_store %arg8[%swap3A_94, %swap3A_95], %swap3A_98 {strides = array<i32>} : memref<128x128xf32, #tpu.memory_space<vmem>>, vector<1x16xf32>,
      %swap3A_99 = arith.index_cast %add3A_69 : i32 to index
      %swap3A_100 = arith.constant 96 : index
      %swap3A_101 = tpu.vector_load %arg8[%swap3A_99, %swap3A_100] {strides = array<i32>} : memref<128x128xf32, #tpu.memory_space<vmem>>, vector<1x16xf32>,
      %swap3A_102 = vector.shape_cast %swap3A_101 : vector<1x16xf32> to vector<16xf32>
      %swap3A_103 = vector.shape_cast %broadcast_in_dim3A_14 : vector<16xf32> to vector<1x16xf32>
      tpu.vector_store %arg8[%swap3A_99, %swap3A_100], %swap3A_103 {strides = array<i32>} : memref<128x128xf32, #tpu.memory_space<vmem>>, vector<1x16xf32>,
      %swap3A_104 = arith.index_cast %add3A_69 : i32 to index
      %swap3A_105 = arith.constant 112 : index
      %swap3A_106 = tpu.vector_load %arg8[%swap3A_104, %swap3A_105] {strides = array<i32>} : memref<128x128xf32, #tpu.memory_space<vmem>>, vector<1x16xf32>,
      %swap3A_107 = vector.shape_cast %swap3A_106 : vector<1x16xf32> to vector<16xf32>
      %swap3A_108 = vector.shape_cast %broadcast_in_dim3A_14 : vector<16xf32> to vector<1x16xf32>
      tpu.vector_store %arg8[%swap3A_104, %swap3A_105], %swap3A_108 {strides = array<i32>} : memref<128x128xf32, #tpu.memory_space<vmem>>, vector<1x16xf32>,
    }
    %scan3A_19 = arith.constant 128 : i32
    %add3A_20 = arith.constant 0 : i32
    %add3A_21 = arith.addi %add3A, %add3A_20 : i32
    %dma_start3A = arith.constant 0 : i32
    %dma_start3A_22 = arith.constant 0 : i32
    %dma_start3A_23 = tpu.memref_slice %arg2[%add3A_21, %dma_start3A, %dma_start3A_22] : memref<2560x2x128xi32, #tpu.memory_space<hbm>> -> memref<1x2x128xi32, #tpu.memory_space<hbm>>
    %dma_start3A_24 = tpu.memref_squeeze %dma_start3A_23 : memref<1x2x128xi32, #tpu.memory_space<hbm>> -> memref<2x128xi32, #tpu.memory_space<hbm>>
    %dma_start3A_25 = arith.constant 0 : i32
    %dma_start3A_26 = arith.constant 0 : i32
    %dma_start3A_27 = tpu.memref_slice %arg2[%add3A_21, %dma_start3A_25, %dma_start3A_26] : memref<2560x2x128xi32, #tpu.memory_space<hbm>> -> memref<1x2x128xi32, #tpu.memory_space<hbm>>
    %dma_start3A_28 = tpu.memref_squeeze %dma_start3A_27 : memref<1x2x128xi32, #tpu.memory_space<hbm>> -> memref<2x128xi32, #tpu.memory_space<hbm>>
    tpu.enqueue_dma source(%dma_start3A_28 : memref<2x128xi32, #tpu.memory_space<hbm>>) target(%arg4 : memref<2x128xi32, #tpu.memory_space<vmem>>) target_semaphore(%arg10 : memref<!tpu.dma_semaphore, #tpu.memory_space<semaphore_mem>>)
    %add3A_29 = arith.constant 32 : i32
    %add3A_30 = arith.addi %add3A, %add3A_29 : i32
    %dma_start3A_31 = arith.constant 0 : i32
    %dma_start3A_32 = arith.constant 0 : i32
    %dma_start3A_33 = tpu.memref_slice %arg2[%add3A_30, %dma_start3A_31, %dma_start3A_32] : memref<2560x2x128xi32, #tpu.memory_space<hbm>> -> memref<1x2x128xi32, #tpu.memory_space<hbm>>
    %dma_start3A_34 = tpu.memref_squeeze %dma_start3A_33 : memref<1x2x128xi32, #tpu.memory_space<hbm>> -> memref<2x128xi32, #tpu.memory_space<hbm>>
    %dma_start3A_35 = arith.constant 0 : i32
    %dma_start3A_36 = arith.constant 0 : i32
    %dma_start3A_37 = tpu.memref_slice %arg2[%add3A_30, %dma_start3A_35, %dma_start3A_36] : memref<2560x2x128xi32, #tpu.memory_space<hbm>> -> memref<1x2x128xi32, #tpu.memory_space<hbm>>
    %dma_start3A_38 = tpu.memref_squeeze %dma_start3A_37 : memref<1x2x128xi32, #tpu.memory_space<hbm>> -> memref<2x128xi32, #tpu.memory_space<hbm>>
    tpu.enqueue_dma source(%dma_start3A_38 : memref<2x128xi32, #tpu.memory_space<hbm>>) target(%arg5 : memref<2x128xi32, #tpu.memory_space<vmem>>) target_semaphore(%arg11 : memref<!tpu.dma_semaphore, #tpu.memory_space<semaphore_mem>>)
    %add3A_39 = arith.constant 64 : i32
    %add3A_40 = arith.addi %add3A, %add3A_39 : i32
    %dma_start3A_41 = arith.constant 0 : i32
    %dma_start3A_42 = arith.constant 0 : i32
    %dma_start3A_43 = tpu.memref_slice %arg2[%add3A_40, %dma_start3A_41, %dma_start3A_42] : memref<2560x2x128xi32, #tpu.memory_space<hbm>> -> memref<1x2x128xi32, #tpu.memory_space<hbm>>
    %dma_start3A_44 = tpu.memref_squeeze %dma_start3A_43 : memref<1x2x128xi32, #tpu.memory_space<hbm>> -> memref<2x128xi32, #tpu.memory_space<hbm>>
    %dma_start3A_45 = arith.constant 0 : i32
    %dma_start3A_46 = arith.constant 0 : i32
    %dma_start3A_47 = tpu.memref_slice %arg2[%add3A_40, %dma_start3A_45, %dma_start3A_46] : memref<2560x2x128xi32, #tpu.memory_space<hbm>> -> memref<1x2x128xi32, #tpu.memory_space<hbm>>
    %dma_start3A_48 = tpu.memref_squeeze %dma_start3A_47 : memref<1x2x128xi32, #tpu.memory_space<hbm>> -> memref<2x128xi32, #tpu.memory_space<hbm>>
    tpu.enqueue_dma source(%dma_start3A_48 : memref<2x128xi32, #tpu.memory_space<hbm>>) target(%arg6 : memref<2x128xi32, #tpu.memory_space<vmem>>) target_semaphore(%arg12 : memref<!tpu.dma_semaphore, #tpu.memory_space<semaphore_mem>>)
    %add3A_49 = arith.constant 96 : i32
    %add3A_50 = arith.addi %add3A, %add3A_49 : i32
    %dma_start3A_51 = arith.constant 0 : i32
    %dma_start3A_52 = arith.constant 0 : i32
    %dma_start3A_53 = tpu.memref_slice %arg2[%add3A_50, %dma_start3A_51, %dma_start3A_52] : memref<2560x2x128xi32, #tpu.memory_space<hbm>> -> memref<1x2x128xi32, #tpu.memory_space<hbm>>
    %dma_start3A_54 = tpu.memref_squeeze %dma_start3A_53 : memref<1x2x128xi32, #tpu.memory_space<hbm>> -> memref<2x128xi32, #tpu.memory_space<hbm>>
    %dma_start3A_55 = arith.constant 0 : i32
    %dma_start3A_56 = arith.constant 0 : i32
    %dma_start3A_57 = tpu.memref_slice %arg2[%add3A_50, %dma_start3A_55, %dma_start3A_56] : memref<2560x2x128xi32, #tpu.memory_space<hbm>> -> memref<1x2x128xi32, #tpu.memory_space<hbm>>
    %dma_start3A_58 = tpu.memref_squeeze %dma_start3A_57 : memref<1x2x128xi32, #tpu.memory_space<hbm>> -> memref<2x128xi32, #tpu.memory_space<hbm>>
    tpu.enqueue_dma source(%dma_start3A_58 : memref<2x128xi32, #tpu.memory_space<hbm>>) target(%arg7 : memref<2x128xi32, #tpu.memory_space<vmem>>) target_semaphore(%arg13 : memref<!tpu.dma_semaphore, #tpu.memory_space<semaphore_mem>>)
    %barrier3A = arith.constant 0 : index
    tpu.barrier barrier_id(%barrier3A)
    %scan3A_59 = arith.constant 0 : i32
    %scan3A_60 = arith.constant 20 : i32
    %scan3A_61 = arith.addi %scan3A_59, %scan3A_60 : i32
    %scan3A_62 = arith.constant 1 : i32
    scf.for %scan3A_65 = %scan3A_59 to %scan3A_61 step %scan3A_62  : i32 {
      %mul3A_66 = arith.constant 4 : i32
      %mul3A_67 = arith.muli %scan3A_65, %mul3A_66 : i32
      %add3A_68 = arith.constant 0 : i32
      %add3A_69 = arith.addi %add3A_68, %mul3A_67 : i32
      %add3A_70 = arith.constant 0 : i32
      %add3A_71 = arith.addi %add3A_69, %add3A_70 : i32
      %dma_wait3A = arith.constant 0 : i32
      %dma_wait3A_72 = arith.constant 0 : i32
      %dma_wait3A_73 = tpu.memref_slice %arg2[%add3A, %dma_wait3A, %dma_wait3A_72] : memref<2560x2x128xi32, #tpu.memory_space<hbm>> -> memref<1x2x128xi32, #tpu.memory_space<hbm>>
      %dma_wait3A_74 = tpu.memref_squeeze %dma_wait3A_73 : memref<1x2x128xi32, #tpu.memory_space<hbm>> -> memref<2x128xi32, #tpu.memory_space<hbm>>
      %dma_wait3A_75 = arith.constant 0 : i32
      %dma_wait3A_76 = arith.constant 0 : i32
      %dma_wait3A_77 = tpu.memref_slice %arg2[%add3A, %dma_wait3A_75, %dma_wait3A_76] : memref<2560x2x128xi32, #tpu.memory_space<hbm>> -> memref<1x2x128xi32, #tpu.memory_space<hbm>>
      %dma_wait3A_78 = tpu.memref_squeeze %dma_wait3A_77 : memref<1x2x128xi32, #tpu.memory_space<hbm>> -> memref<2x128xi32, #tpu.memory_space<hbm>>
      tpu.wait_dma2 semaphore(%arg10 : memref<!tpu.dma_semaphore, #tpu.memory_space<semaphore_mem>>) src(%dma_wait3A_78 : memref<2x128xi32, #tpu.memory_space<hbm>>) dst(%arg4 : memref<2x128xi32, #tpu.memory_space<vmem>>)
      %run_scoped3A = arith.constant 1 : i32
      "tpu.region"() ({
        %run_scoped3A_137 = tpu.sem_alloc : memref<!tpu.dma_semaphore, #tpu.memory_space<semaphore_mem>>
        %dma_start3A_138 = arith.constant 0 : i32
        %dma_start3A_139 = tpu.memref_slice %arg4[%run_scoped3A, %dma_start3A_138] : memref<2x128xi32, #tpu.memory_space<vmem>> -> memref<1x128xi32, #tpu.memory_space<vmem>>
        %dma_start3A_140 = tpu.memref_squeeze %dma_start3A_139 : memref<1x128xi32, #tpu.memory_space<vmem>> -> memref<128xi32, #tpu.memory_space<vmem>>
        %dma_start3A_141 = arith.constant 0 : i32
        %dma_start3A_142 = arith.constant 0 : i32
        %dma_start3A_143 = tpu.memref_slice %arg9[%dma_start3A_141, %dma_start3A_142] : memref<10240x128xf32, #tpu.memory_space<vmem_shared>> -> memref<10240x128xf32, #tpu.memory_space<vmem_shared>>
        tpu.enqueue_indirect_dma source(%arg8 : memref<128x128xf32, #tpu.memory_space<vmem>>) target(%dma_start3A_143 : memref<10240x128xf32, #tpu.memory_space<vmem_shared>>) offsets(%dma_start3A_140 : memref<128xi32, #tpu.memory_space<vmem>>) semaphore(%run_scoped3A_137 : memref<!tpu.dma_semaphore, #tpu.memory_space<semaphore_mem>>) {add = true}
        %dma_wait3A_144 = arith.constant 0 : i32
        %dma_wait3A_145 = tpu.memref_slice %arg4[%run_scoped3A, %dma_wait3A_144] : memref<2x128xi32, #tpu.memory_space<vmem>> -> memref<1x128xi32, #tpu.memory_space<vmem>>
        %dma_wait3A_146 = tpu.memref_squeeze %dma_wait3A_145 : memref<1x128xi32, #tpu.memory_space<vmem>> -> memref<128xi32, #tpu.memory_space<vmem>>
        %dma_wait3A_147 = arith.constant 0 : i32
        %dma_wait3A_148 = arith.constant 0 : i32
        %dma_wait3A_149 = tpu.memref_slice %arg9[%dma_wait3A_147, %dma_wait3A_148] : memref<10240x128xf32, #tpu.memory_space<vmem_shared>> -> memref<10240x128xf32, #tpu.memory_space<vmem_shared>>
        tpu.wait_indirect_dma semaphore(%run_scoped3A_137 : memref<!tpu.dma_semaphore, #tpu.memory_space<semaphore_mem>>) src(%arg8 : memref<128x128xf32, #tpu.memory_space<vmem>>) dst(%dma_wait3A_149 : memref<10240x128xf32, #tpu.memory_space<vmem_shared>>)
        tpu.yield
      }) : () -> ()
      %add3A_79 = arith.constant 4 : i32
      %add3A_80 = arith.addi %add3A_71, %add3A_79 : i32
      %lt3A = arith.constant 80 : i32
      %lt3A_81 = arith.cmpi slt, %add3A_80, %lt3A : i32
      %convert_element_type3A = arith.extui %lt3A_81 : i1 to i32
      %cond3A = arith.constant 0 : i32
      %cond3A_82 = arith.cmpi ne, %convert_element_type3A, %cond3A : i32
      scf.if %cond3A_82 {
        %add3A_137 = arith.constant 4 : i32
        %add3A_138 = arith.addi %add3A_71, %add3A_137 : i32
        %mul3A_139 = arith.constant 32 : i32
        %mul3A_140 = arith.muli %add3A_138, %mul3A_139 : i32
        %add3A_141 = arith.addi %add3A, %mul3A_140 : i32
        %dma_start3A_142 = arith.constant 0 : i32
        %dma_start3A_143 = arith.constant 0 : i32
        %dma_start3A_144 = tpu.memref_slice %arg2[%add3A_141, %dma_start3A_142, %dma_start3A_143] : memref<2560x2x128xi32, #tpu.memory_space<hbm>> -> memref<1x2x128xi32, #tpu.memory_space<hbm>>
        %dma_start3A_145 = tpu.memref_squeeze %dma_start3A_144 : memref<1x2x128xi32, #tpu.memory_space<hbm>> -> memref<2x128xi32, #tpu.memory_space<hbm>>
        %dma_start3A_146 = arith.constant 0 : i32
        %dma_start3A_147 = arith.constant 0 : i32
        %dma_start3A_148 = tpu.memref_slice %arg2[%add3A_141, %dma_start3A_146, %dma_start3A_147] : memref<2560x2x128xi32, #tpu.memory_space<hbm>> -> memref<1x2x128xi32, #tpu.memory_space<hbm>>
        %dma_start3A_149 = tpu.memref_squeeze %dma_start3A_148 : memref<1x2x128xi32, #tpu.memory_space<hbm>> -> memref<2x128xi32, #tpu.memory_space<hbm>>
        tpu.enqueue_dma source(%dma_start3A_149 : memref<2x128xi32, #tpu.memory_space<hbm>>) target(%arg4 : memref<2x128xi32, #tpu.memory_space<vmem>>) target_semaphore(%arg10 : memref<!tpu.dma_semaphore, #tpu.memory_space<semaphore_mem>>)
      } else {
      }
      %add3A_83 = arith.constant 1 : i32
      %add3A_84 = arith.addi %add3A_69, %add3A_83 : i32
      %dma_wait3A_85 = arith.constant 0 : i32
      %dma_wait3A_86 = arith.constant 0 : i32
      %dma_wait3A_87 = tpu.memref_slice %arg2[%add3A, %dma_wait3A_85, %dma_wait3A_86] : memref<2560x2x128xi32, #tpu.memory_space<hbm>> -> memref<1x2x128xi32, #tpu.memory_space<hbm>>
      %dma_wait3A_88 = tpu.memref_squeeze %dma_wait3A_87 : memref<1x2x128xi32, #tpu.memory_space<hbm>> -> memref<2x128xi32, #tpu.memory_space<hbm>>
      %dma_wait3A_89 = arith.constant 0 : i32
      %dma_wait3A_90 = arith.constant 0 : i32
      %dma_wait3A_91 = tpu.memref_slice %arg2[%add3A, %dma_wait3A_89, %dma_wait3A_90] : memref<2560x2x128xi32, #tpu.memory_space<hbm>> -> memref<1x2x128xi32, #tpu.memory_space<hbm>>
      %dma_wait3A_92 = tpu.memref_squeeze %dma_wait3A_91 : memref<1x2x128xi32, #tpu.memory_space<hbm>> -> memref<2x128xi32, #tpu.memory_space<hbm>>
      tpu.wait_dma2 semaphore(%arg11 : memref<!tpu.dma_semaphore, #tpu.memory_space<semaphore_mem>>) src(%dma_wait3A_92 : memref<2x128xi32, #tpu.memory_space<hbm>>) dst(%arg5 : memref<2x128xi32, #tpu.memory_space<vmem>>)
      %run_scoped3A_93 = arith.constant 1 : i32
      "tpu.region"() ({
        %run_scoped3A_137 = tpu.sem_alloc : memref<!tpu.dma_semaphore, #tpu.memory_space<semaphore_mem>>
        %dma_start3A_138 = arith.constant 0 : i32
        %dma_start3A_139 = tpu.memref_slice %arg5[%run_scoped3A_93, %dma_start3A_138] : memref<2x128xi32, #tpu.memory_space<vmem>> -> memref<1x128xi32, #tpu.memory_space<vmem>>
        %dma_start3A_140 = tpu.memref_squeeze %dma_start3A_139 : memref<1x128xi32, #tpu.memory_space<vmem>> -> memref<128xi32, #tpu.memory_space<vmem>>
        %dma_start3A_141 = arith.constant 0 : i32
        %dma_start3A_142 = arith.constant 0 : i32
        %dma_start3A_143 = tpu.memref_slice %arg9[%dma_start3A_141, %dma_start3A_142] : memref<10240x128xf32, #tpu.memory_space<vmem_shared>> -> memref<10240x128xf32, #tpu.memory_space<vmem_shared>>
        tpu.enqueue_indirect_dma source(%arg8 : memref<128x128xf32, #tpu.memory_space<vmem>>) target(%dma_start3A_143 : memref<10240x128xf32, #tpu.memory_space<vmem_shared>>) offsets(%dma_start3A_140 : memref<128xi32, #tpu.memory_space<vmem>>) semaphore(%run_scoped3A_137 : memref<!tpu.dma_semaphore, #tpu.memory_space<semaphore_mem>>) {add = true}
        %dma_wait3A_144 = arith.constant 0 : i32
        %dma_wait3A_145 = tpu.memref_slice %arg5[%run_scoped3A_93, %dma_wait3A_144] : memref<2x128xi32, #tpu.memory_space<vmem>> -> memref<1x128xi32, #tpu.memory_space<vmem>>
        %dma_wait3A_146 = tpu.memref_squeeze %dma_wait3A_145 : memref<1x128xi32, #tpu.memory_space<vmem>> -> memref<128xi32, #tpu.memory_space<vmem>>
        %dma_wait3A_147 = arith.constant 0 : i32
        %dma_wait3A_148 = arith.constant 0 : i32
        %dma_wait3A_149 = tpu.memref_slice %arg9[%dma_wait3A_147, %dma_wait3A_148] : memref<10240x128xf32, #tpu.memory_space<vmem_shared>> -> memref<10240x128xf32, #tpu.memory_space<vmem_shared>>
        tpu.wait_indirect_dma semaphore(%run_scoped3A_137 : memref<!tpu.dma_semaphore, #tpu.memory_space<semaphore_mem>>) src(%arg8 : memref<128x128xf32, #tpu.memory_space<vmem>>) dst(%dma_wait3A_149 : memref<10240x128xf32, #tpu.memory_space<vmem_shared>>)
        tpu.yield
      }) : () -> ()
      %add3A_94 = arith.constant 4 : i32
      %add3A_95 = arith.addi %add3A_84, %add3A_94 : i32
      %lt3A_96 = arith.constant 80 : i32
      %lt3A_97 = arith.cmpi slt, %add3A_95, %lt3A_96 : i32
      %convert_element_type3A_98 = arith.extui %lt3A_97 : i1 to i32
      %cond3A_99 = arith.constant 0 : i32
      %cond3A_100 = arith.cmpi ne, %convert_element_type3A_98, %cond3A_99 : i32
      scf.if %cond3A_100 {
        %add3A_137 = arith.constant 4 : i32
        %add3A_138 = arith.addi %add3A_84, %add3A_137 : i32
        %mul3A_139 = arith.constant 32 : i32
        %mul3A_140 = arith.muli %add3A_138, %mul3A_139 : i32
        %add3A_141 = arith.addi %add3A, %mul3A_140 : i32
        %dma_start3A_142 = arith.constant 0 : i32
        %dma_start3A_143 = arith.constant 0 : i32
        %dma_start3A_144 = tpu.memref_slice %arg2[%add3A_141, %dma_start3A_142, %dma_start3A_143] : memref<2560x2x128xi32, #tpu.memory_space<hbm>> -> memref<1x2x128xi32, #tpu.memory_space<hbm>>
        %dma_start3A_145 = tpu.memref_squeeze %dma_start3A_144 : memref<1x2x128xi32, #tpu.memory_space<hbm>> -> memref<2x128xi32, #tpu.memory_space<hbm>>
        %dma_start3A_146 = arith.constant 0 : i32
        %dma_start3A_147 = arith.constant 0 : i32
        %dma_start3A_148 = tpu.memref_slice %arg2[%add3A_141, %dma_start3A_146, %dma_start3A_147] : memref<2560x2x128xi32, #tpu.memory_space<hbm>> -> memref<1x2x128xi32, #tpu.memory_space<hbm>>
        %dma_start3A_149 = tpu.memref_squeeze %dma_start3A_148 : memref<1x2x128xi32, #tpu.memory_space<hbm>> -> memref<2x128xi32, #tpu.memory_space<hbm>>
        tpu.enqueue_dma source(%dma_start3A_149 : memref<2x128xi32, #tpu.memory_space<hbm>>) target(%arg5 : memref<2x128xi32, #tpu.memory_space<vmem>>) target_semaphore(%arg11 : memref<!tpu.dma_semaphore, #tpu.memory_space<semaphore_mem>>)
      } else {
      }
      %add3A_101 = arith.constant 2 : i32
      %add3A_102 = arith.addi %add3A_69, %add3A_101 : i32
      %dma_wait3A_103 = arith.constant 0 : i32
      %dma_wait3A_104 = arith.constant 0 : i32
      %dma_wait3A_105 = tpu.memref_slice %arg2[%add3A, %dma_wait3A_103, %dma_wait3A_104] : memref<2560x2x128xi32, #tpu.memory_space<hbm>> -> memref<1x2x128xi32, #tpu.memory_space<hbm>>
      %dma_wait3A_106 = tpu.memref_squeeze %dma_wait3A_105 : memref<1x2x128xi32, #tpu.memory_space<hbm>> -> memref<2x128xi32, #tpu.memory_space<hbm>>
      %dma_wait3A_107 = arith.constant 0 : i32
      %dma_wait3A_108 = arith.constant 0 : i32
      %dma_wait3A_109 = tpu.memref_slice %arg2[%add3A, %dma_wait3A_107, %dma_wait3A_108] : memref<2560x2x128xi32, #tpu.memory_space<hbm>> -> memref<1x2x128xi32, #tpu.memory_space<hbm>>
      %dma_wait3A_110 = tpu.memref_squeeze %dma_wait3A_109 : memref<1x2x128xi32, #tpu.memory_space<hbm>> -> memref<2x128xi32, #tpu.memory_space<hbm>>
      tpu.wait_dma2 semaphore(%arg12 : memref<!tpu.dma_semaphore, #tpu.memory_space<semaphore_mem>>) src(%dma_wait3A_110 : memref<2x128xi32, #tpu.memory_space<hbm>>) dst(%arg6 : memref<2x128xi32, #tpu.memory_space<vmem>>)
      %run_scoped3A_111 = arith.constant 1 : i32
      "tpu.region"() ({
        %run_scoped3A_137 = tpu.sem_alloc : memref<!tpu.dma_semaphore, #tpu.memory_space<semaphore_mem>>
        %dma_start3A_138 = arith.constant 0 : i32
        %dma_start3A_139 = tpu.memref_slice %arg6[%run_scoped3A_111, %dma_start3A_138] : memref<2x128xi32, #tpu.memory_space<vmem>> -> memref<1x128xi32, #tpu.memory_space<vmem>>
        %dma_start3A_140 = tpu.memref_squeeze %dma_start3A_139 : memref<1x128xi32, #tpu.memory_space<vmem>> -> memref<128xi32, #tpu.memory_space<vmem>>
        %dma_start3A_141 = arith.constant 0 : i32
        %dma_start3A_142 = arith.constant 0 : i32
        %dma_start3A_143 = tpu.memref_slice %arg9[%dma_start3A_141, %dma_start3A_142] : memref<10240x128xf32, #tpu.memory_space<vmem_shared>> -> memref<10240x128xf32, #tpu.memory_space<vmem_shared>>
        tpu.enqueue_indirect_dma source(%arg8 : memref<128x128xf32, #tpu.memory_space<vmem>>) target(%dma_start3A_143 : memref<10240x128xf32, #tpu.memory_space<vmem_shared>>) offsets(%dma_start3A_140 : memref<128xi32, #tpu.memory_space<vmem>>) semaphore(%run_scoped3A_137 : memref<!tpu.dma_semaphore, #tpu.memory_space<semaphore_mem>>) {add = true}
        %dma_wait3A_144 = arith.constant 0 : i32
        %dma_wait3A_145 = tpu.memref_slice %arg6[%run_scoped3A_111, %dma_wait3A_144] : memref<2x128xi32, #tpu.memory_space<vmem>> -> memref<1x128xi32, #tpu.memory_space<vmem>>
        %dma_wait3A_146 = tpu.memref_squeeze %dma_wait3A_145 : memref<1x128xi32, #tpu.memory_space<vmem>> -> memref<128xi32, #tpu.memory_space<vmem>>
        %dma_wait3A_147 = arith.constant 0 : i32
        %dma_wait3A_148 = arith.constant 0 : i32
        %dma_wait3A_149 = tpu.memref_slice %arg9[%dma_wait3A_147, %dma_wait3A_148] : memref<10240x128xf32, #tpu.memory_space<vmem_shared>> -> memref<10240x128xf32, #tpu.memory_space<vmem_shared>>
        tpu.wait_indirect_dma semaphore(%run_scoped3A_137 : memref<!tpu.dma_semaphore, #tpu.memory_space<semaphore_mem>>) src(%arg8 : memref<128x128xf32, #tpu.memory_space<vmem>>) dst(%dma_wait3A_149 : memref<10240x128xf32, #tpu.memory_space<vmem_shared>>)
        tpu.yield
      }) : () -> ()
      %add3A_112 = arith.constant 4 : i32
      %add3A_113 = arith.addi %add3A_102, %add3A_112 : i32
      %lt3A_114 = arith.constant 80 : i32
      %lt3A_115 = arith.cmpi slt, %add3A_113, %lt3A_114 : i32
      %convert_element_type3A_116 = arith.extui %lt3A_115 : i1 to i32
      %cond3A_117 = arith.constant 0 : i32
      %cond3A_118 = arith.cmpi ne, %convert_element_type3A_116, %cond3A_117 : i32
      scf.if %cond3A_118 {
        %add3A_137 = arith.constant 4 : i32
        %add3A_138 = arith.addi %add3A_102, %add3A_137 : i32
        %mul3A_139 = arith.constant 32 : i32
        %mul3A_140 = arith.muli %add3A_138, %mul3A_139 : i32
        %add3A_141 = arith.addi %add3A, %mul3A_140 : i32
        %dma_start3A_142 = arith.constant 0 : i32
        %dma_start3A_143 = arith.constant 0 : i32
        %dma_start3A_144 = tpu.memref_slice %arg2[%add3A_141, %dma_start3A_142, %dma_start3A_143] : memref<2560x2x128xi32, #tpu.memory_space<hbm>> -> memref<1x2x128xi32, #tpu.memory_space<hbm>>
        %dma_start3A_145 = tpu.memref_squeeze %dma_start3A_144 : memref<1x2x128xi32, #tpu.memory_space<hbm>> -> memref<2x128xi32, #tpu.memory_space<hbm>>
        %dma_start3A_146 = arith.constant 0 : i32
        %dma_start3A_147 = arith.constant 0 : i32
        %dma_start3A_148 = tpu.memref_slice %arg2[%add3A_141, %dma_start3A_146, %dma_start3A_147] : memref<2560x2x128xi32, #tpu.memory_space<hbm>> -> memref<1x2x128xi32, #tpu.memory_space<hbm>>
        %dma_start3A_149 = tpu.memref_squeeze %dma_start3A_148 : memref<1x2x128xi32, #tpu.memory_space<hbm>> -> memref<2x128xi32, #tpu.memory_space<hbm>>
        tpu.enqueue_dma source(%dma_start3A_149 : memref<2x128xi32, #tpu.memory_space<hbm>>) target(%arg6 : memref<2x128xi32, #tpu.memory_space<vmem>>) target_semaphore(%arg12 : memref<!tpu.dma_semaphore, #tpu.memory_space<semaphore_mem>>)
      } else {
      }
      %add3A_119 = arith.constant 3 : i32
      %add3A_120 = arith.addi %add3A_69, %add3A_119 : i32
      %dma_wait3A_121 = arith.constant 0 : i32
      %dma_wait3A_122 = arith.constant 0 : i32
      %dma_wait3A_123 = tpu.memref_slice %arg2[%add3A, %dma_wait3A_121, %dma_wait3A_122] : memref<2560x2x128xi32, #tpu.memory_space<hbm>> -> memref<1x2x128xi32, #tpu.memory_space<hbm>>
      %dma_wait3A_124 = tpu.memref_squeeze %dma_wait3A_123 : memref<1x2x128xi32, #tpu.memory_space<hbm>> -> memref<2x128xi32, #tpu.memory_space<hbm>>
      %dma_wait3A_125 = arith.constant 0 : i32
      %dma_wait3A_126 = arith.constant 0 : i32
      %dma_wait3A_127 = tpu.memref_slice %arg2[%add3A, %dma_wait3A_125, %dma_wait3A_126] : memref<2560x2x128xi32, #tpu.memory_space<hbm>> -> memref<1x2x128xi32, #tpu.memory_space<hbm>>
      %dma_wait3A_128 = tpu.memref_squeeze %dma_wait3A_127 : memref<1x2x128xi32, #tpu.memory_space<hbm>> -> memref<2x128xi32, #tpu.memory_space<hbm>>
      tpu.wait_dma2 semaphore(%arg13 : memref<!tpu.dma_semaphore, #tpu.memory_space<semaphore_mem>>) src(%dma_wait3A_128 : memref<2x128xi32, #tpu.memory_space<hbm>>) dst(%arg7 : memref<2x128xi32, #tpu.memory_space<vmem>>)
      %run_scoped3A_129 = arith.constant 1 : i32
      "tpu.region"() ({
        %run_scoped3A_137 = tpu.sem_alloc : memref<!tpu.dma_semaphore, #tpu.memory_space<semaphore_mem>>
        %dma_start3A_138 = arith.constant 0 : i32
        %dma_start3A_139 = tpu.memref_slice %arg7[%run_scoped3A_129, %dma_start3A_138] : memref<2x128xi32, #tpu.memory_space<vmem>> -> memref<1x128xi32, #tpu.memory_space<vmem>>
        %dma_start3A_140 = tpu.memref_squeeze %dma_start3A_139 : memref<1x128xi32, #tpu.memory_space<vmem>> -> memref<128xi32, #tpu.memory_space<vmem>>
        %dma_start3A_141 = arith.constant 0 : i32
        %dma_start3A_142 = arith.constant 0 : i32
        %dma_start3A_143 = tpu.memref_slice %arg9[%dma_start3A_141, %dma_start3A_142] : memref<10240x128xf32, #tpu.memory_space<vmem_shared>> -> memref<10240x128xf32, #tpu.memory_space<vmem_shared>>
        tpu.enqueue_indirect_dma source(%arg8 : memref<128x128xf32, #tpu.memory_space<vmem>>) target(%dma_start3A_143 : memref<10240x128xf32, #tpu.memory_space<vmem_shared>>) offsets(%dma_start3A_140 : memref<128xi32, #tpu.memory_space<vmem>>) semaphore(%run_scoped3A_137 : memref<!tpu.dma_semaphore, #tpu.memory_space<semaphore_mem>>) {add = true}
        %dma_wait3A_144 = arith.constant 0 : i32
        %dma_wait3A_145 = tpu.memref_slice %arg7[%run_scoped3A_129, %dma_wait3A_144] : memref<2x128xi32, #tpu.memory_space<vmem>> -> memref<1x128xi32, #tpu.memory_space<vmem>>
        %dma_wait3A_146 = tpu.memref_squeeze %dma_wait3A_145 : memref<1x128xi32, #tpu.memory_space<vmem>> -> memref<128xi32, #tpu.memory_space<vmem>>
        %dma_wait3A_147 = arith.constant 0 : i32
        %dma_wait3A_148 = arith.constant 0 : i32
        %dma_wait3A_149 = tpu.memref_slice %arg9[%dma_wait3A_147, %dma_wait3A_148] : memref<10240x128xf32, #tpu.memory_space<vmem_shared>> -> memref<10240x128xf32, #tpu.memory_space<vmem_shared>>
        tpu.wait_indirect_dma semaphore(%run_scoped3A_137 : memref<!tpu.dma_semaphore, #tpu.memory_space<semaphore_mem>>) src(%arg8 : memref<128x128xf32, #tpu.memory_space<vmem>>) dst(%dma_wait3A_149 : memref<10240x128xf32, #tpu.memory_space<vmem_shared>>)
        tpu.yield
      }) : () -> ()
      %add3A_130 = arith.constant 4 : i32
      %add3A_131 = arith.addi %add3A_120, %add3A_130 : i32
      %lt3A_132 = arith.constant 80 : i32
      %lt3A_133 = arith.cmpi slt, %add3A_131, %lt3A_132 : i32
      %convert_element_type3A_134 = arith.extui %lt3A_133 : i1 to i32
      %cond3A_135 = arith.constant 0 : i32
      %cond3A_136 = arith.cmpi ne, %convert_element_type3A_134, %cond3A_135 : i32
      scf.if %cond3A_136 {
        %add3A_137 = arith.constant 4 : i32
        %add3A_138 = arith.addi %add3A_120, %add3A_137 : i32
        %mul3A_139 = arith.constant 32 : i32
        %mul3A_140 = arith.muli %add3A_138, %mul3A_139 : i32
        %add3A_141 = arith.addi %add3A, %mul3A_140 : i32
        %dma_start3A_142 = arith.constant 0 : i32
        %dma_start3A_143 = arith.constant 0 : i32
        %dma_start3A_144 = tpu.memref_slice %arg2[%add3A_141, %dma_start3A_142, %dma_start3A_143] : memref<2560x2x128xi32, #tpu.memory_space<hbm>> -> memref<1x2x128xi32, #tpu.memory_space<hbm>>
        %dma_start3A_145 = tpu.memref_squeeze %dma_start3A_144 : memref<1x2x128xi32, #tpu.memory_space<hbm>> -> memref<2x128xi32, #tpu.memory_space<hbm>>
        %dma_start3A_146 = arith.constant 0 : i32
        %dma_start3A_147 = arith.constant 0 : i32
        %dma_start3A_148 = tpu.memref_slice %arg2[%add3A_141, %dma_start3A_146, %dma_start3A_147] : memref<2560x2x128xi32, #tpu.memory_space<hbm>> -> memref<1x2x128xi32, #tpu.memory_space<hbm>>
        %dma_start3A_149 = tpu.memref_squeeze %dma_start3A_148 : memref<1x2x128xi32, #tpu.memory_space<hbm>> -> memref<2x128xi32, #tpu.memory_space<hbm>>
        tpu.enqueue_dma source(%dma_start3A_149 : memref<2x128xi32, #tpu.memory_space<hbm>>) target(%arg7 : memref<2x128xi32, #tpu.memory_space<vmem>>) target_semaphore(%arg13 : memref<!tpu.dma_semaphore, #tpu.memory_space<semaphore_mem>>)
      } else {
      }
    }
    %scan3A_63 = arith.constant 20 : i32
    %barrier3A_64 = arith.constant 0 : index
    tpu.barrier barrier_id(%barrier3A_64)
    "tpu.region"() ({
      %run_scoped3A = tpu.sem_alloc : memref<!tpu.dma_semaphore, #tpu.memory_space<semaphore_mem>>
      %dma_start3A_65 = arith.constant 0 : i32
      %dma_start3A_66 = tpu.memref_slice %arg3[%arg0, %mul3A_2, %dma_start3A_65] : memref<2x10240x128xf32, #tpu.memory_space<hbm>> -> memref<1x640x128xf32, #tpu.memory_space<hbm>>
      %dma_start3A_67 = tpu.memref_squeeze %dma_start3A_66 : memref<1x640x128xf32, #tpu.memory_space<hbm>> -> memref<640x128xf32, #tpu.memory_space<hbm>>
      %dma_start3A_68 = arith.constant 0 : i32
      %dma_start3A_69 = tpu.memref_slice %arg9[%mul3A_2, %dma_start3A_68] : memref<10240x128xf32, #tpu.memory_space<vmem_shared>> -> memref<640x128xf32, #tpu.memory_space<vmem_shared>>
      tpu.enqueue_dma source(%dma_start3A_69 : memref<640x128xf32, #tpu.memory_space<vmem_shared>>) target(%dma_start3A_67 : memref<640x128xf32, #tpu.memory_space<hbm>>) target_semaphore(%run_scoped3A : memref<!tpu.dma_semaphore, #tpu.memory_space<semaphore_mem>>)
      %dma_wait3A = arith.constant 0 : i32
      %dma_wait3A_70 = tpu.memref_slice %arg3[%arg0, %mul3A_2, %dma_wait3A] : memref<2x10240x128xf32, #tpu.memory_space<hbm>> -> memref<1x640x128xf32, #tpu.memory_space<hbm>>
      %dma_wait3A_71 = tpu.memref_squeeze %dma_wait3A_70 : memref<1x640x128xf32, #tpu.memory_space<hbm>> -> memref<640x128xf32, #tpu.memory_space<hbm>>
      %dma_wait3A_72 = arith.constant 0 : i32
      %dma_wait3A_73 = tpu.memref_slice %arg9[%mul3A_2, %dma_wait3A_72] : memref<10240x128xf32, #tpu.memory_space<vmem_shared>> -> memref<640x128xf32, #tpu.memory_space<vmem_shared>>
      tpu.wait_dma2 semaphore(%run_scoped3A : memref<!tpu.dma_semaphore, #tpu.memory_space<semaphore_mem>>) src(%dma_wait3A_73 : memref<640x128xf32, #tpu.memory_space<vmem_shared>>) dst(%dma_wait3A_71 : memref<640x128xf32, #tpu.memory_space<hbm>>)
      tpu.yield
    }) : () -> ()
    return
  }
}

#map = affine_map<(d0, d1) -> (0, 0)>
#map1 = affine_map<(d0, d1) -> (0, 0, 0)>
module attributes {stable_mosaic.version = 14 : i64} {
  func.func @_hop_kernel(%arg0: i32, %arg1: i32, %arg2: memref<10240x128xf32, #tpu.memory_space<hbm>>, %arg3: memref<2560x2x128xi32, #tpu.memory_space<hbm>>, %arg4: memref<2x10240x128xf32, #tpu.memory_space<hbm>>, %arg5: memref<2x128xi32, #tpu.memory_space<vmem>>, %arg6: memref<2x128xi32, #tpu.memory_space<vmem>>, %arg7: memref<2x128xi32, #tpu.memory_space<vmem>>, %arg8: memref<2x128xi32, #tpu.memory_space<vmem>>, %arg9: memref<128x128xf32, #tpu.memory_space<vmem>>, %arg10: memref<128x128xf32, #tpu.memory_space<vmem>>, %arg11: memref<10240x128xf32, #tpu.memory_space<vmem_shared>>, %arg12: memref<!tpu.dma_semaphore, #tpu.memory_space<semaphore_mem>>, %arg13: memref<!tpu.dma_semaphore, #tpu.memory_space<semaphore_mem>>, %arg14: memref<!tpu.dma_semaphore, #tpu.memory_space<semaphore_mem>>, %arg15: memref<!tpu.dma_semaphore, #tpu.memory_space<semaphore_mem>>, %arg16: memref<!tpu.dma_semaphore, #tpu.memory_space<semaphore_mem>>, %arg17: memref<!tpu.dma_semaphore, #tpu.memory_space<semaphore_mem>>) attributes {dimension_semantics = [#tpu.dimension_semantics<core_parallel>, #tpu.dimension_semantics<subcore_parallel>], iteration_bounds = array<i64: 2, 16>, scalar_prefetch = 0 : i64, scratch_operands = 13 : i64, tpu.core_type = #tpu.core_type<sc_vector_subcore>, window_params = [{transform_indices = #map}, {transform_indices = #map1}, {transform_indices = #map1}]} {
    %mul3A = arith.constant 2 : i32
    %mul3A_0 = arith.muli %arg1, %mul3A : i32
    %add3A = arith.addi %mul3A_0, %arg0 : i32
    %mul3A_1 = arith.constant 640 : i32
    %mul3A_2 = arith.muli %arg1, %mul3A_1 : i32
    %add3A_3 = arith.constant 0 : i32
    %add3A_4 = arith.addi %add3A, %add3A_3 : i32
    %dma_start3A = arith.constant 0 : i32
    %dma_start3A_5 = arith.constant 0 : i32
    %dma_start3A_6 = tpu.memref_slice %arg3[%add3A_4, %dma_start3A, %dma_start3A_5] : memref<2560x2x128xi32, #tpu.memory_space<hbm>> -> memref<1x2x128xi32, #tpu.memory_space<hbm>>
    %dma_start3A_7 = tpu.memref_squeeze %dma_start3A_6 : memref<1x2x128xi32, #tpu.memory_space<hbm>> -> memref<2x128xi32, #tpu.memory_space<hbm>>
    %dma_start3A_8 = arith.constant 0 : i32
    %dma_start3A_9 = arith.constant 0 : i32
    %dma_start3A_10 = tpu.memref_slice %arg3[%add3A_4, %dma_start3A_8, %dma_start3A_9] : memref<2560x2x128xi32, #tpu.memory_space<hbm>> -> memref<1x2x128xi32, #tpu.memory_space<hbm>>
    %dma_start3A_11 = tpu.memref_squeeze %dma_start3A_10 : memref<1x2x128xi32, #tpu.memory_space<hbm>> -> memref<2x128xi32, #tpu.memory_space<hbm>>
    tpu.enqueue_dma source(%dma_start3A_11 : memref<2x128xi32, #tpu.memory_space<hbm>>) target(%arg5 : memref<2x128xi32, #tpu.memory_space<vmem>>) target_semaphore(%arg12 : memref<!tpu.dma_semaphore, #tpu.memory_space<semaphore_mem>>)
    %add3A_12 = arith.constant 32 : i32
    %add3A_13 = arith.addi %add3A, %add3A_12 : i32
    %dma_start3A_14 = arith.constant 0 : i32
    %dma_start3A_15 = arith.constant 0 : i32
    %dma_start3A_16 = tpu.memref_slice %arg3[%add3A_13, %dma_start3A_14, %dma_start3A_15] : memref<2560x2x128xi32, #tpu.memory_space<hbm>> -> memref<1x2x128xi32, #tpu.memory_space<hbm>>
    %dma_start3A_17 = tpu.memref_squeeze %dma_start3A_16 : memref<1x2x128xi32, #tpu.memory_space<hbm>> -> memref<2x128xi32, #tpu.memory_space<hbm>>
    %dma_start3A_18 = arith.constant 0 : i32
    %dma_start3A_19 = arith.constant 0 : i32
    %dma_start3A_20 = tpu.memref_slice %arg3[%add3A_13, %dma_start3A_18, %dma_start3A_19] : memref<2560x2x128xi32, #tpu.memory_space<hbm>> -> memref<1x2x128xi32, #tpu.memory_space<hbm>>
    %dma_start3A_21 = tpu.memref_squeeze %dma_start3A_20 : memref<1x2x128xi32, #tpu.memory_space<hbm>> -> memref<2x128xi32, #tpu.memory_space<hbm>>
    tpu.enqueue_dma source(%dma_start3A_21 : memref<2x128xi32, #tpu.memory_space<hbm>>) target(%arg6 : memref<2x128xi32, #tpu.memory_space<vmem>>) target_semaphore(%arg13 : memref<!tpu.dma_semaphore, #tpu.memory_space<semaphore_mem>>)
    %add3A_22 = arith.constant 64 : i32
    %add3A_23 = arith.addi %add3A, %add3A_22 : i32
    %dma_start3A_24 = arith.constant 0 : i32
    %dma_start3A_25 = arith.constant 0 : i32
    %dma_start3A_26 = tpu.memref_slice %arg3[%add3A_23, %dma_start3A_24, %dma_start3A_25] : memref<2560x2x128xi32, #tpu.memory_space<hbm>> -> memref<1x2x128xi32, #tpu.memory_space<hbm>>
    %dma_start3A_27 = tpu.memref_squeeze %dma_start3A_26 : memref<1x2x128xi32, #tpu.memory_space<hbm>> -> memref<2x128xi32, #tpu.memory_space<hbm>>
    %dma_start3A_28 = arith.constant 0 : i32
    %dma_start3A_29 = arith.constant 0 : i32
    %dma_start3A_30 = tpu.memref_slice %arg3[%add3A_23, %dma_start3A_28, %dma_start3A_29] : memref<2560x2x128xi32, #tpu.memory_space<hbm>> -> memref<1x2x128xi32, #tpu.memory_space<hbm>>
    %dma_start3A_31 = tpu.memref_squeeze %dma_start3A_30 : memref<1x2x128xi32, #tpu.memory_space<hbm>> -> memref<2x128xi32, #tpu.memory_space<hbm>>
    tpu.enqueue_dma source(%dma_start3A_31 : memref<2x128xi32, #tpu.memory_space<hbm>>) target(%arg7 : memref<2x128xi32, #tpu.memory_space<vmem>>) target_semaphore(%arg14 : memref<!tpu.dma_semaphore, #tpu.memory_space<semaphore_mem>>)
    %add3A_32 = arith.constant 96 : i32
    %add3A_33 = arith.addi %add3A, %add3A_32 : i32
    %dma_start3A_34 = arith.constant 0 : i32
    %dma_start3A_35 = arith.constant 0 : i32
    %dma_start3A_36 = tpu.memref_slice %arg3[%add3A_33, %dma_start3A_34, %dma_start3A_35] : memref<2560x2x128xi32, #tpu.memory_space<hbm>> -> memref<1x2x128xi32, #tpu.memory_space<hbm>>
    %dma_start3A_37 = tpu.memref_squeeze %dma_start3A_36 : memref<1x2x128xi32, #tpu.memory_space<hbm>> -> memref<2x128xi32, #tpu.memory_space<hbm>>
    %dma_start3A_38 = arith.constant 0 : i32
    %dma_start3A_39 = arith.constant 0 : i32
    %dma_start3A_40 = tpu.memref_slice %arg3[%add3A_33, %dma_start3A_38, %dma_start3A_39] : memref<2560x2x128xi32, #tpu.memory_space<hbm>> -> memref<1x2x128xi32, #tpu.memory_space<hbm>>
    %dma_start3A_41 = tpu.memref_squeeze %dma_start3A_40 : memref<1x2x128xi32, #tpu.memory_space<hbm>> -> memref<2x128xi32, #tpu.memory_space<hbm>>
    tpu.enqueue_dma source(%dma_start3A_41 : memref<2x128xi32, #tpu.memory_space<hbm>>) target(%arg8 : memref<2x128xi32, #tpu.memory_space<vmem>>) target_semaphore(%arg15 : memref<!tpu.dma_semaphore, #tpu.memory_space<semaphore_mem>>)
    %broadcast_in_dim3A = arith.constant 0.000000e+00 : f32
    %broadcast_in_dim3A_42 = vector.broadcast %broadcast_in_dim3A : f32 to vector<16xf32>
    %scan3A = arith.constant 0 : i32
    %scan3A_43 = arith.constant 128 : i32
    %scan3A_44 = arith.addi %scan3A, %scan3A_43 : i32
    %scan3A_45 = arith.constant 1 : i32
    scf.for %scan3A_72 = %scan3A to %scan3A_44 step %scan3A_45  : i32 {
      %mul3A_73 = arith.constant 1 : i32
      %mul3A_74 = arith.muli %scan3A_72, %mul3A_73 : i32
      %add3A_75 = arith.constant 0 : i32
      %add3A_76 = arith.addi %add3A_75, %mul3A_74 : i32
      %swap3A = arith.index_cast %add3A_76 : i32 to index
      %swap3A_77 = arith.constant 0 : index
      %swap3A_78 = tpu.vector_load %arg9[%swap3A, %swap3A_77] {strides = array<i32>} : memref<128x128xf32, #tpu.memory_space<vmem>>, vector<1x16xf32>,
      %swap3A_79 = vector.shape_cast %swap3A_78 : vector<1x16xf32> to vector<16xf32>
      %swap3A_80 = vector.shape_cast %broadcast_in_dim3A_42 : vector<16xf32> to vector<1x16xf32>
      tpu.vector_store %arg9[%swap3A, %swap3A_77], %swap3A_80 {strides = array<i32>} : memref<128x128xf32, #tpu.memory_space<vmem>>, vector<1x16xf32>,
      %swap3A_81 = arith.index_cast %add3A_76 : i32 to index
      %swap3A_82 = arith.constant 16 : index
      %swap3A_83 = tpu.vector_load %arg9[%swap3A_81, %swap3A_82] {strides = array<i32>} : memref<128x128xf32, #tpu.memory_space<vmem>>, vector<1x16xf32>,
      %swap3A_84 = vector.shape_cast %swap3A_83 : vector<1x16xf32> to vector<16xf32>
      %swap3A_85 = vector.shape_cast %broadcast_in_dim3A_42 : vector<16xf32> to vector<1x16xf32>
      tpu.vector_store %arg9[%swap3A_81, %swap3A_82], %swap3A_85 {strides = array<i32>} : memref<128x128xf32, #tpu.memory_space<vmem>>, vector<1x16xf32>,
      %swap3A_86 = arith.index_cast %add3A_76 : i32 to index
      %swap3A_87 = arith.constant 32 : index
      %swap3A_88 = tpu.vector_load %arg9[%swap3A_86, %swap3A_87] {strides = array<i32>} : memref<128x128xf32, #tpu.memory_space<vmem>>, vector<1x16xf32>,
      %swap3A_89 = vector.shape_cast %swap3A_88 : vector<1x16xf32> to vector<16xf32>
      %swap3A_90 = vector.shape_cast %broadcast_in_dim3A_42 : vector<16xf32> to vector<1x16xf32>
      tpu.vector_store %arg9[%swap3A_86, %swap3A_87], %swap3A_90 {strides = array<i32>} : memref<128x128xf32, #tpu.memory_space<vmem>>, vector<1x16xf32>,
      %swap3A_91 = arith.index_cast %add3A_76 : i32 to index
      %swap3A_92 = arith.constant 48 : index
      %swap3A_93 = tpu.vector_load %arg9[%swap3A_91, %swap3A_92] {strides = array<i32>} : memref<128x128xf32, #tpu.memory_space<vmem>>, vector<1x16xf32>,
      %swap3A_94 = vector.shape_cast %swap3A_93 : vector<1x16xf32> to vector<16xf32>
      %swap3A_95 = vector.shape_cast %broadcast_in_dim3A_42 : vector<16xf32> to vector<1x16xf32>
      tpu.vector_store %arg9[%swap3A_91, %swap3A_92], %swap3A_95 {strides = array<i32>} : memref<128x128xf32, #tpu.memory_space<vmem>>, vector<1x16xf32>,
      %swap3A_96 = arith.index_cast %add3A_76 : i32 to index
      %swap3A_97 = arith.constant 64 : index
      %swap3A_98 = tpu.vector_load %arg9[%swap3A_96, %swap3A_97] {strides = array<i32>} : memref<128x128xf32, #tpu.memory_space<vmem>>, vector<1x16xf32>,
      %swap3A_99 = vector.shape_cast %swap3A_98 : vector<1x16xf32> to vector<16xf32>
      %swap3A_100 = vector.shape_cast %broadcast_in_dim3A_42 : vector<16xf32> to vector<1x16xf32>
      tpu.vector_store %arg9[%swap3A_96, %swap3A_97], %swap3A_100 {strides = array<i32>} : memref<128x128xf32, #tpu.memory_space<vmem>>, vector<1x16xf32>,
      %swap3A_101 = arith.index_cast %add3A_76 : i32 to index
      %swap3A_102 = arith.constant 80 : index
      %swap3A_103 = tpu.vector_load %arg9[%swap3A_101, %swap3A_102] {strides = array<i32>} : memref<128x128xf32, #tpu.memory_space<vmem>>, vector<1x16xf32>,
      %swap3A_104 = vector.shape_cast %swap3A_103 : vector<1x16xf32> to vector<16xf32>
      %swap3A_105 = vector.shape_cast %broadcast_in_dim3A_42 : vector<16xf32> to vector<1x16xf32>
      tpu.vector_store %arg9[%swap3A_101, %swap3A_102], %swap3A_105 {strides = array<i32>} : memref<128x128xf32, #tpu.memory_space<vmem>>, vector<1x16xf32>,
      %swap3A_106 = arith.index_cast %add3A_76 : i32 to index
      %swap3A_107 = arith.constant 96 : index
      %swap3A_108 = tpu.vector_load %arg9[%swap3A_106, %swap3A_107] {strides = array<i32>} : memref<128x128xf32, #tpu.memory_space<vmem>>, vector<1x16xf32>,
      %swap3A_109 = vector.shape_cast %swap3A_108 : vector<1x16xf32> to vector<16xf32>
      %swap3A_110 = vector.shape_cast %broadcast_in_dim3A_42 : vector<16xf32> to vector<1x16xf32>
      tpu.vector_store %arg9[%swap3A_106, %swap3A_107], %swap3A_110 {strides = array<i32>} : memref<128x128xf32, #tpu.memory_space<vmem>>, vector<1x16xf32>,
      %swap3A_111 = arith.index_cast %add3A_76 : i32 to index
      %swap3A_112 = arith.constant 112 : index
      %swap3A_113 = tpu.vector_load %arg9[%swap3A_111, %swap3A_112] {strides = array<i32>} : memref<128x128xf32, #tpu.memory_space<vmem>>, vector<1x16xf32>,
      %swap3A_114 = vector.shape_cast %swap3A_113 : vector<1x16xf32> to vector<16xf32>
      %swap3A_115 = vector.shape_cast %broadcast_in_dim3A_42 : vector<16xf32> to vector<1x16xf32>
      tpu.vector_store %arg9[%swap3A_111, %swap3A_112], %swap3A_115 {strides = array<i32>} : memref<128x128xf32, #tpu.memory_space<vmem>>, vector<1x16xf32>,
    }
    %scan3A_46 = arith.constant 128 : i32
    %scan3A_47 = arith.constant 0 : i32
    %scan3A_48 = arith.constant 5 : i32
    %scan3A_49 = arith.addi %scan3A_47, %scan3A_48 : i32
    %scan3A_50 = arith.constant 1 : i32
    scf.for %scan3A_72 = %scan3A_47 to %scan3A_49 step %scan3A_50  : i32 {
      %mul3A_73 = arith.constant 1 : i32
      %mul3A_74 = arith.muli %scan3A_72, %mul3A_73 : i32
      %add3A_75 = arith.constant 0 : i32
      %add3A_76 = arith.addi %add3A_75, %mul3A_74 : i32
      %mul3A_77 = arith.constant 128 : i32
      %mul3A_78 = arith.muli %add3A_76, %mul3A_77 : i32
      %add3A_79 = arith.addi %mul3A_2, %mul3A_78 : i32
      "tpu.region"() ({
        %run_scoped3A = tpu.sem_alloc : memref<!tpu.dma_semaphore, #tpu.memory_space<semaphore_mem>>
        %dma_start3A_80 = arith.constant 0 : i32
        %dma_start3A_81 = tpu.memref_slice %arg11[%add3A_79, %dma_start3A_80] : memref<10240x128xf32, #tpu.memory_space<vmem_shared>> -> memref<128x128xf32, #tpu.memory_space<vmem_shared>>
        %dma_start3A_82 = arith.constant 0 : i32
        %dma_start3A_83 = tpu.memref_slice %arg11[%add3A_79, %dma_start3A_82] : memref<10240x128xf32, #tpu.memory_space<vmem_shared>> -> memref<128x128xf32, #tpu.memory_space<vmem_shared>>
        tpu.enqueue_dma source(%arg9 : memref<128x128xf32, #tpu.memory_space<vmem>>) target(%dma_start3A_83 : memref<128x128xf32, #tpu.memory_space<vmem_shared>>) target_semaphore(%run_scoped3A : memref<!tpu.dma_semaphore, #tpu.memory_space<semaphore_mem>>)
        %dma_wait3A_84 = arith.constant 0 : i32
        %dma_wait3A_85 = tpu.memref_slice %arg11[%add3A_79, %dma_wait3A_84] : memref<10240x128xf32, #tpu.memory_space<vmem_shared>> -> memref<128x128xf32, #tpu.memory_space<vmem_shared>>
        %dma_wait3A_86 = arith.constant 0 : i32
        %dma_wait3A_87 = tpu.memref_slice %arg11[%add3A_79, %dma_wait3A_86] : memref<10240x128xf32, #tpu.memory_space<vmem_shared>> -> memref<128x128xf32, #tpu.memory_space<vmem_shared>>
        tpu.wait_dma2 semaphore(%run_scoped3A : memref<!tpu.dma_semaphore, #tpu.memory_space<semaphore_mem>>) src(%arg9 : memref<128x128xf32, #tpu.memory_space<vmem>>) dst(%dma_wait3A_87 : memref<128x128xf32, #tpu.memory_space<vmem_shared>>)
        tpu.yield
      }) : () -> ()
    }
    %scan3A_51 = arith.constant 5 : i32
    %barrier3A = arith.constant 0 : index
    tpu.barrier barrier_id(%barrier3A)
    %dma_wait3A = arith.constant 0 : i32
    %dma_wait3A_52 = arith.constant 0 : i32
    %dma_wait3A_53 = tpu.memref_slice %arg3[%add3A, %dma_wait3A, %dma_wait3A_52] : memref<2560x2x128xi32, #tpu.memory_space<hbm>> -> memref<1x2x128xi32, #tpu.memory_space<hbm>>
    %dma_wait3A_54 = tpu.memref_squeeze %dma_wait3A_53 : memref<1x2x128xi32, #tpu.memory_space<hbm>> -> memref<2x128xi32, #tpu.memory_space<hbm>>
    %dma_wait3A_55 = arith.constant 0 : i32
    %dma_wait3A_56 = arith.constant 0 : i32
    %dma_wait3A_57 = tpu.memref_slice %arg3[%add3A, %dma_wait3A_55, %dma_wait3A_56] : memref<2560x2x128xi32, #tpu.memory_space<hbm>> -> memref<1x2x128xi32, #tpu.memory_space<hbm>>
    %dma_wait3A_58 = tpu.memref_squeeze %dma_wait3A_57 : memref<1x2x128xi32, #tpu.memory_space<hbm>> -> memref<2x128xi32, #tpu.memory_space<hbm>>
    tpu.wait_dma2 semaphore(%arg12 : memref<!tpu.dma_semaphore, #tpu.memory_space<semaphore_mem>>) src(%dma_wait3A_58 : memref<2x128xi32, #tpu.memory_space<hbm>>) dst(%arg5 : memref<2x128xi32, #tpu.memory_space<vmem>>)
    %dma_start3A_59 = arith.constant 0 : i32
    %dma_start3A_60 = arith.constant 0 : i32
    %dma_start3A_61 = tpu.memref_slice %arg5[%dma_start3A_59, %dma_start3A_60] : memref<2x128xi32, #tpu.memory_space<vmem>> -> memref<1x128xi32, #tpu.memory_space<vmem>>
    %dma_start3A_62 = tpu.memref_squeeze %dma_start3A_61 : memref<1x128xi32, #tpu.memory_space<vmem>> -> memref<128xi32, #tpu.memory_space<vmem>>
    %dma_start3A_63 = arith.constant 0 : i32
    %dma_start3A_64 = arith.constant 0 : i32
    %dma_start3A_65 = tpu.memref_slice %arg2[%dma_start3A_63, %dma_start3A_64] : memref<10240x128xf32, #tpu.memory_space<hbm>> -> memref<10240x128xf32, #tpu.memory_space<hbm>>
    tpu.enqueue_indirect_dma source(%dma_start3A_65 : memref<10240x128xf32, #tpu.memory_space<hbm>>) target(%arg9 : memref<128x128xf32, #tpu.memory_space<vmem>>) offsets(%dma_start3A_62 : memref<128xi32, #tpu.memory_space<vmem>>) semaphore(%arg16 : memref<!tpu.dma_semaphore, #tpu.memory_space<semaphore_mem>>)
    %scan3A_66 = arith.constant 0 : i32
    %scan3A_67 = arith.constant 20 : i32
    %scan3A_68 = arith.addi %scan3A_66, %scan3A_67 : i32
    %scan3A_69 = arith.constant 1 : i32
    scf.for %scan3A_72 = %scan3A_66 to %scan3A_68 step %scan3A_69  : i32 {
      %mul3A_73 = arith.constant 4 : i32
      %mul3A_74 = arith.muli %scan3A_72, %mul3A_73 : i32
      %add3A_75 = arith.constant 0 : i32
      %add3A_76 = arith.addi %add3A_75, %mul3A_74 : i32
      %add3A_77 = arith.constant 0 : i32
      %add3A_78 = arith.addi %add3A_76, %add3A_77 : i32
      %dma_wait3A_79 = arith.constant 0 : i32
      %dma_wait3A_80 = arith.constant 0 : i32
      %dma_wait3A_81 = tpu.memref_slice %arg2[%dma_wait3A_79, %dma_wait3A_80] : memref<10240x128xf32, #tpu.memory_space<hbm>> -> memref<128x128xf32, #tpu.memory_space<hbm>>
      %dma_wait3A_82 = arith.constant 0 : i32
      %dma_wait3A_83 = arith.constant 0 : i32
      %dma_wait3A_84 = tpu.memref_slice %arg2[%dma_wait3A_82, %dma_wait3A_83] : memref<10240x128xf32, #tpu.memory_space<hbm>> -> memref<128x128xf32, #tpu.memory_space<hbm>>
      tpu.wait_dma2 semaphore(%arg16 : memref<!tpu.dma_semaphore, #tpu.memory_space<semaphore_mem>>) src(%dma_wait3A_84 : memref<128x128xf32, #tpu.memory_space<hbm>>) dst(%arg9 : memref<128x128xf32, #tpu.memory_space<vmem>>)
      %add3A_85 = arith.constant 1 : i32
      %add3A_86 = arith.addi %add3A_78, %add3A_85 : i32
      %lt3A = arith.constant 80 : i32
      %lt3A_87 = arith.cmpi slt, %add3A_86, %lt3A : i32
      %convert_element_type3A = arith.extui %lt3A_87 : i1 to i32
      %cond3A = arith.constant 0 : i32
      %cond3A_88 = arith.cmpi ne, %convert_element_type3A, %cond3A : i32
      scf.if %cond3A_88 {
        %dma_wait3A_165 = arith.constant 0 : i32
        %dma_wait3A_166 = arith.constant 0 : i32
        %dma_wait3A_167 = tpu.memref_slice %arg3[%add3A, %dma_wait3A_165, %dma_wait3A_166] : memref<2560x2x128xi32, #tpu.memory_space<hbm>> -> memref<1x2x128xi32, #tpu.memory_space<hbm>>
        %dma_wait3A_168 = tpu.memref_squeeze %dma_wait3A_167 : memref<1x2x128xi32, #tpu.memory_space<hbm>> -> memref<2x128xi32, #tpu.memory_space<hbm>>
        %dma_wait3A_169 = arith.constant 0 : i32
        %dma_wait3A_170 = arith.constant 0 : i32
        %dma_wait3A_171 = tpu.memref_slice %arg3[%add3A, %dma_wait3A_169, %dma_wait3A_170] : memref<2560x2x128xi32, #tpu.memory_space<hbm>> -> memref<1x2x128xi32, #tpu.memory_space<hbm>>
        %dma_wait3A_172 = tpu.memref_squeeze %dma_wait3A_171 : memref<1x2x128xi32, #tpu.memory_space<hbm>> -> memref<2x128xi32, #tpu.memory_space<hbm>>
        tpu.wait_dma2 semaphore(%arg13 : memref<!tpu.dma_semaphore, #tpu.memory_space<semaphore_mem>>) src(%dma_wait3A_172 : memref<2x128xi32, #tpu.memory_space<hbm>>) dst(%arg6 : memref<2x128xi32, #tpu.memory_space<vmem>>)
        %dma_start3A_173 = arith.constant 0 : i32
        %dma_start3A_174 = arith.constant 0 : i32
        %dma_start3A_175 = tpu.memref_slice %arg6[%dma_start3A_173, %dma_start3A_174] : memref<2x128xi32, #tpu.memory_space<vmem>> -> memref<1x128xi32, #tpu.memory_space<vmem>>
        %dma_start3A_176 = tpu.memref_squeeze %dma_start3A_175 : memref<1x128xi32, #tpu.memory_space<vmem>> -> memref<128xi32, #tpu.memory_space<vmem>>
        %dma_start3A_177 = arith.constant 0 : i32
        %dma_start3A_178 = arith.constant 0 : i32
        %dma_start3A_179 = tpu.memref_slice %arg2[%dma_start3A_177, %dma_start3A_178] : memref<10240x128xf32, #tpu.memory_space<hbm>> -> memref<10240x128xf32, #tpu.memory_space<hbm>>
        tpu.enqueue_indirect_dma source(%dma_start3A_179 : memref<10240x128xf32, #tpu.memory_space<hbm>>) target(%arg10 : memref<128x128xf32, #tpu.memory_space<vmem>>) offsets(%dma_start3A_176 : memref<128xi32, #tpu.memory_space<vmem>>) semaphore(%arg17 : memref<!tpu.dma_semaphore, #tpu.memory_space<semaphore_mem>>)
      } else {
      }
      %run_scoped3A = arith.constant 1 : i32
      "tpu.region"() ({
        %run_scoped3A_165 = tpu.sem_alloc : memref<!tpu.dma_semaphore, #tpu.memory_space<semaphore_mem>>
        %dma_start3A_166 = arith.constant 0 : i32
        %dma_start3A_167 = tpu.memref_slice %arg5[%run_scoped3A, %dma_start3A_166] : memref<2x128xi32, #tpu.memory_space<vmem>> -> memref<1x128xi32, #tpu.memory_space<vmem>>
        %dma_start3A_168 = tpu.memref_squeeze %dma_start3A_167 : memref<1x128xi32, #tpu.memory_space<vmem>> -> memref<128xi32, #tpu.memory_space<vmem>>
        %dma_start3A_169 = arith.constant 0 : i32
        %dma_start3A_170 = arith.constant 0 : i32
        %dma_start3A_171 = tpu.memref_slice %arg11[%dma_start3A_169, %dma_start3A_170] : memref<10240x128xf32, #tpu.memory_space<vmem_shared>> -> memref<10240x128xf32, #tpu.memory_space<vmem_shared>>
        tpu.enqueue_indirect_dma source(%arg9 : memref<128x128xf32, #tpu.memory_space<vmem>>) target(%dma_start3A_171 : memref<10240x128xf32, #tpu.memory_space<vmem_shared>>) offsets(%dma_start3A_168 : memref<128xi32, #tpu.memory_space<vmem>>) semaphore(%run_scoped3A_165 : memref<!tpu.dma_semaphore, #tpu.memory_space<semaphore_mem>>) {add = true}
        %dma_wait3A_172 = arith.constant 0 : i32
        %dma_wait3A_173 = tpu.memref_slice %arg5[%run_scoped3A, %dma_wait3A_172] : memref<2x128xi32, #tpu.memory_space<vmem>> -> memref<1x128xi32, #tpu.memory_space<vmem>>
        %dma_wait3A_174 = tpu.memref_squeeze %dma_wait3A_173 : memref<1x128xi32, #tpu.memory_space<vmem>> -> memref<128xi32, #tpu.memory_space<vmem>>
        %dma_wait3A_175 = arith.constant 0 : i32
        %dma_wait3A_176 = arith.constant 0 : i32
        %dma_wait3A_177 = tpu.memref_slice %arg11[%dma_wait3A_175, %dma_wait3A_176] : memref<10240x128xf32, #tpu.memory_space<vmem_shared>> -> memref<10240x128xf32, #tpu.memory_space<vmem_shared>>
        tpu.wait_indirect_dma semaphore(%run_scoped3A_165 : memref<!tpu.dma_semaphore, #tpu.memory_space<semaphore_mem>>) src(%arg9 : memref<128x128xf32, #tpu.memory_space<vmem>>) dst(%dma_wait3A_177 : memref<10240x128xf32, #tpu.memory_space<vmem_shared>>)
        tpu.yield
      }) : () -> ()
      %add3A_89 = arith.constant 4 : i32
      %add3A_90 = arith.addi %add3A_78, %add3A_89 : i32
      %lt3A_91 = arith.constant 80 : i32
      %lt3A_92 = arith.cmpi slt, %add3A_90, %lt3A_91 : i32
      %convert_element_type3A_93 = arith.extui %lt3A_92 : i1 to i32
      %cond3A_94 = arith.constant 0 : i32
      %cond3A_95 = arith.cmpi ne, %convert_element_type3A_93, %cond3A_94 : i32
      scf.if %cond3A_95 {
        %add3A_165 = arith.constant 4 : i32
        %add3A_166 = arith.addi %add3A_78, %add3A_165 : i32
        %mul3A_167 = arith.constant 32 : i32
        %mul3A_168 = arith.muli %add3A_166, %mul3A_167 : i32
        %add3A_169 = arith.addi %add3A, %mul3A_168 : i32
        %dma_start3A_170 = arith.constant 0 : i32
        %dma_start3A_171 = arith.constant 0 : i32
        %dma_start3A_172 = tpu.memref_slice %arg3[%add3A_169, %dma_start3A_170, %dma_start3A_171] : memref<2560x2x128xi32, #tpu.memory_space<hbm>> -> memref<1x2x128xi32, #tpu.memory_space<hbm>>
        %dma_start3A_173 = tpu.memref_squeeze %dma_start3A_172 : memref<1x2x128xi32, #tpu.memory_space<hbm>> -> memref<2x128xi32, #tpu.memory_space<hbm>>
        %dma_start3A_174 = arith.constant 0 : i32
        %dma_start3A_175 = arith.constant 0 : i32
        %dma_start3A_176 = tpu.memref_slice %arg3[%add3A_169, %dma_start3A_174, %dma_start3A_175] : memref<2560x2x128xi32, #tpu.memory_space<hbm>> -> memref<1x2x128xi32, #tpu.memory_space<hbm>>
        %dma_start3A_177 = tpu.memref_squeeze %dma_start3A_176 : memref<1x2x128xi32, #tpu.memory_space<hbm>> -> memref<2x128xi32, #tpu.memory_space<hbm>>
        tpu.enqueue_dma source(%dma_start3A_177 : memref<2x128xi32, #tpu.memory_space<hbm>>) target(%arg5 : memref<2x128xi32, #tpu.memory_space<vmem>>) target_semaphore(%arg12 : memref<!tpu.dma_semaphore, #tpu.memory_space<semaphore_mem>>)
      } else {
      }
      %add3A_96 = arith.constant 1 : i32
      %add3A_97 = arith.addi %add3A_76, %add3A_96 : i32
      %dma_wait3A_98 = arith.constant 0 : i32
      %dma_wait3A_99 = arith.constant 0 : i32
      %dma_wait3A_100 = tpu.memref_slice %arg2[%dma_wait3A_98, %dma_wait3A_99] : memref<10240x128xf32, #tpu.memory_space<hbm>> -> memref<128x128xf32, #tpu.memory_space<hbm>>
      %dma_wait3A_101 = arith.constant 0 : i32
      %dma_wait3A_102 = arith.constant 0 : i32
      %dma_wait3A_103 = tpu.memref_slice %arg2[%dma_wait3A_101, %dma_wait3A_102] : memref<10240x128xf32, #tpu.memory_space<hbm>> -> memref<128x128xf32, #tpu.memory_space<hbm>>
      tpu.wait_dma2 semaphore(%arg17 : memref<!tpu.dma_semaphore, #tpu.memory_space<semaphore_mem>>) src(%dma_wait3A_103 : memref<128x128xf32, #tpu.memory_space<hbm>>) dst(%arg10 : memref<128x128xf32, #tpu.memory_space<vmem>>)
      %add3A_104 = arith.constant 1 : i32
      %add3A_105 = arith.addi %add3A_97, %add3A_104 : i32
      %lt3A_106 = arith.constant 80 : i32
      %lt3A_107 = arith.cmpi slt, %add3A_105, %lt3A_106 : i32
      %convert_element_type3A_108 = arith.extui %lt3A_107 : i1 to i32
      %cond3A_109 = arith.constant 0 : i32
      %cond3A_110 = arith.cmpi ne, %convert_element_type3A_108, %cond3A_109 : i32
      scf.if %cond3A_110 {
        %dma_wait3A_165 = arith.constant 0 : i32
        %dma_wait3A_166 = arith.constant 0 : i32
        %dma_wait3A_167 = tpu.memref_slice %arg3[%add3A, %dma_wait3A_165, %dma_wait3A_166] : memref<2560x2x128xi32, #tpu.memory_space<hbm>> -> memref<1x2x128xi32, #tpu.memory_space<hbm>>
        %dma_wait3A_168 = tpu.memref_squeeze %dma_wait3A_167 : memref<1x2x128xi32, #tpu.memory_space<hbm>> -> memref<2x128xi32, #tpu.memory_space<hbm>>
        %dma_wait3A_169 = arith.constant 0 : i32
        %dma_wait3A_170 = arith.constant 0 : i32
        %dma_wait3A_171 = tpu.memref_slice %arg3[%add3A, %dma_wait3A_169, %dma_wait3A_170] : memref<2560x2x128xi32, #tpu.memory_space<hbm>> -> memref<1x2x128xi32, #tpu.memory_space<hbm>>
        %dma_wait3A_172 = tpu.memref_squeeze %dma_wait3A_171 : memref<1x2x128xi32, #tpu.memory_space<hbm>> -> memref<2x128xi32, #tpu.memory_space<hbm>>
        tpu.wait_dma2 semaphore(%arg14 : memref<!tpu.dma_semaphore, #tpu.memory_space<semaphore_mem>>) src(%dma_wait3A_172 : memref<2x128xi32, #tpu.memory_space<hbm>>) dst(%arg7 : memref<2x128xi32, #tpu.memory_space<vmem>>)
        %dma_start3A_173 = arith.constant 0 : i32
        %dma_start3A_174 = arith.constant 0 : i32
        %dma_start3A_175 = tpu.memref_slice %arg7[%dma_start3A_173, %dma_start3A_174] : memref<2x128xi32, #tpu.memory_space<vmem>> -> memref<1x128xi32, #tpu.memory_space<vmem>>
        %dma_start3A_176 = tpu.memref_squeeze %dma_start3A_175 : memref<1x128xi32, #tpu.memory_space<vmem>> -> memref<128xi32, #tpu.memory_space<vmem>>
        %dma_start3A_177 = arith.constant 0 : i32
        %dma_start3A_178 = arith.constant 0 : i32
        %dma_start3A_179 = tpu.memref_slice %arg2[%dma_start3A_177, %dma_start3A_178] : memref<10240x128xf32, #tpu.memory_space<hbm>> -> memref<10240x128xf32, #tpu.memory_space<hbm>>
        tpu.enqueue_indirect_dma source(%dma_start3A_179 : memref<10240x128xf32, #tpu.memory_space<hbm>>) target(%arg9 : memref<128x128xf32, #tpu.memory_space<vmem>>) offsets(%dma_start3A_176 : memref<128xi32, #tpu.memory_space<vmem>>) semaphore(%arg16 : memref<!tpu.dma_semaphore, #tpu.memory_space<semaphore_mem>>)
      } else {
      }
      %run_scoped3A_111 = arith.constant 1 : i32
      "tpu.region"() ({
        %run_scoped3A_165 = tpu.sem_alloc : memref<!tpu.dma_semaphore, #tpu.memory_space<semaphore_mem>>
        %dma_start3A_166 = arith.constant 0 : i32
        %dma_start3A_167 = tpu.memref_slice %arg6[%run_scoped3A_111, %dma_start3A_166] : memref<2x128xi32, #tpu.memory_space<vmem>> -> memref<1x128xi32, #tpu.memory_space<vmem>>
        %dma_start3A_168 = tpu.memref_squeeze %dma_start3A_167 : memref<1x128xi32, #tpu.memory_space<vmem>> -> memref<128xi32, #tpu.memory_space<vmem>>
        %dma_start3A_169 = arith.constant 0 : i32
        %dma_start3A_170 = arith.constant 0 : i32
        %dma_start3A_171 = tpu.memref_slice %arg11[%dma_start3A_169, %dma_start3A_170] : memref<10240x128xf32, #tpu.memory_space<vmem_shared>> -> memref<10240x128xf32, #tpu.memory_space<vmem_shared>>
        tpu.enqueue_indirect_dma source(%arg10 : memref<128x128xf32, #tpu.memory_space<vmem>>) target(%dma_start3A_171 : memref<10240x128xf32, #tpu.memory_space<vmem_shared>>) offsets(%dma_start3A_168 : memref<128xi32, #tpu.memory_space<vmem>>) semaphore(%run_scoped3A_165 : memref<!tpu.dma_semaphore, #tpu.memory_space<semaphore_mem>>) {add = true}
        %dma_wait3A_172 = arith.constant 0 : i32
        %dma_wait3A_173 = tpu.memref_slice %arg6[%run_scoped3A_111, %dma_wait3A_172] : memref<2x128xi32, #tpu.memory_space<vmem>> -> memref<1x128xi32, #tpu.memory_space<vmem>>
        %dma_wait3A_174 = tpu.memref_squeeze %dma_wait3A_173 : memref<1x128xi32, #tpu.memory_space<vmem>> -> memref<128xi32, #tpu.memory_space<vmem>>
        %dma_wait3A_175 = arith.constant 0 : i32
        %dma_wait3A_176 = arith.constant 0 : i32
        %dma_wait3A_177 = tpu.memref_slice %arg11[%dma_wait3A_175, %dma_wait3A_176] : memref<10240x128xf32, #tpu.memory_space<vmem_shared>> -> memref<10240x128xf32, #tpu.memory_space<vmem_shared>>
        tpu.wait_indirect_dma semaphore(%run_scoped3A_165 : memref<!tpu.dma_semaphore, #tpu.memory_space<semaphore_mem>>) src(%arg10 : memref<128x128xf32, #tpu.memory_space<vmem>>) dst(%dma_wait3A_177 : memref<10240x128xf32, #tpu.memory_space<vmem_shared>>)
        tpu.yield
      }) : () -> ()
      %add3A_112 = arith.constant 4 : i32
      %add3A_113 = arith.addi %add3A_97, %add3A_112 : i32
      %lt3A_114 = arith.constant 80 : i32
      %lt3A_115 = arith.cmpi slt, %add3A_113, %lt3A_114 : i32
      %convert_element_type3A_116 = arith.extui %lt3A_115 : i1 to i32
      %cond3A_117 = arith.constant 0 : i32
      %cond3A_118 = arith.cmpi ne, %convert_element_type3A_116, %cond3A_117 : i32
      scf.if %cond3A_118 {
        %add3A_165 = arith.constant 4 : i32
        %add3A_166 = arith.addi %add3A_97, %add3A_165 : i32
        %mul3A_167 = arith.constant 32 : i32
        %mul3A_168 = arith.muli %add3A_166, %mul3A_167 : i32
        %add3A_169 = arith.addi %add3A, %mul3A_168 : i32
        %dma_start3A_170 = arith.constant 0 : i32
        %dma_start3A_171 = arith.constant 0 : i32
        %dma_start3A_172 = tpu.memref_slice %arg3[%add3A_169, %dma_start3A_170, %dma_start3A_171] : memref<2560x2x128xi32, #tpu.memory_space<hbm>> -> memref<1x2x128xi32, #tpu.memory_space<hbm>>
        %dma_start3A_173 = tpu.memref_squeeze %dma_start3A_172 : memref<1x2x128xi32, #tpu.memory_space<hbm>> -> memref<2x128xi32, #tpu.memory_space<hbm>>
        %dma_start3A_174 = arith.constant 0 : i32
        %dma_start3A_175 = arith.constant 0 : i32
        %dma_start3A_176 = tpu.memref_slice %arg3[%add3A_169, %dma_start3A_174, %dma_start3A_175] : memref<2560x2x128xi32, #tpu.memory_space<hbm>> -> memref<1x2x128xi32, #tpu.memory_space<hbm>>
        %dma_start3A_177 = tpu.memref_squeeze %dma_start3A_176 : memref<1x2x128xi32, #tpu.memory_space<hbm>> -> memref<2x128xi32, #tpu.memory_space<hbm>>
        tpu.enqueue_dma source(%dma_start3A_177 : memref<2x128xi32, #tpu.memory_space<hbm>>) target(%arg6 : memref<2x128xi32, #tpu.memory_space<vmem>>) target_semaphore(%arg13 : memref<!tpu.dma_semaphore, #tpu.memory_space<semaphore_mem>>)
      } else {
      }
      %add3A_119 = arith.constant 2 : i32
      %add3A_120 = arith.addi %add3A_76, %add3A_119 : i32
      %dma_wait3A_121 = arith.constant 0 : i32
      %dma_wait3A_122 = arith.constant 0 : i32
      %dma_wait3A_123 = tpu.memref_slice %arg2[%dma_wait3A_121, %dma_wait3A_122] : memref<10240x128xf32, #tpu.memory_space<hbm>> -> memref<128x128xf32, #tpu.memory_space<hbm>>
      %dma_wait3A_124 = arith.constant 0 : i32
      %dma_wait3A_125 = arith.constant 0 : i32
      %dma_wait3A_126 = tpu.memref_slice %arg2[%dma_wait3A_124, %dma_wait3A_125] : memref<10240x128xf32, #tpu.memory_space<hbm>> -> memref<128x128xf32, #tpu.memory_space<hbm>>
      tpu.wait_dma2 semaphore(%arg16 : memref<!tpu.dma_semaphore, #tpu.memory_space<semaphore_mem>>) src(%dma_wait3A_126 : memref<128x128xf32, #tpu.memory_space<hbm>>) dst(%arg9 : memref<128x128xf32, #tpu.memory_space<vmem>>)
      %add3A_127 = arith.constant 1 : i32
      %add3A_128 = arith.addi %add3A_120, %add3A_127 : i32
      %lt3A_129 = arith.constant 80 : i32
      %lt3A_130 = arith.cmpi slt, %add3A_128, %lt3A_129 : i32
      %convert_element_type3A_131 = arith.extui %lt3A_130 : i1 to i32
      %cond3A_132 = arith.constant 0 : i32
      %cond3A_133 = arith.cmpi ne, %convert_element_type3A_131, %cond3A_132 : i32
      scf.if %cond3A_133 {
        %dma_wait3A_165 = arith.constant 0 : i32
        %dma_wait3A_166 = arith.constant 0 : i32
        %dma_wait3A_167 = tpu.memref_slice %arg3[%add3A, %dma_wait3A_165, %dma_wait3A_166] : memref<2560x2x128xi32, #tpu.memory_space<hbm>> -> memref<1x2x128xi32, #tpu.memory_space<hbm>>
        %dma_wait3A_168 = tpu.memref_squeeze %dma_wait3A_167 : memref<1x2x128xi32, #tpu.memory_space<hbm>> -> memref<2x128xi32, #tpu.memory_space<hbm>>
        %dma_wait3A_169 = arith.constant 0 : i32
        %dma_wait3A_170 = arith.constant 0 : i32
        %dma_wait3A_171 = tpu.memref_slice %arg3[%add3A, %dma_wait3A_169, %dma_wait3A_170] : memref<2560x2x128xi32, #tpu.memory_space<hbm>> -> memref<1x2x128xi32, #tpu.memory_space<hbm>>
        %dma_wait3A_172 = tpu.memref_squeeze %dma_wait3A_171 : memref<1x2x128xi32, #tpu.memory_space<hbm>> -> memref<2x128xi32, #tpu.memory_space<hbm>>
        tpu.wait_dma2 semaphore(%arg15 : memref<!tpu.dma_semaphore, #tpu.memory_space<semaphore_mem>>) src(%dma_wait3A_172 : memref<2x128xi32, #tpu.memory_space<hbm>>) dst(%arg8 : memref<2x128xi32, #tpu.memory_space<vmem>>)
        %dma_start3A_173 = arith.constant 0 : i32
        %dma_start3A_174 = arith.constant 0 : i32
        %dma_start3A_175 = tpu.memref_slice %arg8[%dma_start3A_173, %dma_start3A_174] : memref<2x128xi32, #tpu.memory_space<vmem>> -> memref<1x128xi32, #tpu.memory_space<vmem>>
        %dma_start3A_176 = tpu.memref_squeeze %dma_start3A_175 : memref<1x128xi32, #tpu.memory_space<vmem>> -> memref<128xi32, #tpu.memory_space<vmem>>
        %dma_start3A_177 = arith.constant 0 : i32
        %dma_start3A_178 = arith.constant 0 : i32
        %dma_start3A_179 = tpu.memref_slice %arg2[%dma_start3A_177, %dma_start3A_178] : memref<10240x128xf32, #tpu.memory_space<hbm>> -> memref<10240x128xf32, #tpu.memory_space<hbm>>
        tpu.enqueue_indirect_dma source(%dma_start3A_179 : memref<10240x128xf32, #tpu.memory_space<hbm>>) target(%arg10 : memref<128x128xf32, #tpu.memory_space<vmem>>) offsets(%dma_start3A_176 : memref<128xi32, #tpu.memory_space<vmem>>) semaphore(%arg17 : memref<!tpu.dma_semaphore, #tpu.memory_space<semaphore_mem>>)
      } else {
      }
      %run_scoped3A_134 = arith.constant 1 : i32
      "tpu.region"() ({
        %run_scoped3A_165 = tpu.sem_alloc : memref<!tpu.dma_semaphore, #tpu.memory_space<semaphore_mem>>
        %dma_start3A_166 = arith.constant 0 : i32
        %dma_start3A_167 = tpu.memref_slice %arg7[%run_scoped3A_134, %dma_start3A_166] : memref<2x128xi32, #tpu.memory_space<vmem>> -> memref<1x128xi32, #tpu.memory_space<vmem>>
        %dma_start3A_168 = tpu.memref_squeeze %dma_start3A_167 : memref<1x128xi32, #tpu.memory_space<vmem>> -> memref<128xi32, #tpu.memory_space<vmem>>
        %dma_start3A_169 = arith.constant 0 : i32
        %dma_start3A_170 = arith.constant 0 : i32
        %dma_start3A_171 = tpu.memref_slice %arg11[%dma_start3A_169, %dma_start3A_170] : memref<10240x128xf32, #tpu.memory_space<vmem_shared>> -> memref<10240x128xf32, #tpu.memory_space<vmem_shared>>
        tpu.enqueue_indirect_dma source(%arg9 : memref<128x128xf32, #tpu.memory_space<vmem>>) target(%dma_start3A_171 : memref<10240x128xf32, #tpu.memory_space<vmem_shared>>) offsets(%dma_start3A_168 : memref<128xi32, #tpu.memory_space<vmem>>) semaphore(%run_scoped3A_165 : memref<!tpu.dma_semaphore, #tpu.memory_space<semaphore_mem>>) {add = true}
        %dma_wait3A_172 = arith.constant 0 : i32
        %dma_wait3A_173 = tpu.memref_slice %arg7[%run_scoped3A_134, %dma_wait3A_172] : memref<2x128xi32, #tpu.memory_space<vmem>> -> memref<1x128xi32, #tpu.memory_space<vmem>>
        %dma_wait3A_174 = tpu.memref_squeeze %dma_wait3A_173 : memref<1x128xi32, #tpu.memory_space<vmem>> -> memref<128xi32, #tpu.memory_space<vmem>>
        %dma_wait3A_175 = arith.constant 0 : i32
        %dma_wait3A_176 = arith.constant 0 : i32
        %dma_wait3A_177 = tpu.memref_slice %arg11[%dma_wait3A_175, %dma_wait3A_176] : memref<10240x128xf32, #tpu.memory_space<vmem_shared>> -> memref<10240x128xf32, #tpu.memory_space<vmem_shared>>
        tpu.wait_indirect_dma semaphore(%run_scoped3A_165 : memref<!tpu.dma_semaphore, #tpu.memory_space<semaphore_mem>>) src(%arg9 : memref<128x128xf32, #tpu.memory_space<vmem>>) dst(%dma_wait3A_177 : memref<10240x128xf32, #tpu.memory_space<vmem_shared>>)
        tpu.yield
      }) : () -> ()
      %add3A_135 = arith.constant 4 : i32
      %add3A_136 = arith.addi %add3A_120, %add3A_135 : i32
      %lt3A_137 = arith.constant 80 : i32
      %lt3A_138 = arith.cmpi slt, %add3A_136, %lt3A_137 : i32
      %convert_element_type3A_139 = arith.extui %lt3A_138 : i1 to i32
      %cond3A_140 = arith.constant 0 : i32
      %cond3A_141 = arith.cmpi ne, %convert_element_type3A_139, %cond3A_140 : i32
      scf.if %cond3A_141 {
        %add3A_165 = arith.constant 4 : i32
        %add3A_166 = arith.addi %add3A_120, %add3A_165 : i32
        %mul3A_167 = arith.constant 32 : i32
        %mul3A_168 = arith.muli %add3A_166, %mul3A_167 : i32
        %add3A_169 = arith.addi %add3A, %mul3A_168 : i32
        %dma_start3A_170 = arith.constant 0 : i32
        %dma_start3A_171 = arith.constant 0 : i32
        %dma_start3A_172 = tpu.memref_slice %arg3[%add3A_169, %dma_start3A_170, %dma_start3A_171] : memref<2560x2x128xi32, #tpu.memory_space<hbm>> -> memref<1x2x128xi32, #tpu.memory_space<hbm>>
        %dma_start3A_173 = tpu.memref_squeeze %dma_start3A_172 : memref<1x2x128xi32, #tpu.memory_space<hbm>> -> memref<2x128xi32, #tpu.memory_space<hbm>>
        %dma_start3A_174 = arith.constant 0 : i32
        %dma_start3A_175 = arith.constant 0 : i32
        %dma_start3A_176 = tpu.memref_slice %arg3[%add3A_169, %dma_start3A_174, %dma_start3A_175] : memref<2560x2x128xi32, #tpu.memory_space<hbm>> -> memref<1x2x128xi32, #tpu.memory_space<hbm>>
        %dma_start3A_177 = tpu.memref_squeeze %dma_start3A_176 : memref<1x2x128xi32, #tpu.memory_space<hbm>> -> memref<2x128xi32, #tpu.memory_space<hbm>>
        tpu.enqueue_dma source(%dma_start3A_177 : memref<2x128xi32, #tpu.memory_space<hbm>>) target(%arg7 : memref<2x128xi32, #tpu.memory_space<vmem>>) target_semaphore(%arg14 : memref<!tpu.dma_semaphore, #tpu.memory_space<semaphore_mem>>)
      } else {
      }
      %add3A_142 = arith.constant 3 : i32
      %add3A_143 = arith.addi %add3A_76, %add3A_142 : i32
      %dma_wait3A_144 = arith.constant 0 : i32
      %dma_wait3A_145 = arith.constant 0 : i32
      %dma_wait3A_146 = tpu.memref_slice %arg2[%dma_wait3A_144, %dma_wait3A_145] : memref<10240x128xf32, #tpu.memory_space<hbm>> -> memref<128x128xf32, #tpu.memory_space<hbm>>
      %dma_wait3A_147 = arith.constant 0 : i32
      %dma_wait3A_148 = arith.constant 0 : i32
      %dma_wait3A_149 = tpu.memref_slice %arg2[%dma_wait3A_147, %dma_wait3A_148] : memref<10240x128xf32, #tpu.memory_space<hbm>> -> memref<128x128xf32, #tpu.memory_space<hbm>>
      tpu.wait_dma2 semaphore(%arg17 : memref<!tpu.dma_semaphore, #tpu.memory_space<semaphore_mem>>) src(%dma_wait3A_149 : memref<128x128xf32, #tpu.memory_space<hbm>>) dst(%arg10 : memref<128x128xf32, #tpu.memory_space<vmem>>)
      %add3A_150 = arith.constant 1 : i32
      %add3A_151 = arith.addi %add3A_143, %add3A_150 : i32
      %lt3A_152 = arith.constant 80 : i32
      %lt3A_153 = arith.cmpi slt, %add3A_151, %lt3A_152 : i32
      %convert_element_type3A_154 = arith.extui %lt3A_153 : i1 to i32
      %cond3A_155 = arith.constant 0 : i32
      %cond3A_156 = arith.cmpi ne, %convert_element_type3A_154, %cond3A_155 : i32
      scf.if %cond3A_156 {
        %dma_wait3A_165 = arith.constant 0 : i32
        %dma_wait3A_166 = arith.constant 0 : i32
        %dma_wait3A_167 = tpu.memref_slice %arg3[%add3A, %dma_wait3A_165, %dma_wait3A_166] : memref<2560x2x128xi32, #tpu.memory_space<hbm>> -> memref<1x2x128xi32, #tpu.memory_space<hbm>>
        %dma_wait3A_168 = tpu.memref_squeeze %dma_wait3A_167 : memref<1x2x128xi32, #tpu.memory_space<hbm>> -> memref<2x128xi32, #tpu.memory_space<hbm>>
        %dma_wait3A_169 = arith.constant 0 : i32
        %dma_wait3A_170 = arith.constant 0 : i32
        %dma_wait3A_171 = tpu.memref_slice %arg3[%add3A, %dma_wait3A_169, %dma_wait3A_170] : memref<2560x2x128xi32, #tpu.memory_space<hbm>> -> memref<1x2x128xi32, #tpu.memory_space<hbm>>
        %dma_wait3A_172 = tpu.memref_squeeze %dma_wait3A_171 : memref<1x2x128xi32, #tpu.memory_space<hbm>> -> memref<2x128xi32, #tpu.memory_space<hbm>>
        tpu.wait_dma2 semaphore(%arg12 : memref<!tpu.dma_semaphore, #tpu.memory_space<semaphore_mem>>) src(%dma_wait3A_172 : memref<2x128xi32, #tpu.memory_space<hbm>>) dst(%arg5 : memref<2x128xi32, #tpu.memory_space<vmem>>)
        %dma_start3A_173 = arith.constant 0 : i32
        %dma_start3A_174 = arith.constant 0 : i32
        %dma_start3A_175 = tpu.memref_slice %arg5[%dma_start3A_173, %dma_start3A_174] : memref<2x128xi32, #tpu.memory_space<vmem>> -> memref<1x128xi32, #tpu.memory_space<vmem>>
        %dma_start3A_176 = tpu.memref_squeeze %dma_start3A_175 : memref<1x128xi32, #tpu.memory_space<vmem>> -> memref<128xi32, #tpu.memory_space<vmem>>
        %dma_start3A_177 = arith.constant 0 : i32
        %dma_start3A_178 = arith.constant 0 : i32
        %dma_start3A_179 = tpu.memref_slice %arg2[%dma_start3A_177, %dma_start3A_178] : memref<10240x128xf32, #tpu.memory_space<hbm>> -> memref<10240x128xf32, #tpu.memory_space<hbm>>
        tpu.enqueue_indirect_dma source(%dma_start3A_179 : memref<10240x128xf32, #tpu.memory_space<hbm>>) target(%arg9 : memref<128x128xf32, #tpu.memory_space<vmem>>) offsets(%dma_start3A_176 : memref<128xi32, #tpu.memory_space<vmem>>) semaphore(%arg16 : memref<!tpu.dma_semaphore, #tpu.memory_space<semaphore_mem>>)
      } else {
      }
      %run_scoped3A_157 = arith.constant 1 : i32
      "tpu.region"() ({
        %run_scoped3A_165 = tpu.sem_alloc : memref<!tpu.dma_semaphore, #tpu.memory_space<semaphore_mem>>
        %dma_start3A_166 = arith.constant 0 : i32
        %dma_start3A_167 = tpu.memref_slice %arg8[%run_scoped3A_157, %dma_start3A_166] : memref<2x128xi32, #tpu.memory_space<vmem>> -> memref<1x128xi32, #tpu.memory_space<vmem>>
        %dma_start3A_168 = tpu.memref_squeeze %dma_start3A_167 : memref<1x128xi32, #tpu.memory_space<vmem>> -> memref<128xi32, #tpu.memory_space<vmem>>
        %dma_start3A_169 = arith.constant 0 : i32
        %dma_start3A_170 = arith.constant 0 : i32
        %dma_start3A_171 = tpu.memref_slice %arg11[%dma_start3A_169, %dma_start3A_170] : memref<10240x128xf32, #tpu.memory_space<vmem_shared>> -> memref<10240x128xf32, #tpu.memory_space<vmem_shared>>
        tpu.enqueue_indirect_dma source(%arg10 : memref<128x128xf32, #tpu.memory_space<vmem>>) target(%dma_start3A_171 : memref<10240x128xf32, #tpu.memory_space<vmem_shared>>) offsets(%dma_start3A_168 : memref<128xi32, #tpu.memory_space<vmem>>) semaphore(%run_scoped3A_165 : memref<!tpu.dma_semaphore, #tpu.memory_space<semaphore_mem>>) {add = true}
        %dma_wait3A_172 = arith.constant 0 : i32
        %dma_wait3A_173 = tpu.memref_slice %arg8[%run_scoped3A_157, %dma_wait3A_172] : memref<2x128xi32, #tpu.memory_space<vmem>> -> memref<1x128xi32, #tpu.memory_space<vmem>>
        %dma_wait3A_174 = tpu.memref_squeeze %dma_wait3A_173 : memref<1x128xi32, #tpu.memory_space<vmem>> -> memref<128xi32, #tpu.memory_space<vmem>>
        %dma_wait3A_175 = arith.constant 0 : i32
        %dma_wait3A_176 = arith.constant 0 : i32
        %dma_wait3A_177 = tpu.memref_slice %arg11[%dma_wait3A_175, %dma_wait3A_176] : memref<10240x128xf32, #tpu.memory_space<vmem_shared>> -> memref<10240x128xf32, #tpu.memory_space<vmem_shared>>
        tpu.wait_indirect_dma semaphore(%run_scoped3A_165 : memref<!tpu.dma_semaphore, #tpu.memory_space<semaphore_mem>>) src(%arg10 : memref<128x128xf32, #tpu.memory_space<vmem>>) dst(%dma_wait3A_177 : memref<10240x128xf32, #tpu.memory_space<vmem_shared>>)
        tpu.yield
      }) : () -> ()
      %add3A_158 = arith.constant 4 : i32
      %add3A_159 = arith.addi %add3A_143, %add3A_158 : i32
      %lt3A_160 = arith.constant 80 : i32
      %lt3A_161 = arith.cmpi slt, %add3A_159, %lt3A_160 : i32
      %convert_element_type3A_162 = arith.extui %lt3A_161 : i1 to i32
      %cond3A_163 = arith.constant 0 : i32
      %cond3A_164 = arith.cmpi ne, %convert_element_type3A_162, %cond3A_163 : i32
      scf.if %cond3A_164 {
        %add3A_165 = arith.constant 4 : i32
        %add3A_166 = arith.addi %add3A_143, %add3A_165 : i32
        %mul3A_167 = arith.constant 32 : i32
        %mul3A_168 = arith.muli %add3A_166, %mul3A_167 : i32
        %add3A_169 = arith.addi %add3A, %mul3A_168 : i32
        %dma_start3A_170 = arith.constant 0 : i32
        %dma_start3A_171 = arith.constant 0 : i32
        %dma_start3A_172 = tpu.memref_slice %arg3[%add3A_169, %dma_start3A_170, %dma_start3A_171] : memref<2560x2x128xi32, #tpu.memory_space<hbm>> -> memref<1x2x128xi32, #tpu.memory_space<hbm>>
        %dma_start3A_173 = tpu.memref_squeeze %dma_start3A_172 : memref<1x2x128xi32, #tpu.memory_space<hbm>> -> memref<2x128xi32, #tpu.memory_space<hbm>>
        %dma_start3A_174 = arith.constant 0 : i32
        %dma_start3A_175 = arith.constant 0 : i32
        %dma_start3A_176 = tpu.memref_slice %arg3[%add3A_169, %dma_start3A_174, %dma_start3A_175] : memref<2560x2x128xi32, #tpu.memory_space<hbm>> -> memref<1x2x128xi32, #tpu.memory_space<hbm>>
        %dma_start3A_177 = tpu.memref_squeeze %dma_start3A_176 : memref<1x2x128xi32, #tpu.memory_space<hbm>> -> memref<2x128xi32, #tpu.memory_space<hbm>>
        tpu.enqueue_dma source(%dma_start3A_177 : memref<2x128xi32, #tpu.memory_space<hbm>>) target(%arg8 : memref<2x128xi32, #tpu.memory_space<vmem>>) target_semaphore(%arg15 : memref<!tpu.dma_semaphore, #tpu.memory_space<semaphore_mem>>)
      } else {
      }
    }
    %scan3A_70 = arith.constant 20 : i32
    %barrier3A_71 = arith.constant 0 : index
    tpu.barrier barrier_id(%barrier3A_71)
    "tpu.region"() ({
      %run_scoped3A = tpu.sem_alloc : memref<!tpu.dma_semaphore, #tpu.memory_space<semaphore_mem>>
      %dma_start3A_72 = arith.constant 0 : i32
      %dma_start3A_73 = tpu.memref_slice %arg4[%arg0, %mul3A_2, %dma_start3A_72] : memref<2x10240x128xf32, #tpu.memory_space<hbm>> -> memref<1x640x128xf32, #tpu.memory_space<hbm>>
      %dma_start3A_74 = tpu.memref_squeeze %dma_start3A_73 : memref<1x640x128xf32, #tpu.memory_space<hbm>> -> memref<640x128xf32, #tpu.memory_space<hbm>>
      %dma_start3A_75 = arith.constant 0 : i32
      %dma_start3A_76 = tpu.memref_slice %arg11[%mul3A_2, %dma_start3A_75] : memref<10240x128xf32, #tpu.memory_space<vmem_shared>> -> memref<640x128xf32, #tpu.memory_space<vmem_shared>>
      tpu.enqueue_dma source(%dma_start3A_76 : memref<640x128xf32, #tpu.memory_space<vmem_shared>>) target(%dma_start3A_74 : memref<640x128xf32, #tpu.memory_space<hbm>>) target_semaphore(%run_scoped3A : memref<!tpu.dma_semaphore, #tpu.memory_space<semaphore_mem>>)
      %dma_wait3A_77 = arith.constant 0 : i32
      %dma_wait3A_78 = tpu.memref_slice %arg4[%arg0, %mul3A_2, %dma_wait3A_77] : memref<2x10240x128xf32, #tpu.memory_space<hbm>> -> memref<1x640x128xf32, #tpu.memory_space<hbm>>
      %dma_wait3A_79 = tpu.memref_squeeze %dma_wait3A_78 : memref<1x640x128xf32, #tpu.memory_space<hbm>> -> memref<640x128xf32, #tpu.memory_space<hbm>>
      %dma_wait3A_80 = arith.constant 0 : i32
      %dma_wait3A_81 = tpu.memref_slice %arg11[%mul3A_2, %dma_wait3A_80] : memref<10240x128xf32, #tpu.memory_space<vmem_shared>> -> memref<640x128xf32, #tpu.memory_space<vmem_shared>>
      tpu.wait_dma2 semaphore(%run_scoped3A : memref<!tpu.dma_semaphore, #tpu.memory_space<semaphore_mem>>) src(%dma_wait3A_81 : memref<640x128xf32, #tpu.memory_space<vmem_shared>>) dst(%dma_wait3A_79 : memref<640x128xf32, #tpu.memory_space<hbm>>)
      tpu.yield
    }) : () -> ()
    return
  }
}

#map = affine_map<(d0, d1) -> (0, 0)>
#map1 = affine_map<(d0, d1) -> (0, 0, 0)>
module attributes {stable_mosaic.version = 14 : i64} {
  func.func @_hop_kernel(%arg0: i32, %arg1: i32, %arg2: memref<10240x128xf32, #tpu.memory_space<hbm>>, %arg3: memref<2560x2x128xi32, #tpu.memory_space<hbm>>, %arg4: memref<2x10240x128xf32, #tpu.memory_space<hbm>>, %arg5: memref<2x128xi32, #tpu.memory_space<vmem>>, %arg6: memref<2x128xi32, #tpu.memory_space<vmem>>, %arg7: memref<2x128xi32, #tpu.memory_space<vmem>>, %arg8: memref<2x128xi32, #tpu.memory_space<vmem>>, %arg9: memref<128x128xf32, #tpu.memory_space<vmem>>, %arg10: memref<128x128xf32, #tpu.memory_space<vmem>>, %arg11: memref<10240x128xf32, #tpu.memory_space<vmem_shared>>, %arg12: memref<!tpu.dma_semaphore, #tpu.memory_space<semaphore_mem>>, %arg13: memref<!tpu.dma_semaphore, #tpu.memory_space<semaphore_mem>>, %arg14: memref<!tpu.dma_semaphore, #tpu.memory_space<semaphore_mem>>, %arg15: memref<!tpu.dma_semaphore, #tpu.memory_space<semaphore_mem>>, %arg16: memref<!tpu.dma_semaphore, #tpu.memory_space<semaphore_mem>>, %arg17: memref<!tpu.dma_semaphore, #tpu.memory_space<semaphore_mem>>) attributes {dimension_semantics = [#tpu.dimension_semantics<core_parallel>, #tpu.dimension_semantics<subcore_parallel>], iteration_bounds = array<i64: 2, 16>, scalar_prefetch = 0 : i64, scratch_operands = 13 : i64, tpu.core_type = #tpu.core_type<sc_vector_subcore>, window_params = [{transform_indices = #map}, {transform_indices = #map1}, {transform_indices = #map1}]} {
    %mul3A = arith.constant 2 : i32
    %mul3A_0 = arith.muli %arg1, %mul3A : i32
    %add3A = arith.addi %mul3A_0, %arg0 : i32
    %mul3A_1 = arith.constant 640 : i32
    %mul3A_2 = arith.muli %arg1, %mul3A_1 : i32
    %add3A_3 = arith.constant 0 : i32
    %add3A_4 = arith.addi %add3A, %add3A_3 : i32
    %dma_start3A = arith.constant 0 : i32
    %dma_start3A_5 = arith.constant 0 : i32
    %dma_start3A_6 = tpu.memref_slice %arg3[%add3A_4, %dma_start3A, %dma_start3A_5] : memref<2560x2x128xi32, #tpu.memory_space<hbm>> -> memref<1x2x128xi32, #tpu.memory_space<hbm>>
    %dma_start3A_7 = tpu.memref_squeeze %dma_start3A_6 : memref<1x2x128xi32, #tpu.memory_space<hbm>> -> memref<2x128xi32, #tpu.memory_space<hbm>>
    %dma_start3A_8 = arith.constant 0 : i32
    %dma_start3A_9 = arith.constant 0 : i32
    %dma_start3A_10 = tpu.memref_slice %arg3[%add3A_4, %dma_start3A_8, %dma_start3A_9] : memref<2560x2x128xi32, #tpu.memory_space<hbm>> -> memref<1x2x128xi32, #tpu.memory_space<hbm>>
    %dma_start3A_11 = tpu.memref_squeeze %dma_start3A_10 : memref<1x2x128xi32, #tpu.memory_space<hbm>> -> memref<2x128xi32, #tpu.memory_space<hbm>>
    tpu.enqueue_dma source(%dma_start3A_11 : memref<2x128xi32, #tpu.memory_space<hbm>>) target(%arg5 : memref<2x128xi32, #tpu.memory_space<vmem>>) target_semaphore(%arg12 : memref<!tpu.dma_semaphore, #tpu.memory_space<semaphore_mem>>)
    %add3A_12 = arith.constant 32 : i32
    %add3A_13 = arith.addi %add3A, %add3A_12 : i32
    %dma_start3A_14 = arith.constant 0 : i32
    %dma_start3A_15 = arith.constant 0 : i32
    %dma_start3A_16 = tpu.memref_slice %arg3[%add3A_13, %dma_start3A_14, %dma_start3A_15] : memref<2560x2x128xi32, #tpu.memory_space<hbm>> -> memref<1x2x128xi32, #tpu.memory_space<hbm>>
    %dma_start3A_17 = tpu.memref_squeeze %dma_start3A_16 : memref<1x2x128xi32, #tpu.memory_space<hbm>> -> memref<2x128xi32, #tpu.memory_space<hbm>>
    %dma_start3A_18 = arith.constant 0 : i32
    %dma_start3A_19 = arith.constant 0 : i32
    %dma_start3A_20 = tpu.memref_slice %arg3[%add3A_13, %dma_start3A_18, %dma_start3A_19] : memref<2560x2x128xi32, #tpu.memory_space<hbm>> -> memref<1x2x128xi32, #tpu.memory_space<hbm>>
    %dma_start3A_21 = tpu.memref_squeeze %dma_start3A_20 : memref<1x2x128xi32, #tpu.memory_space<hbm>> -> memref<2x128xi32, #tpu.memory_space<hbm>>
    tpu.enqueue_dma source(%dma_start3A_21 : memref<2x128xi32, #tpu.memory_space<hbm>>) target(%arg6 : memref<2x128xi32, #tpu.memory_space<vmem>>) target_semaphore(%arg13 : memref<!tpu.dma_semaphore, #tpu.memory_space<semaphore_mem>>)
    %add3A_22 = arith.constant 64 : i32
    %add3A_23 = arith.addi %add3A, %add3A_22 : i32
    %dma_start3A_24 = arith.constant 0 : i32
    %dma_start3A_25 = arith.constant 0 : i32
    %dma_start3A_26 = tpu.memref_slice %arg3[%add3A_23, %dma_start3A_24, %dma_start3A_25] : memref<2560x2x128xi32, #tpu.memory_space<hbm>> -> memref<1x2x128xi32, #tpu.memory_space<hbm>>
    %dma_start3A_27 = tpu.memref_squeeze %dma_start3A_26 : memref<1x2x128xi32, #tpu.memory_space<hbm>> -> memref<2x128xi32, #tpu.memory_space<hbm>>
    %dma_start3A_28 = arith.constant 0 : i32
    %dma_start3A_29 = arith.constant 0 : i32
    %dma_start3A_30 = tpu.memref_slice %arg3[%add3A_23, %dma_start3A_28, %dma_start3A_29] : memref<2560x2x128xi32, #tpu.memory_space<hbm>> -> memref<1x2x128xi32, #tpu.memory_space<hbm>>
    %dma_start3A_31 = tpu.memref_squeeze %dma_start3A_30 : memref<1x2x128xi32, #tpu.memory_space<hbm>> -> memref<2x128xi32, #tpu.memory_space<hbm>>
    tpu.enqueue_dma source(%dma_start3A_31 : memref<2x128xi32, #tpu.memory_space<hbm>>) target(%arg7 : memref<2x128xi32, #tpu.memory_space<vmem>>) target_semaphore(%arg14 : memref<!tpu.dma_semaphore, #tpu.memory_space<semaphore_mem>>)
    %add3A_32 = arith.constant 96 : i32
    %add3A_33 = arith.addi %add3A, %add3A_32 : i32
    %dma_start3A_34 = arith.constant 0 : i32
    %dma_start3A_35 = arith.constant 0 : i32
    %dma_start3A_36 = tpu.memref_slice %arg3[%add3A_33, %dma_start3A_34, %dma_start3A_35] : memref<2560x2x128xi32, #tpu.memory_space<hbm>> -> memref<1x2x128xi32, #tpu.memory_space<hbm>>
    %dma_start3A_37 = tpu.memref_squeeze %dma_start3A_36 : memref<1x2x128xi32, #tpu.memory_space<hbm>> -> memref<2x128xi32, #tpu.memory_space<hbm>>
    %dma_start3A_38 = arith.constant 0 : i32
    %dma_start3A_39 = arith.constant 0 : i32
    %dma_start3A_40 = tpu.memref_slice %arg3[%add3A_33, %dma_start3A_38, %dma_start3A_39] : memref<2560x2x128xi32, #tpu.memory_space<hbm>> -> memref<1x2x128xi32, #tpu.memory_space<hbm>>
    %dma_start3A_41 = tpu.memref_squeeze %dma_start3A_40 : memref<1x2x128xi32, #tpu.memory_space<hbm>> -> memref<2x128xi32, #tpu.memory_space<hbm>>
    tpu.enqueue_dma source(%dma_start3A_41 : memref<2x128xi32, #tpu.memory_space<hbm>>) target(%arg8 : memref<2x128xi32, #tpu.memory_space<vmem>>) target_semaphore(%arg15 : memref<!tpu.dma_semaphore, #tpu.memory_space<semaphore_mem>>)
    %broadcast_in_dim3A = arith.constant 0.000000e+00 : f32
    %broadcast_in_dim3A_42 = vector.broadcast %broadcast_in_dim3A : f32 to vector<16xf32>
    %scan3A = arith.constant 0 : i32
    %scan3A_43 = arith.constant 128 : i32
    %scan3A_44 = arith.addi %scan3A, %scan3A_43 : i32
    %scan3A_45 = arith.constant 1 : i32
    scf.for %scan3A_72 = %scan3A to %scan3A_44 step %scan3A_45  : i32 {
      %mul3A_73 = arith.constant 1 : i32
      %mul3A_74 = arith.muli %scan3A_72, %mul3A_73 : i32
      %add3A_75 = arith.constant 0 : i32
      %add3A_76 = arith.addi %add3A_75, %mul3A_74 : i32
      %swap3A = arith.index_cast %add3A_76 : i32 to index
      %swap3A_77 = arith.constant 0 : index
      %swap3A_78 = tpu.vector_load %arg9[%swap3A, %swap3A_77] {strides = array<i32>} : memref<128x128xf32, #tpu.memory_space<vmem>>, vector<1x16xf32>,
      %swap3A_79 = vector.shape_cast %swap3A_78 : vector<1x16xf32> to vector<16xf32>
      %swap3A_80 = vector.shape_cast %broadcast_in_dim3A_42 : vector<16xf32> to vector<1x16xf32>
      tpu.vector_store %arg9[%swap3A, %swap3A_77], %swap3A_80 {strides = array<i32>} : memref<128x128xf32, #tpu.memory_space<vmem>>, vector<1x16xf32>,
      %swap3A_81 = arith.index_cast %add3A_76 : i32 to index
      %swap3A_82 = arith.constant 16 : index
      %swap3A_83 = tpu.vector_load %arg9[%swap3A_81, %swap3A_82] {strides = array<i32>} : memref<128x128xf32, #tpu.memory_space<vmem>>, vector<1x16xf32>,
      %swap3A_84 = vector.shape_cast %swap3A_83 : vector<1x16xf32> to vector<16xf32>
      %swap3A_85 = vector.shape_cast %broadcast_in_dim3A_42 : vector<16xf32> to vector<1x16xf32>
      tpu.vector_store %arg9[%swap3A_81, %swap3A_82], %swap3A_85 {strides = array<i32>} : memref<128x128xf32, #tpu.memory_space<vmem>>, vector<1x16xf32>,
      %swap3A_86 = arith.index_cast %add3A_76 : i32 to index
      %swap3A_87 = arith.constant 32 : index
      %swap3A_88 = tpu.vector_load %arg9[%swap3A_86, %swap3A_87] {strides = array<i32>} : memref<128x128xf32, #tpu.memory_space<vmem>>, vector<1x16xf32>,
      %swap3A_89 = vector.shape_cast %swap3A_88 : vector<1x16xf32> to vector<16xf32>
      %swap3A_90 = vector.shape_cast %broadcast_in_dim3A_42 : vector<16xf32> to vector<1x16xf32>
      tpu.vector_store %arg9[%swap3A_86, %swap3A_87], %swap3A_90 {strides = array<i32>} : memref<128x128xf32, #tpu.memory_space<vmem>>, vector<1x16xf32>,
      %swap3A_91 = arith.index_cast %add3A_76 : i32 to index
      %swap3A_92 = arith.constant 48 : index
      %swap3A_93 = tpu.vector_load %arg9[%swap3A_91, %swap3A_92] {strides = array<i32>} : memref<128x128xf32, #tpu.memory_space<vmem>>, vector<1x16xf32>,
      %swap3A_94 = vector.shape_cast %swap3A_93 : vector<1x16xf32> to vector<16xf32>
      %swap3A_95 = vector.shape_cast %broadcast_in_dim3A_42 : vector<16xf32> to vector<1x16xf32>
      tpu.vector_store %arg9[%swap3A_91, %swap3A_92], %swap3A_95 {strides = array<i32>} : memref<128x128xf32, #tpu.memory_space<vmem>>, vector<1x16xf32>,
      %swap3A_96 = arith.index_cast %add3A_76 : i32 to index
      %swap3A_97 = arith.constant 64 : index
      %swap3A_98 = tpu.vector_load %arg9[%swap3A_96, %swap3A_97] {strides = array<i32>} : memref<128x128xf32, #tpu.memory_space<vmem>>, vector<1x16xf32>,
      %swap3A_99 = vector.shape_cast %swap3A_98 : vector<1x16xf32> to vector<16xf32>
      %swap3A_100 = vector.shape_cast %broadcast_in_dim3A_42 : vector<16xf32> to vector<1x16xf32>
      tpu.vector_store %arg9[%swap3A_96, %swap3A_97], %swap3A_100 {strides = array<i32>} : memref<128x128xf32, #tpu.memory_space<vmem>>, vector<1x16xf32>,
      %swap3A_101 = arith.index_cast %add3A_76 : i32 to index
      %swap3A_102 = arith.constant 80 : index
      %swap3A_103 = tpu.vector_load %arg9[%swap3A_101, %swap3A_102] {strides = array<i32>} : memref<128x128xf32, #tpu.memory_space<vmem>>, vector<1x16xf32>,
      %swap3A_104 = vector.shape_cast %swap3A_103 : vector<1x16xf32> to vector<16xf32>
      %swap3A_105 = vector.shape_cast %broadcast_in_dim3A_42 : vector<16xf32> to vector<1x16xf32>
      tpu.vector_store %arg9[%swap3A_101, %swap3A_102], %swap3A_105 {strides = array<i32>} : memref<128x128xf32, #tpu.memory_space<vmem>>, vector<1x16xf32>,
      %swap3A_106 = arith.index_cast %add3A_76 : i32 to index
      %swap3A_107 = arith.constant 96 : index
      %swap3A_108 = tpu.vector_load %arg9[%swap3A_106, %swap3A_107] {strides = array<i32>} : memref<128x128xf32, #tpu.memory_space<vmem>>, vector<1x16xf32>,
      %swap3A_109 = vector.shape_cast %swap3A_108 : vector<1x16xf32> to vector<16xf32>
      %swap3A_110 = vector.shape_cast %broadcast_in_dim3A_42 : vector<16xf32> to vector<1x16xf32>
      tpu.vector_store %arg9[%swap3A_106, %swap3A_107], %swap3A_110 {strides = array<i32>} : memref<128x128xf32, #tpu.memory_space<vmem>>, vector<1x16xf32>,
      %swap3A_111 = arith.index_cast %add3A_76 : i32 to index
      %swap3A_112 = arith.constant 112 : index
      %swap3A_113 = tpu.vector_load %arg9[%swap3A_111, %swap3A_112] {strides = array<i32>} : memref<128x128xf32, #tpu.memory_space<vmem>>, vector<1x16xf32>,
      %swap3A_114 = vector.shape_cast %swap3A_113 : vector<1x16xf32> to vector<16xf32>
      %swap3A_115 = vector.shape_cast %broadcast_in_dim3A_42 : vector<16xf32> to vector<1x16xf32>
      tpu.vector_store %arg9[%swap3A_111, %swap3A_112], %swap3A_115 {strides = array<i32>} : memref<128x128xf32, #tpu.memory_space<vmem>>, vector<1x16xf32>,
    }
    %scan3A_46 = arith.constant 128 : i32
    %scan3A_47 = arith.constant 0 : i32
    %scan3A_48 = arith.constant 5 : i32
    %scan3A_49 = arith.addi %scan3A_47, %scan3A_48 : i32
    %scan3A_50 = arith.constant 1 : i32
    scf.for %scan3A_72 = %scan3A_47 to %scan3A_49 step %scan3A_50  : i32 {
      %mul3A_73 = arith.constant 1 : i32
      %mul3A_74 = arith.muli %scan3A_72, %mul3A_73 : i32
      %add3A_75 = arith.constant 0 : i32
      %add3A_76 = arith.addi %add3A_75, %mul3A_74 : i32
      %mul3A_77 = arith.constant 128 : i32
      %mul3A_78 = arith.muli %add3A_76, %mul3A_77 : i32
      %add3A_79 = arith.addi %mul3A_2, %mul3A_78 : i32
      "tpu.region"() ({
        %run_scoped3A = tpu.sem_alloc : memref<!tpu.dma_semaphore, #tpu.memory_space<semaphore_mem>>
        %dma_start3A_80 = arith.constant 0 : i32
        %dma_start3A_81 = tpu.memref_slice %arg11[%add3A_79, %dma_start3A_80] : memref<10240x128xf32, #tpu.memory_space<vmem_shared>> -> memref<128x128xf32, #tpu.memory_space<vmem_shared>>
        %dma_start3A_82 = arith.constant 0 : i32
        %dma_start3A_83 = tpu.memref_slice %arg11[%add3A_79, %dma_start3A_82] : memref<10240x128xf32, #tpu.memory_space<vmem_shared>> -> memref<128x128xf32, #tpu.memory_space<vmem_shared>>
        tpu.enqueue_dma source(%arg9 : memref<128x128xf32, #tpu.memory_space<vmem>>) target(%dma_start3A_83 : memref<128x128xf32, #tpu.memory_space<vmem_shared>>) target_semaphore(%run_scoped3A : memref<!tpu.dma_semaphore, #tpu.memory_space<semaphore_mem>>)
        %dma_wait3A_84 = arith.constant 0 : i32
        %dma_wait3A_85 = tpu.memref_slice %arg11[%add3A_79, %dma_wait3A_84] : memref<10240x128xf32, #tpu.memory_space<vmem_shared>> -> memref<128x128xf32, #tpu.memory_space<vmem_shared>>
        %dma_wait3A_86 = arith.constant 0 : i32
        %dma_wait3A_87 = tpu.memref_slice %arg11[%add3A_79, %dma_wait3A_86] : memref<10240x128xf32, #tpu.memory_space<vmem_shared>> -> memref<128x128xf32, #tpu.memory_space<vmem_shared>>
        tpu.wait_dma2 semaphore(%run_scoped3A : memref<!tpu.dma_semaphore, #tpu.memory_space<semaphore_mem>>) src(%arg9 : memref<128x128xf32, #tpu.memory_space<vmem>>) dst(%dma_wait3A_87 : memref<128x128xf32, #tpu.memory_space<vmem_shared>>)
        tpu.yield
      }) : () -> ()
    }
    %scan3A_51 = arith.constant 5 : i32
    %barrier3A = arith.constant 0 : index
    tpu.barrier barrier_id(%barrier3A)
    %dma_wait3A = arith.constant 0 : i32
    %dma_wait3A_52 = arith.constant 0 : i32
    %dma_wait3A_53 = tpu.memref_slice %arg3[%add3A, %dma_wait3A, %dma_wait3A_52] : memref<2560x2x128xi32, #tpu.memory_space<hbm>> -> memref<1x2x128xi32, #tpu.memory_space<hbm>>
    %dma_wait3A_54 = tpu.memref_squeeze %dma_wait3A_53 : memref<1x2x128xi32, #tpu.memory_space<hbm>> -> memref<2x128xi32, #tpu.memory_space<hbm>>
    %dma_wait3A_55 = arith.constant 0 : i32
    %dma_wait3A_56 = arith.constant 0 : i32
    %dma_wait3A_57 = tpu.memref_slice %arg3[%add3A, %dma_wait3A_55, %dma_wait3A_56] : memref<2560x2x128xi32, #tpu.memory_space<hbm>> -> memref<1x2x128xi32, #tpu.memory_space<hbm>>
    %dma_wait3A_58 = tpu.memref_squeeze %dma_wait3A_57 : memref<1x2x128xi32, #tpu.memory_space<hbm>> -> memref<2x128xi32, #tpu.memory_space<hbm>>
    tpu.wait_dma2 semaphore(%arg12 : memref<!tpu.dma_semaphore, #tpu.memory_space<semaphore_mem>>) src(%dma_wait3A_58 : memref<2x128xi32, #tpu.memory_space<hbm>>) dst(%arg5 : memref<2x128xi32, #tpu.memory_space<vmem>>)
    %dma_start3A_59 = arith.constant 0 : i32
    %dma_start3A_60 = arith.constant 0 : i32
    %dma_start3A_61 = tpu.memref_slice %arg5[%dma_start3A_59, %dma_start3A_60] : memref<2x128xi32, #tpu.memory_space<vmem>> -> memref<1x128xi32, #tpu.memory_space<vmem>>
    %dma_start3A_62 = tpu.memref_squeeze %dma_start3A_61 : memref<1x128xi32, #tpu.memory_space<vmem>> -> memref<128xi32, #tpu.memory_space<vmem>>
    %dma_start3A_63 = arith.constant 0 : i32
    %dma_start3A_64 = arith.constant 0 : i32
    %dma_start3A_65 = tpu.memref_slice %arg2[%dma_start3A_63, %dma_start3A_64] : memref<10240x128xf32, #tpu.memory_space<hbm>> -> memref<10240x128xf32, #tpu.memory_space<hbm>>
    tpu.enqueue_indirect_dma source(%dma_start3A_65 : memref<10240x128xf32, #tpu.memory_space<hbm>>) target(%arg9 : memref<128x128xf32, #tpu.memory_space<vmem>>) offsets(%dma_start3A_62 : memref<128xi32, #tpu.memory_space<vmem>>) semaphore(%arg16 : memref<!tpu.dma_semaphore, #tpu.memory_space<semaphore_mem>>)
    %scan3A_66 = arith.constant 0 : i32
    %scan3A_67 = arith.constant 20 : i32
    %scan3A_68 = arith.addi %scan3A_66, %scan3A_67 : i32
    %scan3A_69 = arith.constant 1 : i32
    scf.for %scan3A_72 = %scan3A_66 to %scan3A_68 step %scan3A_69  : i32 {
      %mul3A_73 = arith.constant 4 : i32
      %mul3A_74 = arith.muli %scan3A_72, %mul3A_73 : i32
      %add3A_75 = arith.constant 0 : i32
      %add3A_76 = arith.addi %add3A_75, %mul3A_74 : i32
      %add3A_77 = arith.constant 0 : i32
      %add3A_78 = arith.addi %add3A_76, %add3A_77 : i32
      %dma_wait3A_79 = arith.constant 0 : i32
      %dma_wait3A_80 = arith.constant 0 : i32
      %dma_wait3A_81 = tpu.memref_slice %arg2[%dma_wait3A_79, %dma_wait3A_80] : memref<10240x128xf32, #tpu.memory_space<hbm>> -> memref<128x128xf32, #tpu.memory_space<hbm>>
      %dma_wait3A_82 = arith.constant 0 : i32
      %dma_wait3A_83 = arith.constant 0 : i32
      %dma_wait3A_84 = tpu.memref_slice %arg2[%dma_wait3A_82, %dma_wait3A_83] : memref<10240x128xf32, #tpu.memory_space<hbm>> -> memref<128x128xf32, #tpu.memory_space<hbm>>
      tpu.wait_dma2 semaphore(%arg16 : memref<!tpu.dma_semaphore, #tpu.memory_space<semaphore_mem>>) src(%dma_wait3A_84 : memref<128x128xf32, #tpu.memory_space<hbm>>) dst(%arg9 : memref<128x128xf32, #tpu.memory_space<vmem>>)
      %add3A_85 = arith.constant 1 : i32
      %add3A_86 = arith.addi %add3A_78, %add3A_85 : i32
      %lt3A = arith.constant 80 : i32
      %lt3A_87 = arith.cmpi slt, %add3A_86, %lt3A : i32
      %convert_element_type3A = arith.extui %lt3A_87 : i1 to i32
      %cond3A = arith.constant 0 : i32
      %cond3A_88 = arith.cmpi ne, %convert_element_type3A, %cond3A : i32
      scf.if %cond3A_88 {
        %dma_wait3A_165 = arith.constant 0 : i32
        %dma_wait3A_166 = arith.constant 0 : i32
        %dma_wait3A_167 = tpu.memref_slice %arg3[%add3A, %dma_wait3A_165, %dma_wait3A_166] : memref<2560x2x128xi32, #tpu.memory_space<hbm>> -> memref<1x2x128xi32, #tpu.memory_space<hbm>>
        %dma_wait3A_168 = tpu.memref_squeeze %dma_wait3A_167 : memref<1x2x128xi32, #tpu.memory_space<hbm>> -> memref<2x128xi32, #tpu.memory_space<hbm>>
        %dma_wait3A_169 = arith.constant 0 : i32
        %dma_wait3A_170 = arith.constant 0 : i32
        %dma_wait3A_171 = tpu.memref_slice %arg3[%add3A, %dma_wait3A_169, %dma_wait3A_170] : memref<2560x2x128xi32, #tpu.memory_space<hbm>> -> memref<1x2x128xi32, #tpu.memory_space<hbm>>
        %dma_wait3A_172 = tpu.memref_squeeze %dma_wait3A_171 : memref<1x2x128xi32, #tpu.memory_space<hbm>> -> memref<2x128xi32, #tpu.memory_space<hbm>>
        tpu.wait_dma2 semaphore(%arg13 : memref<!tpu.dma_semaphore, #tpu.memory_space<semaphore_mem>>) src(%dma_wait3A_172 : memref<2x128xi32, #tpu.memory_space<hbm>>) dst(%arg6 : memref<2x128xi32, #tpu.memory_space<vmem>>)
        %dma_start3A_173 = arith.constant 0 : i32
        %dma_start3A_174 = arith.constant 0 : i32
        %dma_start3A_175 = tpu.memref_slice %arg6[%dma_start3A_173, %dma_start3A_174] : memref<2x128xi32, #tpu.memory_space<vmem>> -> memref<1x128xi32, #tpu.memory_space<vmem>>
        %dma_start3A_176 = tpu.memref_squeeze %dma_start3A_175 : memref<1x128xi32, #tpu.memory_space<vmem>> -> memref<128xi32, #tpu.memory_space<vmem>>
        %dma_start3A_177 = arith.constant 0 : i32
        %dma_start3A_178 = arith.constant 0 : i32
        %dma_start3A_179 = tpu.memref_slice %arg2[%dma_start3A_177, %dma_start3A_178] : memref<10240x128xf32, #tpu.memory_space<hbm>> -> memref<10240x128xf32, #tpu.memory_space<hbm>>
        tpu.enqueue_indirect_dma source(%dma_start3A_179 : memref<10240x128xf32, #tpu.memory_space<hbm>>) target(%arg10 : memref<128x128xf32, #tpu.memory_space<vmem>>) offsets(%dma_start3A_176 : memref<128xi32, #tpu.memory_space<vmem>>) semaphore(%arg17 : memref<!tpu.dma_semaphore, #tpu.memory_space<semaphore_mem>>)
      } else {
      }
      %run_scoped3A = arith.constant 1 : i32
      "tpu.region"() ({
        %run_scoped3A_165 = tpu.sem_alloc : memref<!tpu.dma_semaphore, #tpu.memory_space<semaphore_mem>>
        %dma_start3A_166 = arith.constant 0 : i32
        %dma_start3A_167 = tpu.memref_slice %arg5[%run_scoped3A, %dma_start3A_166] : memref<2x128xi32, #tpu.memory_space<vmem>> -> memref<1x128xi32, #tpu.memory_space<vmem>>
        %dma_start3A_168 = tpu.memref_squeeze %dma_start3A_167 : memref<1x128xi32, #tpu.memory_space<vmem>> -> memref<128xi32, #tpu.memory_space<vmem>>
        %dma_start3A_169 = arith.constant 0 : i32
        %dma_start3A_170 = arith.constant 0 : i32
        %dma_start3A_171 = tpu.memref_slice %arg11[%dma_start3A_169, %dma_start3A_170] : memref<10240x128xf32, #tpu.memory_space<vmem_shared>> -> memref<10240x128xf32, #tpu.memory_space<vmem_shared>>
        tpu.enqueue_indirect_dma source(%arg9 : memref<128x128xf32, #tpu.memory_space<vmem>>) target(%dma_start3A_171 : memref<10240x128xf32, #tpu.memory_space<vmem_shared>>) offsets(%dma_start3A_168 : memref<128xi32, #tpu.memory_space<vmem>>) semaphore(%run_scoped3A_165 : memref<!tpu.dma_semaphore, #tpu.memory_space<semaphore_mem>>) {add = true}
        %dma_wait3A_172 = arith.constant 0 : i32
        %dma_wait3A_173 = tpu.memref_slice %arg5[%run_scoped3A, %dma_wait3A_172] : memref<2x128xi32, #tpu.memory_space<vmem>> -> memref<1x128xi32, #tpu.memory_space<vmem>>
        %dma_wait3A_174 = tpu.memref_squeeze %dma_wait3A_173 : memref<1x128xi32, #tpu.memory_space<vmem>> -> memref<128xi32, #tpu.memory_space<vmem>>
        %dma_wait3A_175 = arith.constant 0 : i32
        %dma_wait3A_176 = arith.constant 0 : i32
        %dma_wait3A_177 = tpu.memref_slice %arg11[%dma_wait3A_175, %dma_wait3A_176] : memref<10240x128xf32, #tpu.memory_space<vmem_shared>> -> memref<10240x128xf32, #tpu.memory_space<vmem_shared>>
        tpu.wait_indirect_dma semaphore(%run_scoped3A_165 : memref<!tpu.dma_semaphore, #tpu.memory_space<semaphore_mem>>) src(%arg9 : memref<128x128xf32, #tpu.memory_space<vmem>>) dst(%dma_wait3A_177 : memref<10240x128xf32, #tpu.memory_space<vmem_shared>>)
        tpu.yield
      }) : () -> ()
      %add3A_89 = arith.constant 4 : i32
      %add3A_90 = arith.addi %add3A_78, %add3A_89 : i32
      %lt3A_91 = arith.constant 80 : i32
      %lt3A_92 = arith.cmpi slt, %add3A_90, %lt3A_91 : i32
      %convert_element_type3A_93 = arith.extui %lt3A_92 : i1 to i32
      %cond3A_94 = arith.constant 0 : i32
      %cond3A_95 = arith.cmpi ne, %convert_element_type3A_93, %cond3A_94 : i32
      scf.if %cond3A_95 {
        %add3A_165 = arith.constant 4 : i32
        %add3A_166 = arith.addi %add3A_78, %add3A_165 : i32
        %mul3A_167 = arith.constant 32 : i32
        %mul3A_168 = arith.muli %add3A_166, %mul3A_167 : i32
        %add3A_169 = arith.addi %add3A, %mul3A_168 : i32
        %dma_start3A_170 = arith.constant 0 : i32
        %dma_start3A_171 = arith.constant 0 : i32
        %dma_start3A_172 = tpu.memref_slice %arg3[%add3A_169, %dma_start3A_170, %dma_start3A_171] : memref<2560x2x128xi32, #tpu.memory_space<hbm>> -> memref<1x2x128xi32, #tpu.memory_space<hbm>>
        %dma_start3A_173 = tpu.memref_squeeze %dma_start3A_172 : memref<1x2x128xi32, #tpu.memory_space<hbm>> -> memref<2x128xi32, #tpu.memory_space<hbm>>
        %dma_start3A_174 = arith.constant 0 : i32
        %dma_start3A_175 = arith.constant 0 : i32
        %dma_start3A_176 = tpu.memref_slice %arg3[%add3A_169, %dma_start3A_174, %dma_start3A_175] : memref<2560x2x128xi32, #tpu.memory_space<hbm>> -> memref<1x2x128xi32, #tpu.memory_space<hbm>>
        %dma_start3A_177 = tpu.memref_squeeze %dma_start3A_176 : memref<1x2x128xi32, #tpu.memory_space<hbm>> -> memref<2x128xi32, #tpu.memory_space<hbm>>
        tpu.enqueue_dma source(%dma_start3A_177 : memref<2x128xi32, #tpu.memory_space<hbm>>) target(%arg5 : memref<2x128xi32, #tpu.memory_space<vmem>>) target_semaphore(%arg12 : memref<!tpu.dma_semaphore, #tpu.memory_space<semaphore_mem>>)
      } else {
      }
      %add3A_96 = arith.constant 1 : i32
      %add3A_97 = arith.addi %add3A_76, %add3A_96 : i32
      %dma_wait3A_98 = arith.constant 0 : i32
      %dma_wait3A_99 = arith.constant 0 : i32
      %dma_wait3A_100 = tpu.memref_slice %arg2[%dma_wait3A_98, %dma_wait3A_99] : memref<10240x128xf32, #tpu.memory_space<hbm>> -> memref<128x128xf32, #tpu.memory_space<hbm>>
      %dma_wait3A_101 = arith.constant 0 : i32
      %dma_wait3A_102 = arith.constant 0 : i32
      %dma_wait3A_103 = tpu.memref_slice %arg2[%dma_wait3A_101, %dma_wait3A_102] : memref<10240x128xf32, #tpu.memory_space<hbm>> -> memref<128x128xf32, #tpu.memory_space<hbm>>
      tpu.wait_dma2 semaphore(%arg17 : memref<!tpu.dma_semaphore, #tpu.memory_space<semaphore_mem>>) src(%dma_wait3A_103 : memref<128x128xf32, #tpu.memory_space<hbm>>) dst(%arg10 : memref<128x128xf32, #tpu.memory_space<vmem>>)
      %add3A_104 = arith.constant 1 : i32
      %add3A_105 = arith.addi %add3A_97, %add3A_104 : i32
      %lt3A_106 = arith.constant 80 : i32
      %lt3A_107 = arith.cmpi slt, %add3A_105, %lt3A_106 : i32
      %convert_element_type3A_108 = arith.extui %lt3A_107 : i1 to i32
      %cond3A_109 = arith.constant 0 : i32
      %cond3A_110 = arith.cmpi ne, %convert_element_type3A_108, %cond3A_109 : i32
      scf.if %cond3A_110 {
        %dma_wait3A_165 = arith.constant 0 : i32
        %dma_wait3A_166 = arith.constant 0 : i32
        %dma_wait3A_167 = tpu.memref_slice %arg3[%add3A, %dma_wait3A_165, %dma_wait3A_166] : memref<2560x2x128xi32, #tpu.memory_space<hbm>> -> memref<1x2x128xi32, #tpu.memory_space<hbm>>
        %dma_wait3A_168 = tpu.memref_squeeze %dma_wait3A_167 : memref<1x2x128xi32, #tpu.memory_space<hbm>> -> memref<2x128xi32, #tpu.memory_space<hbm>>
        %dma_wait3A_169 = arith.constant 0 : i32
        %dma_wait3A_170 = arith.constant 0 : i32
        %dma_wait3A_171 = tpu.memref_slice %arg3[%add3A, %dma_wait3A_169, %dma_wait3A_170] : memref<2560x2x128xi32, #tpu.memory_space<hbm>> -> memref<1x2x128xi32, #tpu.memory_space<hbm>>
        %dma_wait3A_172 = tpu.memref_squeeze %dma_wait3A_171 : memref<1x2x128xi32, #tpu.memory_space<hbm>> -> memref<2x128xi32, #tpu.memory_space<hbm>>
        tpu.wait_dma2 semaphore(%arg14 : memref<!tpu.dma_semaphore, #tpu.memory_space<semaphore_mem>>) src(%dma_wait3A_172 : memref<2x128xi32, #tpu.memory_space<hbm>>) dst(%arg7 : memref<2x128xi32, #tpu.memory_space<vmem>>)
        %dma_start3A_173 = arith.constant 0 : i32
        %dma_start3A_174 = arith.constant 0 : i32
        %dma_start3A_175 = tpu.memref_slice %arg7[%dma_start3A_173, %dma_start3A_174] : memref<2x128xi32, #tpu.memory_space<vmem>> -> memref<1x128xi32, #tpu.memory_space<vmem>>
        %dma_start3A_176 = tpu.memref_squeeze %dma_start3A_175 : memref<1x128xi32, #tpu.memory_space<vmem>> -> memref<128xi32, #tpu.memory_space<vmem>>
        %dma_start3A_177 = arith.constant 0 : i32
        %dma_start3A_178 = arith.constant 0 : i32
        %dma_start3A_179 = tpu.memref_slice %arg2[%dma_start3A_177, %dma_start3A_178] : memref<10240x128xf32, #tpu.memory_space<hbm>> -> memref<10240x128xf32, #tpu.memory_space<hbm>>
        tpu.enqueue_indirect_dma source(%dma_start3A_179 : memref<10240x128xf32, #tpu.memory_space<hbm>>) target(%arg9 : memref<128x128xf32, #tpu.memory_space<vmem>>) offsets(%dma_start3A_176 : memref<128xi32, #tpu.memory_space<vmem>>) semaphore(%arg16 : memref<!tpu.dma_semaphore, #tpu.memory_space<semaphore_mem>>)
      } else {
      }
      %run_scoped3A_111 = arith.constant 1 : i32
      "tpu.region"() ({
        %run_scoped3A_165 = tpu.sem_alloc : memref<!tpu.dma_semaphore, #tpu.memory_space<semaphore_mem>>
        %dma_start3A_166 = arith.constant 0 : i32
        %dma_start3A_167 = tpu.memref_slice %arg6[%run_scoped3A_111, %dma_start3A_166] : memref<2x128xi32, #tpu.memory_space<vmem>> -> memref<1x128xi32, #tpu.memory_space<vmem>>
        %dma_start3A_168 = tpu.memref_squeeze %dma_start3A_167 : memref<1x128xi32, #tpu.memory_space<vmem>> -> memref<128xi32, #tpu.memory_space<vmem>>
        %dma_start3A_169 = arith.constant 0 : i32
        %dma_start3A_170 = arith.constant 0 : i32
        %dma_start3A_171 = tpu.memref_slice %arg11[%dma_start3A_169, %dma_start3A_170] : memref<10240x128xf32, #tpu.memory_space<vmem_shared>> -> memref<10240x128xf32, #tpu.memory_space<vmem_shared>>
        tpu.enqueue_indirect_dma source(%arg10 : memref<128x128xf32, #tpu.memory_space<vmem>>) target(%dma_start3A_171 : memref<10240x128xf32, #tpu.memory_space<vmem_shared>>) offsets(%dma_start3A_168 : memref<128xi32, #tpu.memory_space<vmem>>) semaphore(%run_scoped3A_165 : memref<!tpu.dma_semaphore, #tpu.memory_space<semaphore_mem>>) {add = true}
        %dma_wait3A_172 = arith.constant 0 : i32
        %dma_wait3A_173 = tpu.memref_slice %arg6[%run_scoped3A_111, %dma_wait3A_172] : memref<2x128xi32, #tpu.memory_space<vmem>> -> memref<1x128xi32, #tpu.memory_space<vmem>>
        %dma_wait3A_174 = tpu.memref_squeeze %dma_wait3A_173 : memref<1x128xi32, #tpu.memory_space<vmem>> -> memref<128xi32, #tpu.memory_space<vmem>>
        %dma_wait3A_175 = arith.constant 0 : i32
        %dma_wait3A_176 = arith.constant 0 : i32
        %dma_wait3A_177 = tpu.memref_slice %arg11[%dma_wait3A_175, %dma_wait3A_176] : memref<10240x128xf32, #tpu.memory_space<vmem_shared>> -> memref<10240x128xf32, #tpu.memory_space<vmem_shared>>
        tpu.wait_indirect_dma semaphore(%run_scoped3A_165 : memref<!tpu.dma_semaphore, #tpu.memory_space<semaphore_mem>>) src(%arg10 : memref<128x128xf32, #tpu.memory_space<vmem>>) dst(%dma_wait3A_177 : memref<10240x128xf32, #tpu.memory_space<vmem_shared>>)
        tpu.yield
      }) : () -> ()
      %add3A_112 = arith.constant 4 : i32
      %add3A_113 = arith.addi %add3A_97, %add3A_112 : i32
      %lt3A_114 = arith.constant 80 : i32
      %lt3A_115 = arith.cmpi slt, %add3A_113, %lt3A_114 : i32
      %convert_element_type3A_116 = arith.extui %lt3A_115 : i1 to i32
      %cond3A_117 = arith.constant 0 : i32
      %cond3A_118 = arith.cmpi ne, %convert_element_type3A_116, %cond3A_117 : i32
      scf.if %cond3A_118 {
        %add3A_165 = arith.constant 4 : i32
        %add3A_166 = arith.addi %add3A_97, %add3A_165 : i32
        %mul3A_167 = arith.constant 32 : i32
        %mul3A_168 = arith.muli %add3A_166, %mul3A_167 : i32
        %add3A_169 = arith.addi %add3A, %mul3A_168 : i32
        %dma_start3A_170 = arith.constant 0 : i32
        %dma_start3A_171 = arith.constant 0 : i32
        %dma_start3A_172 = tpu.memref_slice %arg3[%add3A_169, %dma_start3A_170, %dma_start3A_171] : memref<2560x2x128xi32, #tpu.memory_space<hbm>> -> memref<1x2x128xi32, #tpu.memory_space<hbm>>
        %dma_start3A_173 = tpu.memref_squeeze %dma_start3A_172 : memref<1x2x128xi32, #tpu.memory_space<hbm>> -> memref<2x128xi32, #tpu.memory_space<hbm>>
        %dma_start3A_174 = arith.constant 0 : i32
        %dma_start3A_175 = arith.constant 0 : i32
        %dma_start3A_176 = tpu.memref_slice %arg3[%add3A_169, %dma_start3A_174, %dma_start3A_175] : memref<2560x2x128xi32, #tpu.memory_space<hbm>> -> memref<1x2x128xi32, #tpu.memory_space<hbm>>
        %dma_start3A_177 = tpu.memref_squeeze %dma_start3A_176 : memref<1x2x128xi32, #tpu.memory_space<hbm>> -> memref<2x128xi32, #tpu.memory_space<hbm>>
        tpu.enqueue_dma source(%dma_start3A_177 : memref<2x128xi32, #tpu.memory_space<hbm>>) target(%arg6 : memref<2x128xi32, #tpu.memory_space<vmem>>) target_semaphore(%arg13 : memref<!tpu.dma_semaphore, #tpu.memory_space<semaphore_mem>>)
      } else {
      }
      %add3A_119 = arith.constant 2 : i32
      %add3A_120 = arith.addi %add3A_76, %add3A_119 : i32
      %dma_wait3A_121 = arith.constant 0 : i32
      %dma_wait3A_122 = arith.constant 0 : i32
      %dma_wait3A_123 = tpu.memref_slice %arg2[%dma_wait3A_121, %dma_wait3A_122] : memref<10240x128xf32, #tpu.memory_space<hbm>> -> memref<128x128xf32, #tpu.memory_space<hbm>>
      %dma_wait3A_124 = arith.constant 0 : i32
      %dma_wait3A_125 = arith.constant 0 : i32
      %dma_wait3A_126 = tpu.memref_slice %arg2[%dma_wait3A_124, %dma_wait3A_125] : memref<10240x128xf32, #tpu.memory_space<hbm>> -> memref<128x128xf32, #tpu.memory_space<hbm>>
      tpu.wait_dma2 semaphore(%arg16 : memref<!tpu.dma_semaphore, #tpu.memory_space<semaphore_mem>>) src(%dma_wait3A_126 : memref<128x128xf32, #tpu.memory_space<hbm>>) dst(%arg9 : memref<128x128xf32, #tpu.memory_space<vmem>>)
      %add3A_127 = arith.constant 1 : i32
      %add3A_128 = arith.addi %add3A_120, %add3A_127 : i32
      %lt3A_129 = arith.constant 80 : i32
      %lt3A_130 = arith.cmpi slt, %add3A_128, %lt3A_129 : i32
      %convert_element_type3A_131 = arith.extui %lt3A_130 : i1 to i32
      %cond3A_132 = arith.constant 0 : i32
      %cond3A_133 = arith.cmpi ne, %convert_element_type3A_131, %cond3A_132 : i32
      scf.if %cond3A_133 {
        %dma_wait3A_165 = arith.constant 0 : i32
        %dma_wait3A_166 = arith.constant 0 : i32
        %dma_wait3A_167 = tpu.memref_slice %arg3[%add3A, %dma_wait3A_165, %dma_wait3A_166] : memref<2560x2x128xi32, #tpu.memory_space<hbm>> -> memref<1x2x128xi32, #tpu.memory_space<hbm>>
        %dma_wait3A_168 = tpu.memref_squeeze %dma_wait3A_167 : memref<1x2x128xi32, #tpu.memory_space<hbm>> -> memref<2x128xi32, #tpu.memory_space<hbm>>
        %dma_wait3A_169 = arith.constant 0 : i32
        %dma_wait3A_170 = arith.constant 0 : i32
        %dma_wait3A_171 = tpu.memref_slice %arg3[%add3A, %dma_wait3A_169, %dma_wait3A_170] : memref<2560x2x128xi32, #tpu.memory_space<hbm>> -> memref<1x2x128xi32, #tpu.memory_space<hbm>>
        %dma_wait3A_172 = tpu.memref_squeeze %dma_wait3A_171 : memref<1x2x128xi32, #tpu.memory_space<hbm>> -> memref<2x128xi32, #tpu.memory_space<hbm>>
        tpu.wait_dma2 semaphore(%arg15 : memref<!tpu.dma_semaphore, #tpu.memory_space<semaphore_mem>>) src(%dma_wait3A_172 : memref<2x128xi32, #tpu.memory_space<hbm>>) dst(%arg8 : memref<2x128xi32, #tpu.memory_space<vmem>>)
        %dma_start3A_173 = arith.constant 0 : i32
        %dma_start3A_174 = arith.constant 0 : i32
        %dma_start3A_175 = tpu.memref_slice %arg8[%dma_start3A_173, %dma_start3A_174] : memref<2x128xi32, #tpu.memory_space<vmem>> -> memref<1x128xi32, #tpu.memory_space<vmem>>
        %dma_start3A_176 = tpu.memref_squeeze %dma_start3A_175 : memref<1x128xi32, #tpu.memory_space<vmem>> -> memref<128xi32, #tpu.memory_space<vmem>>
        %dma_start3A_177 = arith.constant 0 : i32
        %dma_start3A_178 = arith.constant 0 : i32
        %dma_start3A_179 = tpu.memref_slice %arg2[%dma_start3A_177, %dma_start3A_178] : memref<10240x128xf32, #tpu.memory_space<hbm>> -> memref<10240x128xf32, #tpu.memory_space<hbm>>
        tpu.enqueue_indirect_dma source(%dma_start3A_179 : memref<10240x128xf32, #tpu.memory_space<hbm>>) target(%arg10 : memref<128x128xf32, #tpu.memory_space<vmem>>) offsets(%dma_start3A_176 : memref<128xi32, #tpu.memory_space<vmem>>) semaphore(%arg17 : memref<!tpu.dma_semaphore, #tpu.memory_space<semaphore_mem>>)
      } else {
      }
      %run_scoped3A_134 = arith.constant 1 : i32
      "tpu.region"() ({
        %run_scoped3A_165 = tpu.sem_alloc : memref<!tpu.dma_semaphore, #tpu.memory_space<semaphore_mem>>
        %dma_start3A_166 = arith.constant 0 : i32
        %dma_start3A_167 = tpu.memref_slice %arg7[%run_scoped3A_134, %dma_start3A_166] : memref<2x128xi32, #tpu.memory_space<vmem>> -> memref<1x128xi32, #tpu.memory_space<vmem>>
        %dma_start3A_168 = tpu.memref_squeeze %dma_start3A_167 : memref<1x128xi32, #tpu.memory_space<vmem>> -> memref<128xi32, #tpu.memory_space<vmem>>
        %dma_start3A_169 = arith.constant 0 : i32
        %dma_start3A_170 = arith.constant 0 : i32
        %dma_start3A_171 = tpu.memref_slice %arg11[%dma_start3A_169, %dma_start3A_170] : memref<10240x128xf32, #tpu.memory_space<vmem_shared>> -> memref<10240x128xf32, #tpu.memory_space<vmem_shared>>
        tpu.enqueue_indirect_dma source(%arg9 : memref<128x128xf32, #tpu.memory_space<vmem>>) target(%dma_start3A_171 : memref<10240x128xf32, #tpu.memory_space<vmem_shared>>) offsets(%dma_start3A_168 : memref<128xi32, #tpu.memory_space<vmem>>) semaphore(%run_scoped3A_165 : memref<!tpu.dma_semaphore, #tpu.memory_space<semaphore_mem>>) {add = true}
        %dma_wait3A_172 = arith.constant 0 : i32
        %dma_wait3A_173 = tpu.memref_slice %arg7[%run_scoped3A_134, %dma_wait3A_172] : memref<2x128xi32, #tpu.memory_space<vmem>> -> memref<1x128xi32, #tpu.memory_space<vmem>>
        %dma_wait3A_174 = tpu.memref_squeeze %dma_wait3A_173 : memref<1x128xi32, #tpu.memory_space<vmem>> -> memref<128xi32, #tpu.memory_space<vmem>>
        %dma_wait3A_175 = arith.constant 0 : i32
        %dma_wait3A_176 = arith.constant 0 : i32
        %dma_wait3A_177 = tpu.memref_slice %arg11[%dma_wait3A_175, %dma_wait3A_176] : memref<10240x128xf32, #tpu.memory_space<vmem_shared>> -> memref<10240x128xf32, #tpu.memory_space<vmem_shared>>
        tpu.wait_indirect_dma semaphore(%run_scoped3A_165 : memref<!tpu.dma_semaphore, #tpu.memory_space<semaphore_mem>>) src(%arg9 : memref<128x128xf32, #tpu.memory_space<vmem>>) dst(%dma_wait3A_177 : memref<10240x128xf32, #tpu.memory_space<vmem_shared>>)
        tpu.yield
      }) : () -> ()
      %add3A_135 = arith.constant 4 : i32
      %add3A_136 = arith.addi %add3A_120, %add3A_135 : i32
      %lt3A_137 = arith.constant 80 : i32
      %lt3A_138 = arith.cmpi slt, %add3A_136, %lt3A_137 : i32
      %convert_element_type3A_139 = arith.extui %lt3A_138 : i1 to i32
      %cond3A_140 = arith.constant 0 : i32
      %cond3A_141 = arith.cmpi ne, %convert_element_type3A_139, %cond3A_140 : i32
      scf.if %cond3A_141 {
        %add3A_165 = arith.constant 4 : i32
        %add3A_166 = arith.addi %add3A_120, %add3A_165 : i32
        %mul3A_167 = arith.constant 32 : i32
        %mul3A_168 = arith.muli %add3A_166, %mul3A_167 : i32
        %add3A_169 = arith.addi %add3A, %mul3A_168 : i32
        %dma_start3A_170 = arith.constant 0 : i32
        %dma_start3A_171 = arith.constant 0 : i32
        %dma_start3A_172 = tpu.memref_slice %arg3[%add3A_169, %dma_start3A_170, %dma_start3A_171] : memref<2560x2x128xi32, #tpu.memory_space<hbm>> -> memref<1x2x128xi32, #tpu.memory_space<hbm>>
        %dma_start3A_173 = tpu.memref_squeeze %dma_start3A_172 : memref<1x2x128xi32, #tpu.memory_space<hbm>> -> memref<2x128xi32, #tpu.memory_space<hbm>>
        %dma_start3A_174 = arith.constant 0 : i32
        %dma_start3A_175 = arith.constant 0 : i32
        %dma_start3A_176 = tpu.memref_slice %arg3[%add3A_169, %dma_start3A_174, %dma_start3A_175] : memref<2560x2x128xi32, #tpu.memory_space<hbm>> -> memref<1x2x128xi32, #tpu.memory_space<hbm>>
        %dma_start3A_177 = tpu.memref_squeeze %dma_start3A_176 : memref<1x2x128xi32, #tpu.memory_space<hbm>> -> memref<2x128xi32, #tpu.memory_space<hbm>>
        tpu.enqueue_dma source(%dma_start3A_177 : memref<2x128xi32, #tpu.memory_space<hbm>>) target(%arg7 : memref<2x128xi32, #tpu.memory_space<vmem>>) target_semaphore(%arg14 : memref<!tpu.dma_semaphore, #tpu.memory_space<semaphore_mem>>)
      } else {
      }
      %add3A_142 = arith.constant 3 : i32
      %add3A_143 = arith.addi %add3A_76, %add3A_142 : i32
      %dma_wait3A_144 = arith.constant 0 : i32
      %dma_wait3A_145 = arith.constant 0 : i32
      %dma_wait3A_146 = tpu.memref_slice %arg2[%dma_wait3A_144, %dma_wait3A_145] : memref<10240x128xf32, #tpu.memory_space<hbm>> -> memref<128x128xf32, #tpu.memory_space<hbm>>
      %dma_wait3A_147 = arith.constant 0 : i32
      %dma_wait3A_148 = arith.constant 0 : i32
      %dma_wait3A_149 = tpu.memref_slice %arg2[%dma_wait3A_147, %dma_wait3A_148] : memref<10240x128xf32, #tpu.memory_space<hbm>> -> memref<128x128xf32, #tpu.memory_space<hbm>>
      tpu.wait_dma2 semaphore(%arg17 : memref<!tpu.dma_semaphore, #tpu.memory_space<semaphore_mem>>) src(%dma_wait3A_149 : memref<128x128xf32, #tpu.memory_space<hbm>>) dst(%arg10 : memref<128x128xf32, #tpu.memory_space<vmem>>)
      %add3A_150 = arith.constant 1 : i32
      %add3A_151 = arith.addi %add3A_143, %add3A_150 : i32
      %lt3A_152 = arith.constant 80 : i32
      %lt3A_153 = arith.cmpi slt, %add3A_151, %lt3A_152 : i32
      %convert_element_type3A_154 = arith.extui %lt3A_153 : i1 to i32
      %cond3A_155 = arith.constant 0 : i32
      %cond3A_156 = arith.cmpi ne, %convert_element_type3A_154, %cond3A_155 : i32
      scf.if %cond3A_156 {
        %dma_wait3A_165 = arith.constant 0 : i32
        %dma_wait3A_166 = arith.constant 0 : i32
        %dma_wait3A_167 = tpu.memref_slice %arg3[%add3A, %dma_wait3A_165, %dma_wait3A_166] : memref<2560x2x128xi32, #tpu.memory_space<hbm>> -> memref<1x2x128xi32, #tpu.memory_space<hbm>>
        %dma_wait3A_168 = tpu.memref_squeeze %dma_wait3A_167 : memref<1x2x128xi32, #tpu.memory_space<hbm>> -> memref<2x128xi32, #tpu.memory_space<hbm>>
        %dma_wait3A_169 = arith.constant 0 : i32
        %dma_wait3A_170 = arith.constant 0 : i32
        %dma_wait3A_171 = tpu.memref_slice %arg3[%add3A, %dma_wait3A_169, %dma_wait3A_170] : memref<2560x2x128xi32, #tpu.memory_space<hbm>> -> memref<1x2x128xi32, #tpu.memory_space<hbm>>
        %dma_wait3A_172 = tpu.memref_squeeze %dma_wait3A_171 : memref<1x2x128xi32, #tpu.memory_space<hbm>> -> memref<2x128xi32, #tpu.memory_space<hbm>>
        tpu.wait_dma2 semaphore(%arg12 : memref<!tpu.dma_semaphore, #tpu.memory_space<semaphore_mem>>) src(%dma_wait3A_172 : memref<2x128xi32, #tpu.memory_space<hbm>>) dst(%arg5 : memref<2x128xi32, #tpu.memory_space<vmem>>)
        %dma_start3A_173 = arith.constant 0 : i32
        %dma_start3A_174 = arith.constant 0 : i32
        %dma_start3A_175 = tpu.memref_slice %arg5[%dma_start3A_173, %dma_start3A_174] : memref<2x128xi32, #tpu.memory_space<vmem>> -> memref<1x128xi32, #tpu.memory_space<vmem>>
        %dma_start3A_176 = tpu.memref_squeeze %dma_start3A_175 : memref<1x128xi32, #tpu.memory_space<vmem>> -> memref<128xi32, #tpu.memory_space<vmem>>
        %dma_start3A_177 = arith.constant 0 : i32
        %dma_start3A_178 = arith.constant 0 : i32
        %dma_start3A_179 = tpu.memref_slice %arg2[%dma_start3A_177, %dma_start3A_178] : memref<10240x128xf32, #tpu.memory_space<hbm>> -> memref<10240x128xf32, #tpu.memory_space<hbm>>
        tpu.enqueue_indirect_dma source(%dma_start3A_179 : memref<10240x128xf32, #tpu.memory_space<hbm>>) target(%arg9 : memref<128x128xf32, #tpu.memory_space<vmem>>) offsets(%dma_start3A_176 : memref<128xi32, #tpu.memory_space<vmem>>) semaphore(%arg16 : memref<!tpu.dma_semaphore, #tpu.memory_space<semaphore_mem>>)
      } else {
      }
      %run_scoped3A_157 = arith.constant 1 : i32
      "tpu.region"() ({
        %run_scoped3A_165 = tpu.sem_alloc : memref<!tpu.dma_semaphore, #tpu.memory_space<semaphore_mem>>
        %dma_start3A_166 = arith.constant 0 : i32
        %dma_start3A_167 = tpu.memref_slice %arg8[%run_scoped3A_157, %dma_start3A_166] : memref<2x128xi32, #tpu.memory_space<vmem>> -> memref<1x128xi32, #tpu.memory_space<vmem>>
        %dma_start3A_168 = tpu.memref_squeeze %dma_start3A_167 : memref<1x128xi32, #tpu.memory_space<vmem>> -> memref<128xi32, #tpu.memory_space<vmem>>
        %dma_start3A_169 = arith.constant 0 : i32
        %dma_start3A_170 = arith.constant 0 : i32
        %dma_start3A_171 = tpu.memref_slice %arg11[%dma_start3A_169, %dma_start3A_170] : memref<10240x128xf32, #tpu.memory_space<vmem_shared>> -> memref<10240x128xf32, #tpu.memory_space<vmem_shared>>
        tpu.enqueue_indirect_dma source(%arg10 : memref<128x128xf32, #tpu.memory_space<vmem>>) target(%dma_start3A_171 : memref<10240x128xf32, #tpu.memory_space<vmem_shared>>) offsets(%dma_start3A_168 : memref<128xi32, #tpu.memory_space<vmem>>) semaphore(%run_scoped3A_165 : memref<!tpu.dma_semaphore, #tpu.memory_space<semaphore_mem>>) {add = true}
        %dma_wait3A_172 = arith.constant 0 : i32
        %dma_wait3A_173 = tpu.memref_slice %arg8[%run_scoped3A_157, %dma_wait3A_172] : memref<2x128xi32, #tpu.memory_space<vmem>> -> memref<1x128xi32, #tpu.memory_space<vmem>>
        %dma_wait3A_174 = tpu.memref_squeeze %dma_wait3A_173 : memref<1x128xi32, #tpu.memory_space<vmem>> -> memref<128xi32, #tpu.memory_space<vmem>>
        %dma_wait3A_175 = arith.constant 0 : i32
        %dma_wait3A_176 = arith.constant 0 : i32
        %dma_wait3A_177 = tpu.memref_slice %arg11[%dma_wait3A_175, %dma_wait3A_176] : memref<10240x128xf32, #tpu.memory_space<vmem_shared>> -> memref<10240x128xf32, #tpu.memory_space<vmem_shared>>
        tpu.wait_indirect_dma semaphore(%run_scoped3A_165 : memref<!tpu.dma_semaphore, #tpu.memory_space<semaphore_mem>>) src(%arg10 : memref<128x128xf32, #tpu.memory_space<vmem>>) dst(%dma_wait3A_177 : memref<10240x128xf32, #tpu.memory_space<vmem_shared>>)
        tpu.yield
      }) : () -> ()
      %add3A_158 = arith.constant 4 : i32
      %add3A_159 = arith.addi %add3A_143, %add3A_158 : i32
      %lt3A_160 = arith.constant 80 : i32
      %lt3A_161 = arith.cmpi slt, %add3A_159, %lt3A_160 : i32
      %convert_element_type3A_162 = arith.extui %lt3A_161 : i1 to i32
      %cond3A_163 = arith.constant 0 : i32
      %cond3A_164 = arith.cmpi ne, %convert_element_type3A_162, %cond3A_163 : i32
      scf.if %cond3A_164 {
        %add3A_165 = arith.constant 4 : i32
        %add3A_166 = arith.addi %add3A_143, %add3A_165 : i32
        %mul3A_167 = arith.constant 32 : i32
        %mul3A_168 = arith.muli %add3A_166, %mul3A_167 : i32
        %add3A_169 = arith.addi %add3A, %mul3A_168 : i32
        %dma_start3A_170 = arith.constant 0 : i32
        %dma_start3A_171 = arith.constant 0 : i32
        %dma_start3A_172 = tpu.memref_slice %arg3[%add3A_169, %dma_start3A_170, %dma_start3A_171] : memref<2560x2x128xi32, #tpu.memory_space<hbm>> -> memref<1x2x128xi32, #tpu.memory_space<hbm>>
        %dma_start3A_173 = tpu.memref_squeeze %dma_start3A_172 : memref<1x2x128xi32, #tpu.memory_space<hbm>> -> memref<2x128xi32, #tpu.memory_space<hbm>>
        %dma_start3A_174 = arith.constant 0 : i32
        %dma_start3A_175 = arith.constant 0 : i32
        %dma_start3A_176 = tpu.memref_slice %arg3[%add3A_169, %dma_start3A_174, %dma_start3A_175] : memref<2560x2x128xi32, #tpu.memory_space<hbm>> -> memref<1x2x128xi32, #tpu.memory_space<hbm>>
        %dma_start3A_177 = tpu.memref_squeeze %dma_start3A_176 : memref<1x2x128xi32, #tpu.memory_space<hbm>> -> memref<2x128xi32, #tpu.memory_space<hbm>>
        tpu.enqueue_dma source(%dma_start3A_177 : memref<2x128xi32, #tpu.memory_space<hbm>>) target(%arg8 : memref<2x128xi32, #tpu.memory_space<vmem>>) target_semaphore(%arg15 : memref<!tpu.dma_semaphore, #tpu.memory_space<semaphore_mem>>)
      } else {
      }
    }
    %scan3A_70 = arith.constant 20 : i32
    %barrier3A_71 = arith.constant 0 : index
    tpu.barrier barrier_id(%barrier3A_71)
    "tpu.region"() ({
      %run_scoped3A = tpu.sem_alloc : memref<!tpu.dma_semaphore, #tpu.memory_space<semaphore_mem>>
      %dma_start3A_72 = arith.constant 0 : i32
      %dma_start3A_73 = tpu.memref_slice %arg4[%arg0, %mul3A_2, %dma_start3A_72] : memref<2x10240x128xf32, #tpu.memory_space<hbm>> -> memref<1x640x128xf32, #tpu.memory_space<hbm>>
      %dma_start3A_74 = tpu.memref_squeeze %dma_start3A_73 : memref<1x640x128xf32, #tpu.memory_space<hbm>> -> memref<640x128xf32, #tpu.memory_space<hbm>>
      %dma_start3A_75 = arith.constant 0 : i32
      %dma_start3A_76 = tpu.memref_slice %arg11[%mul3A_2, %dma_start3A_75] : memref<10240x128xf32, #tpu.memory_space<vmem_shared>> -> memref<640x128xf32, #tpu.memory_space<vmem_shared>>
      tpu.enqueue_dma source(%dma_start3A_76 : memref<640x128xf32, #tpu.memory_space<vmem_shared>>) target(%dma_start3A_74 : memref<640x128xf32, #tpu.memory_space<hbm>>) target_semaphore(%run_scoped3A : memref<!tpu.dma_semaphore, #tpu.memory_space<semaphore_mem>>)
      %dma_wait3A_77 = arith.constant 0 : i32
      %dma_wait3A_78 = tpu.memref_slice %arg4[%arg0, %mul3A_2, %dma_wait3A_77] : memref<2x10240x128xf32, #tpu.memory_space<hbm>> -> memref<1x640x128xf32, #tpu.memory_space<hbm>>
      %dma_wait3A_79 = tpu.memref_squeeze %dma_wait3A_78 : memref<1x640x128xf32, #tpu.memory_space<hbm>> -> memref<640x128xf32, #tpu.memory_space<hbm>>
      %dma_wait3A_80 = arith.constant 0 : i32
      %dma_wait3A_81 = tpu.memref_slice %arg11[%mul3A_2, %dma_wait3A_80] : memref<10240x128xf32, #tpu.memory_space<vmem_shared>> -> memref<640x128xf32, #tpu.memory_space<vmem_shared>>
      tpu.wait_dma2 semaphore(%run_scoped3A : memref<!tpu.dma_semaphore, #tpu.memory_space<semaphore_mem>>) src(%dma_wait3A_81 : memref<640x128xf32, #tpu.memory_space<vmem_shared>>) dst(%dma_wait3A_79 : memref<640x128xf32, #tpu.memory_space<hbm>>)
      tpu.yield
    }) : () -> ()
    return
  }
}

module attributes {stable_mosaic.version = 14 : i64} {
  func.func @body(%arg0: memref<10240x128xf32, #tpu.memory_space<vmem>>, %arg1: memref<10240x128xf32, #tpu.memory_space<vmem>>, %arg2: memref<10240x128xf32, #tpu.memory_space<vmem>>, %arg3: memref<10240x128xf32, #tpu.memory_space<vmem>>, %arg4: memref<10240x1xf32, #tpu.memory_space<vmem>>, %arg5: memref<10240x1xf32, #tpu.memory_space<vmem>>) attributes {dimension_semantics = [], scalar_prefetch = 0 : i64, scratch_operands = 0 : i64, tpu.core_type = #tpu.core_type<tc>} {
    %get3A = arith.constant 0 : index
    %get3A_0 = arith.constant 0 : index
    %get3A_1 = vector.load %arg0[%get3A, %get3A_0] : memref<10240x128xf32, #tpu.memory_space<vmem>>, vector<10240x1xf32>
    %get3A_2 = arith.constant 0 : index
    %get3A_3 = arith.constant 0 : index
    %get3A_4 = vector.load %arg1[%get3A_2, %get3A_3] : memref<10240x128xf32, #tpu.memory_space<vmem>>, vector<10240x1xf32>
    %add3A = arith.addf %get3A_1, %get3A_4 : vector<10240x1xf32>
    %add3A_5 = arith.constant 1.000000e+00 : f32
    %add3A_6 = vector.broadcast %add3A_5 : f32 to vector<10240x1xf32>
    %add3A_7 = arith.addf %add3A, %add3A_6 : vector<10240x1xf32>
    %rsqrt3A = math.rsqrt %add3A_7 : vector<10240x1xf32>
    %swap3A = arith.constant 0 : index
    %swap3A_8 = arith.constant 0 : index
    %swap3A_9 = vector.load %arg4[%swap3A, %swap3A_8] : memref<10240x1xf32, #tpu.memory_space<vmem>>, vector<10240x1xf32>
    tpu.vector_store %arg4[%swap3A, %swap3A_8], %rsqrt3A {strides = array<i32>} : memref<10240x1xf32, #tpu.memory_space<vmem>>, vector<10240x1xf32>,
    %div3A = arith.constant 1.000000e+00 : f32
    %div3A_10 = vector.broadcast %div3A : f32 to vector<10240x1xf32>
    %div3A_11 = arith.divf %div3A_10, %add3A_7 : vector<10240x1xf32>
    %swap3A_12 = arith.constant 0 : index
    %swap3A_13 = arith.constant 0 : index
    %swap3A_14 = vector.load %arg5[%swap3A_12, %swap3A_13] : memref<10240x1xf32, #tpu.memory_space<vmem>>, vector<10240x1xf32>
    tpu.vector_store %arg5[%swap3A_12, %swap3A_13], %div3A_11 {strides = array<i32>} : memref<10240x1xf32, #tpu.memory_space<vmem>>, vector<10240x1xf32>,
    %get3A_15 = arith.constant 0 : index
    %get3A_16 = arith.constant 0 : index
    %get3A_17 = vector.load %arg2[%get3A_15, %get3A_16] : memref<10240x128xf32, #tpu.memory_space<vmem>>, vector<10240x128xf32>
    %mul3A = vector.broadcast %rsqrt3A : vector<10240x1xf32> to vector<10240x128xf32>
    %mul3A_18 = arith.mulf %get3A_17, %mul3A : vector<10240x128xf32>
    %swap3A_19 = arith.constant 0 : index
    %swap3A_20 = arith.constant 0 : index
    %swap3A_21 = vector.load %arg3[%swap3A_19, %swap3A_20] : memref<10240x128xf32, #tpu.memory_space<vmem>>, vector<10240x128xf32>
    tpu.vector_store %arg3[%swap3A_19, %swap3A_20], %mul3A_18 {strides = array<i32>} : memref<10240x128xf32, #tpu.memory_space<vmem>>, vector<10240x128xf32>,
    return
  }
}

module attributes {stable_mosaic.version = 14 : i64} {
  func.func @body(%arg0: memref<10240x128xf32, #tpu.memory_space<vmem>>, %arg1: memref<10240x128xf32, #tpu.memory_space<vmem>>, %arg2: memref<10240x128xf32, #tpu.memory_space<vmem>>, %arg3: memref<10240x1xf32, #tpu.memory_space<vmem>>, %arg4: memref<10240x128xf32, #tpu.memory_space<vmem>>) attributes {dimension_semantics = [], scalar_prefetch = 0 : i64, scratch_operands = 0 : i64, tpu.core_type = #tpu.core_type<tc>} {
    %get3A = arith.constant 0 : index
    %get3A_0 = arith.constant 0 : index
    %get3A_1 = vector.load %arg0[%get3A, %get3A_0] : memref<10240x128xf32, #tpu.memory_space<vmem>>, vector<10240x128xf32>
    %get3A_2 = arith.constant 0 : index
    %get3A_3 = arith.constant 0 : index
    %get3A_4 = vector.load %arg1[%get3A_2, %get3A_3] : memref<10240x128xf32, #tpu.memory_space<vmem>>, vector<10240x128xf32>
    %add3A = arith.addf %get3A_1, %get3A_4 : vector<10240x128xf32>
    %get3A_5 = arith.constant 0 : index
    %get3A_6 = arith.constant 0 : index
    %get3A_7 = vector.load %arg2[%get3A_5, %get3A_6] : memref<10240x128xf32, #tpu.memory_space<vmem>>, vector<10240x128xf32>
    %add3A_8 = arith.addf %add3A, %get3A_7 : vector<10240x128xf32>
    %get3A_9 = arith.constant 0 : index
    %get3A_10 = arith.constant 0 : index
    %get3A_11 = vector.load %arg3[%get3A_9, %get3A_10] : memref<10240x1xf32, #tpu.memory_space<vmem>>, vector<10240x1xf32>
    %mul3A = vector.broadcast %get3A_11 : vector<10240x1xf32> to vector<10240x128xf32>
    %mul3A_12 = arith.mulf %add3A_8, %mul3A : vector<10240x128xf32>
    %swap3A = arith.constant 0 : index
    %swap3A_13 = arith.constant 0 : index
    %swap3A_14 = vector.load %arg4[%swap3A, %swap3A_13] : memref<10240x128xf32, #tpu.memory_space<vmem>>, vector<10240x128xf32>
    tpu.vector_store %arg4[%swap3A, %swap3A_13], %mul3A_12 {strides = array<i32>} : memref<10240x128xf32, #tpu.memory_space<vmem>>, vector<10240x128xf32>,
    return
  }
}

module attributes {stable_mosaic.version = 14 : i64} {
  func.func @body(%arg0: memref<10240x128xf32, #tpu.memory_space<vmem>>, %arg1: memref<10240x128xf32, #tpu.memory_space<vmem>>, %arg2: memref<10240x128xf32, #tpu.memory_space<vmem>>, %arg3: memref<10240x1xf32, #tpu.memory_space<vmem>>, %arg4: memref<128x128xf32, #tpu.memory_space<vmem>>, %arg5: memref<1x128xf32, #tpu.memory_space<vmem>>, %arg6: memref<10240x128xf32, #tpu.memory_space<vmem>>) attributes {dimension_semantics = [], scalar_prefetch = 0 : i64, scratch_operands = 0 : i64, tpu.core_type = #tpu.core_type<tc>} {
    %get3A = arith.constant 0 : index
    %get3A_0 = arith.constant 0 : index
    %get3A_1 = vector.load %arg0[%get3A, %get3A_0] : memref<10240x128xf32, #tpu.memory_space<vmem>>, vector<10240x128xf32>
    %get3A_2 = arith.constant 0 : index
    %get3A_3 = arith.constant 0 : index
    %get3A_4 = vector.load %arg1[%get3A_2, %get3A_3] : memref<10240x128xf32, #tpu.memory_space<vmem>>, vector<10240x128xf32>
    %add3A = arith.addf %get3A_1, %get3A_4 : vector<10240x128xf32>
    %get3A_5 = arith.constant 0 : index
    %get3A_6 = arith.constant 0 : index
    %get3A_7 = vector.load %arg2[%get3A_5, %get3A_6] : memref<10240x128xf32, #tpu.memory_space<vmem>>, vector<10240x128xf32>
    %add3A_8 = arith.addf %add3A, %get3A_7 : vector<10240x128xf32>
    %get3A_9 = arith.constant 0 : index
    %get3A_10 = arith.constant 0 : index
    %get3A_11 = vector.load %arg3[%get3A_9, %get3A_10] : memref<10240x1xf32, #tpu.memory_space<vmem>>, vector<10240x1xf32>
    %mul3A = vector.broadcast %get3A_11 : vector<10240x1xf32> to vector<10240x128xf32>
    %mul3A_12 = arith.mulf %add3A_8, %mul3A : vector<10240x128xf32>
    %get3A_13 = arith.constant 0 : index
    %get3A_14 = arith.constant 0 : index
    %get3A_15 = vector.load %arg4[%get3A_13, %get3A_14] : memref<128x128xf32, #tpu.memory_space<vmem>>, vector<128x128xf32>
    %dot_general3A = arith.constant dense<0.000000e+00> : vector<10240x128xf32>
    %dot_general3A_16 = tpu.matmul %mul3A_12, %get3A_15, %dot_general3A {dimension_numbers = #tpu.dot_dimension_numbers<[1], [1], [0], [0], [0, 0, 1, 0], [], []>, transpose_lhs_hint = false} : vector<10240x128xf32>, vector<128x128xf32>, vector<10240x128xf32> -> vector<10240x128xf32>
    %get3A_17 = arith.constant 0 : index
    %get3A_18 = arith.constant 0 : index
    %get3A_19 = vector.load %arg5[%get3A_17, %get3A_18] : memref<1x128xf32, #tpu.memory_space<vmem>>, vector<1x128xf32>
    %add3A_20 = vector.broadcast %get3A_19 : vector<1x128xf32> to vector<10240x128xf32>
    %add3A_21 = arith.addf %dot_general3A_16, %add3A_20 : vector<10240x128xf32>
    %swap3A = arith.constant 0 : index
    %swap3A_22 = arith.constant 0 : index
    %swap3A_23 = vector.load %arg6[%swap3A, %swap3A_22] : memref<10240x128xf32, #tpu.memory_space<vmem>>, vector<10240x128xf32>
    tpu.vector_store %arg6[%swap3A, %swap3A_22], %add3A_21 {strides = array<i32>} : memref<10240x128xf32, #tpu.memory_space<vmem>>, vector<10240x128xf32>,
    return
  }
}

</mosaic_0001>

<sc_bundles>
// kernel: kernel.11.cloned.1.call-start
scs
__scs_entry_jumppad:
0x0: {  	(pc) =	sbr.rel $0x88, $3  }
0x1: {  	(tag) =	ssettag $0x0;
	lr =	simm.s32 $0x1  }
0x2: {  	[smem:$0x3F9D] =	sst lr;
	_ =	strace $0xD0000000  }
0x3: {  	_ = 	snop  }
0x4: {  	_ = 	snop  }
0x5: {  	_ = 	snop  }
0x6: {  	_ = 	snop  }
0x7: {  	_ = 	snop  }
__scs_overlays_trampoline_lowered:
0x8: {  	[smem:$0x3FAC] =	sst s0  }
0x9: {  	[smem:$0x3FAD] =	sst s1  }
0xa: {  	[smem:$0x3FAE] =	sst s2  }
0xb: {  	[smem:$0x3FAF] =	sst s3  }
0xc: {  	[smem:$0x3FB0] =	sst s4  }
0xd: {  	[smem:$0x3FB1] =	sst s5  }
0xe: {  	[smem:$0x3FB2] =	sst s6  }
0xf: {  	[smem:$0x3FB3] =	sst s7  }
0x10: {  	[smem:$0x3FB4] =	sst s8  }
0x11: {  	[smem:$0x3FB5] =	sst s9;
	s0 =	simm.s32 @!p0 $0x0  }
0x12: {  	s1 =	sld [smem:$0x3F9B];
	s0 =	simm.s32 @p0 $0x1  }
0x13: {  	[smem:$0x3FB6] =	sst s0;
	s0 =	simm.s32 @!p1 $0x0  }
0x14: {  	s2 =	sld [smem:$0x3F9A];
	s0 =	simm.s32 @p1 $0x1  }
0x15: {  	[smem:$0x3FB7] =	sst s0;
	s0 =	simm.s32 @!p2 $0x0  }
0x16: {  	s3 =	sld [smem:$0x3FDB];
	s0 =	simm.s32 @p2 $0x1  }
0x17: {  	s4 =	simm.s32 $0x1BF5;
	[smem:$0x3FB9] =	sst s0  }
0x18: {  	s0 =	sld [smem:$0x3F9C];
	_ =	swait.ge [sflag:s4], $0x0  }
0x19: {  	s7 =	sld [smem:$0x3F9D]  }
0x1a: {  	s8 =	sadd.s32 $0xFFFFE003, lr  }
0x1b: {  	s9 =	sadd.s32 $0xFFFFFEF7, lr;
	s5 =	simm.s32 $0xFFFFFFFF;
	p2 =	slt.u32 s8, $0xFFFFF086  }
0x1c: {  	p1 =	slt.u32 s9, $0xF7A;
	s5 =	simm.s32 @!p2 $0x0  }
0x1d: {  	s5 =	simm.s32 @p1 $0x1;
	p0 =	seq.s32 s7, s2  }
0x1e: {  	s7 =	smul.u32 @!p0 $0xF7A, s2;
	p2 =	seq.s32 @!p0 s5, $0x0  }
0x1f: {  	s9 =	smul.u32 $0xF7A, s1;
	s8 =	simm.s32 @!p0 $0x1BF5;
	p2 =	por !p2, p0  }
0x20: {  	[sflag:s8] =	ssyncset.s32 @!p0 $0xFFFFF086;
	s6 =	sadd.s32 @!p0 s3, s7;
	s7 =	simm.s32 @!p0 $0x108  }
0x21: {  	s3 =	sadd.s32 s3, s9;
	s6 =	sadd.s32 @!p0 $0x88, s6;
	s7 =	simm.s32 @p2 $0x1082  }
0x22: {  	[simem:s7], [sflag:s8] =	dma.local @!p0 [hbm:s6], $0xF7A  }
0x23: {  	s9 =	sor.u32 $0xD0000000, s2;
	s6 =	simm.s32 $0x108;
	_ =	swait.ge @!p0 [sflag:s8], $0x0  }
0x24: {  	s3 =	sadd.s32 $0x88, s3;
	s6 =	simm.s32 @!p1 $0x1082;
	[sflag:s4] =	ssyncset.s32 $0xFFFFF086  }
0x25: {  	[simem:s6], [sflag:s4] =	dma.local [hbm:s3], $0xF7A  }
0x26: {  	[smem:$0x3F9D] =	sst s1;
	(tag) =	ssettag s2;
	_ =	strace s9  }
0x27: {  	s1 =	sld [smem:$0x3FAD]  }
0x28: {  	s2 =	sld [smem:$0x3FAE]  }
0x29: {  	s4 =	sld [smem:$0x3FB0]  }
0x2a: {  	p0 =	seq.s32 s5, $0x0;
	s5 =	sld [smem:$0x3FB1]  }
0x2b: {  	s6 =	sld [smem:$0x3FB2]  }
0x2c: {  	s7 =	sld [smem:$0x3FB3]  }
0x2d: {  	s3 =	simm.s32 $0x108;
	s8 =	sld [smem:$0x3FB4]  }
0x2e: {  	s3 =	simm.s32 @!p0 $0x1082;
	s9 =	sld [smem:$0x3FB5]  }
0x2f: {  	lr =	sadd.s32 s0, s3;
	s0 =	sld [smem:$0x3FAC]  }
0x30: {  	s3 =	sld [smem:$0x3FAF]  }
0x31: {  	[smem:$0x3FB8] =	sst s10  }
0x32: {  	s10 =	sld [smem:$0x3FB6];
	_ =	sdelay $0x3  }
0x33: {  	p0 =	seq.s32 s10, $0x1;
	s10 =	sld [smem:$0x3FB8];
	_ =	sdelay $0x3  }
0x34: {  	[smem:$0x3FB8] =	sst s10  }
0x35: {  	s10 =	sld [smem:$0x3FB7];
	_ =	sdelay $0x3  }
0x36: {  	p1 =	seq.s32 s10, $0x1;
	s10 =	sld [smem:$0x3FB8];
	_ =	sdelay $0x3  }
0x37: {  	[smem:$0x3FB8] =	sst s10  }
0x38: {  	s10 =	sld [smem:$0x3FB9]  }
0x39: {  	_ = 	snop;
	(pc) =	sbr.ind lr, $3  }
0x3a: {  	_ = 	snop  }
0x3b: {  	_ = 	snop  }
0x3c: {  	p2 =	seq.s32 s10, $0x1;
	s10 =	sld [smem:$0x3FB8]  }
0x3d: {  	_ =	shalt  }
0x3e: {  	_ =	shalt  }
0x3f: {  	_ =	shalt  }
0x40: {  	_ =	shalt  }
0x41: {  	_ =	shalt  }
0x42: {  	_ =	shalt  }
0x43: {  	_ =	shalt  }
0x44: {  	_ =	shalt  }
0x45: {  	_ =	shalt  }
0x46: {  	_ =	shalt  }
0x47: {  	_ =	shalt  }
0x48: {  	_ =	shalt  }
0x49: {  	_ =	shalt  }
0x4a: {  	_ =	shalt  }
0x4b: {  	_ =	shalt  }
0x4c: {  	_ =	shalt  }
0x4d: {  	_ =	shalt  }
0x4e: {  	_ =	shalt  }
0x4f: {  	_ =	shalt  }
0x50: {  	_ =	shalt  }
0x51: {  	_ =	shalt  }
0x52: {  	_ =	shalt  }
0x53: {  	_ =	shalt  }
0x54: {  	_ =	shalt  }
0x55: {  	_ =	shalt  }
0x56: {  	_ =	shalt  }
0x57: {  	_ =	shalt  }
0x58: {  	_ =	shalt  }
0x59: {  	_ =	shalt  }
0x5a: {  	_ =	shalt  }
0x5b: {  	_ =	shalt  }
0x5c: {  	_ =	shalt  }
0x5d: {  	_ =	shalt  }
0x5e: {  	_ =	shalt  }
0x5f: {  	_ =	shalt  }
0x60: {  	_ =	shalt  }
0x61: {  	_ =	shalt  }
0x62: {  	_ =	shalt  }
0x63: {  	_ =	shalt  }
0x64: {  	_ =	shalt  }
0x65: {  	_ =	shalt  }
0x66: {  	_ =	shalt  }
0x67: {  	_ =	shalt  }
0x68: {  	_ =	shalt  }
0x69: {  	_ =	shalt  }
0x6a: {  	_ =	shalt  }
0x6b: {  	_ =	shalt  }
0x6c: {  	_ =	shalt  }
0x6d: {  	_ =	shalt  }
0x6e: {  	_ =	shalt  }
0x6f: {  	_ =	shalt  }
0x70: {  	_ =	shalt  }
0x71: {  	_ =	shalt  }
0x72: {  	_ =	shalt  }
0x73: {  	_ =	shalt  }
0x74: {  	_ =	shalt  }
0x75: {  	_ =	shalt  }
0x76: {  	_ =	shalt  }
0x77: {  	_ =	shalt  }
0x78: {  	_ =	shalt  }
0x79: {  	_ =	shalt  }
0x7a: {  	_ =	shalt  }
0x7b: {  	_ =	shalt  }
0x7c: {  	_ =	shalt  }
0x7d: {  	_ =	shalt  }
0x7e: {  	_ =	shalt  }
0x7f: {  	_ =	shalt  }
0x80: {  	_ =	shalt  }
0x81: {  	_ =	shalt  }
0x82: {  	_ =	shalt  }
0x83: {  	_ =	shalt  }
0x84: {  	_ =	shalt  }
0x85: {  	_ =	shalt  }
0x86: {  	_ =	shalt  }
0x87: {  	_ =	shalt  }
.Lfunc_end0:
.L_simem_size_0:
called_computation.1_lowered:
.L_overlay_start_0:
0x88: {  	s2 =	sld [smem:$0x3FD9]  }
0x89: {  	s3 =	sld [smem:$0x3FFE];
	_ =	sdelay $0x1  }
0x8a: {  	s1 =	srdreg.scid  }
0x8b: {  	s0 =	sand.u32 $0x1, s1  }
0x8c: {  	s17 =	sshll.u32 s0, $0xA;
	s2 =	sadd.s32 s3, s2  }
0x8d: {  	s2 =	sadd.s32 s2, s17  }
0x8e: {  	[smem:$0x3FC4] =	sst s2  }
0x8f: {  	_ = 	snop  }
0x90: {  	s2 =	sld [smem:$0x3FD0];
	(tm) =	ssettm $0x1  }
0x91: {  	s18 =	sld [smem:$0x3FFB];
	_ =	sdelay $0x3  }
0x92: {  	_ =	strace s18  }
0x93: {  	s3 =	sld [smem:$0x3FFC];
	_ =	sdelay $0x3  }
0x94: {  	_ =	strace s3  }
0x95: {  	s3 =	sld [smem:$0x3FFD];
	_ =	sdelay $0x3  }
0x96: {  	_ =	strace s3  }
0x97: {  	_ =	strace $0x8FFFFFFF  }
0x98: {  	s19 =	sld [smem:$0x3FDB];
	_ =	sdelay $0x1  }
0x99: {  	s4 =	simm.s32 $_scs_section_size  }
0x9a: {  	s5 =	simm.s32 $_size__tile_overlayer_lowered;
	s6 =	simm.s32 $_tile_overlayer_lowered  }
0x9b: {  	s22 =	simm.s32 $0x1BFF;
	s21 =	sshll.u32 s6, $0x1;
	s3 =	sadd.s32 s4, s19  }
0x9c: {  	s7 =	simm.s32 $0x0;
	s20 =	sshll.u32 s5, $0x1;
	s5 =	sadd.s32 s21, s3  }
0x9d: {  	[timem:s7], [sflag:s22] =	dma.local [hbm:s5], s20  }
0x9e: {  	_ =	swait.ge [sflag:s22], s20  }
0x9f: {  	s4 =	ssub.s32 $0x0, s20;
	[sflag:s22] =	ssyncset.done $0x0  }
0xa0: {  	[sflag:s22] =	ssyncadd.s32 s4;
	_ =	sdelay $0x1  }
0xa1: {  	s23 =	simm.s32 $0x1B8B  }
0xa2: {  	_ =	swait.ge [sflag:s23], $0x1  }
0xa3: {  	[sflag:s23] =	ssyncset.done $0x0  }
0xa4: {  	s25 =	simm.s32 $0x1B8E;
	s24 =	sld [smem:$0x3FFE];
	[sflag:s23] =	ssyncadd.s32 $0xFFFFFFFF  }
0xa5: {  	s26 =	simm.s32 $execute0_lowered;
	[smem:$0x3FD2] =	sst s25  }
0xa6: {  	s5 =	sshll.u32 s26, $0x1;
	_ =	strace $0x80000049;
	[dreg:$0x1] =	wrdreg $0xFFFFFFFF  }
0xa7: {  	s28 =	simm.s32 $_size_execute0_lowered;
	s3 =	sadd.s32 s3, s5;
	[dreg:$0x0] =	wrdreg $0x0  }
0xa8: {  	s5 =	sshll.u32 s28, $0x1;
	[dreg:$0x2] =	wrdreg s3  }
0xa9: {  	[dreg:$0x3] =	wrdreg s5  }
0xaa: {  	[dreg:$0x4] =	wrdreg $0xC0  }
0xab: {  	_ =	task [dreg:s7], $0x5FFFF  }
0xac: {  	[dreg:$0x1] =	wrdreg $0xFFFFFFFF  }
0xad: {  	[dreg:$0x0] =	wrdreg $0x60  }
0xae: {  	[dreg:$0x2] =	wrdreg s24  }
0xaf: {  	[dreg:$0x3] =	wrdreg s2  }
0xb0: {  	[dreg:$0x4] =	wrdreg $0x84000  }
0xb1: {  	[dreg:$0x5] =	wrdreg $0x9  }
0xb2: {  	_ =	task.clear_ibuf [dreg:s7], $0x6FFFF;
	_ =	strace $0x90000049  }
0xb3: {  	s29 =	simm.s32 $0x9;
	_ =	strace $0x8000004B  }
0xb4: {  	_ =	swait.ge [sflag:s29], $0x1  }
0xb5: {  	[sflag:s29] =	ssyncadd.s32 $0xFFFFFFFF  }
0xb6: {  	_ =	strace $0x9000004B  }
0xb7: {  	_ =	sfence  }
0xb8: {  	s30 =	sld [smem:$0x0];
	_ =	sdelay $0x2  }
0xb9: {  	s31 =	sshll.u32 s1, $0xD;
	s1 =	sshrl.u32 s1, $0x2  }
0xba: {  	s3 =	sand.u32 $0x4000, s31;
	s1 =	sadd.s32 s1, s30  }
0xbb: {  	s0 =	sor.u32 s3, s0;
	s1 =	sshll.u32 s1, $0x11  }
0xbc: {  	s0 =	sor.u32 s1, s0  }
0xbd: {  	s0 =	sadd.s32 $0x8F2B, s0  }
0xbe: {  	[sflag:s0] =	ssyncadd.remote.s32 $0x1  }
0xbf: {  	_ =	sfence.sel $0xFFFF  }
0xc0: {  	[dreg:$0x0] =	wrdreg $0xFFFFFFFF;
	(pc) =	sbr.abs _section_cstart, $3  }
0xc1: {  	[dreg:$0x1] =	wrdreg $0xFFFFFFFF  }
0xc2: {  	_ =	task.clear_ibuf [dreg:s7], $0x2FFFF;
	_ =	strace $0x9FFFFFFF  }
0xc3: {  	(tm) =	ssettm $0x7FFFFFFF  }
tec
execute0_lowered:
.L_overlay_start_1:
0x0: {  	(tag) =	ssettag $0x1  }
0x1: {  	s0 =	rddreg [dreg:$0x0];
	s1 =	srdreg.scid  }
0x2: {  	s5 =	rddreg [dreg:$0x1];
	s10 =	stileid.u32  }
0x3: {  	s2 =	rddreg [dreg:$0x2];
	s3 =	simm.s32 $0x0;
	s18 =	simm.s32 $0x100  }
0x4: {  	s19 =	simm.s32 $0x200;
	s20 =	simm.s32 $0x300;
	s28 =	simm.s32 $0x4400  }
0x5: {  	s29 =	simm.s32 $0x6;
	s30 =	simm.s32 $0x3;
	s6 =	smul.u32 $0x14000, s10  }
0x6: {  	s1 =	sand.u32 $0x1, s1;
	s11 =	sshll.u32 s10, $0x6;
	s10 =	smul.u32 $0x50000, s10  }
0x7: {  	s31 =	simm.s32 $0x180;
	[smem:$0x7FF] =	sst s3;
	s4 =	smul.u32 $0x140000, s1  }
0x8: {  	_ =	strace $0x8000004A;
	s7 =	ssub.s32 $0x2, s1;
	s1 =	sshll.u32 s1, $0x5  }
0x9: {  	s13 =	smov.u32 s11;
	s26 =	sadd.s32 s11, s5;
	s8 =	sshrl.u32 s7, $0x1  }
0xa: {  	s9 =	sor.u32 s1, s11;
	s23 =	sshrl.u32 s10, $0x2;
	s17 =	sadd.s32 s1, s26  }
0xb: {  	s26 =	simm.s32 $0x2;
	s1 =	simm.s32 $0x4;
	s6 =	sadd.s32 s6, s4  }
0xc: {  	s4 =	sadd.s32 $0x2C00, s0;
	s7 =	ssub.s32 s7, s8;
	s10 =	sadd.s32 s23, s2  }
0xd: {  	s23 =	simm.s32 $0x1;
	s8 =	simm.s32 $0x0;
	s6 =	sshrl.u32 s6, $0x3  }
0xe: {  	s24 =	smax.u32 s7, $0x1;
	s25 =	sadd.s32 $0x4000, s10;
	s14 =	sadd.s32 $0x8000, s10  }
0xf: {  	s0 =	sadd.s32 s6, s0;
	s6 =	sadd.s32 s5, s9;
	[dreg:$0x8] =	wrdreg s24  }
0x10: {  	s15 =	sadd.s32 $0xC000, s10;
	[dreg:$0x9] =	wrdreg s25;
	s21 =	sadd.s32 $0x400, s6  }
.Ltmp0:
0x11: {  	s22 =	sadd.s32 $0x800, s6;
	[dreg:$0x4] =	wrdreg s21;
	(pc) =	sbr.rel .LBB2_1-.Ltmp0, $4  }
0x12: {  	s16 =	sadd.s32 $0x10000, s10;
	s9 =	sadd.s32 $0xC00, s6;
	[dreg:$0x5] =	wrdreg s22  }
0x13: {  	s7 =	simm.s32 $0x380;
	s0 =	sadd.s32 $0x7AC00, s0;
	[dreg:$0x6] =	wrdreg s9  }
0x14: {  	s24 =	simm.s32 $0x80;
	s25 =	simm.s32 $0x5;
	[dreg:$0x7] =	wrdreg s0  }
0x15: {  	v0 =	vimm.f32 $0.0e+00;
	s21 =	simm.s32 $0x400;
	s22 =	simm.s32 $0x7;
	s0 =	simm.s32 $0x280  }
.LBB2_6:
0x16: {  	[bflag:$0x0] =	sbarrier.arrive $0xFFFF  }
0x17: {  	s5 =	sor.u32 $0x1C07, s13;
	s9 =	sshrl.u32 s10, $0x3;
	s11 =	rddreg [dreg:$0x7]  }
0x18: {  	[hbm:s11], [sflag:s5] =	dma.local [spmem:s9], $0x2800  }
0x19: {  	_ =	swait.ge [sflag:s22], $0x2800  }
0x1a: {  	s8 =	sadd.s32 $0x1, s8;
	s12 =	rddreg [dreg:$0x8]  }
0x1b: {  	p0 =	sne.s32 s8, s12  }
.Ltmp1:
0x1c: {  	_ = 	snop;
	(pc) =	sbr.rel @!p0 .LBB2_7-.Ltmp1, $3  }
0x1d: {  	_ =	sdelay $0x1  }
0x1e: {  	[sflag:s22] =	ssyncset.done $0x0  }
0x1f: {  	[sflag:s22] =	ssyncadd.s32 $0xFFFFD800  }
.LBB2_1:
0x20: {  	[tilespmem:s3], [sflag:$0x1] =	stream.linear.gather [hbm4b:s6+s3], $0x100, $0x38;
	[tilespmem:$0x1C400] =	vst v63  }
0x21: {  	s5 =	rddreg [dreg:$0x4]  }
0x22: {  	[tilespmem:s18], [sflag:$0x2] =	stream.linear.gather [hbm4b:s5+s3], $0x100, $0x38;
	[tilespmem:$0x1C400] =	vst v63  }
0x23: {  	s11 =	rddreg [dreg:$0x5]  }
0x24: {  	[tilespmem:s19], [sflag:$0x3] =	stream.linear.gather [hbm4b:s11+s3], $0x100, $0x38;
	[tilespmem:$0x1C400] =	vst v63  }
0x25: {  	s12 =	rddreg [dreg:$0x6];
	s9 =	simm.s32 $0x0;
	s5 =	simm.s32 $0x200  }
0x26: {  	[tilespmem:s20], [sflag:$0x4] =	stream.linear.gather [hbm4b:s12+s3], $0x100, $0x38;
	[tilespmem:$0x1C400] =	vst v63  }
.LBB2_2:
0x27: {  	p0 =	sne.s32 s5, $0xFE00;
	[tilespmem:s9+$0x470] =	vst v0  }
0x28: {  	[tilespmem:s9+$0x400] =	vst v0  }
0x29: {  	[tilespmem:s9+$0x410] =	vst v0  }
.Ltmp2:
0x2a: {  	[tilespmem:s9+$0x420] =	vst v0;
	(pc) =	sbr.rel @p0 .LBB2_2-.Ltmp2, $4  }
0x2b: {  	[tilespmem:s9+$0x430] =	vst v0  }
0x2c: {  	[tilespmem:s9+$0x440] =	vst v0  }
0x2d: {  	[tilespmem:s9+$0x450] =	vst v0  }
0x2e: {  	[tilespmem:s9+$0x460] =	vst v0;
	s9 =	sshra.s32 s5, $0x2;
	s5 =	sadd.s32 $0x200, s5  }
0x2f: {  	[tilespmem:s9+$0x470] =	vst v0  }
0x30: {  	[tilespmem:s9+$0x400] =	vst v0  }
0x31: {  	[tilespmem:s9+$0x410] =	vst v0  }
0x32: {  	[tilespmem:s9+$0x420] =	vst v0  }
0x33: {  	[tilespmem:s9+$0x430] =	vst v0  }
0x34: {  	[tilespmem:s9+$0x440] =	vst v0  }
0x35: {  	[tilespmem:s9+$0x450] =	vst v0  }
0x36: {  	[tilespmem:s9+$0x460] =	vst v0  }
0x37: {  	[spmem:s10] =	stream.linear.scatter [tilespmem:s21], [sflag:$0x7], $0x4000, $0x38;
	[tilespmem:$0x1C400] =	vst v63  }
0x38: {  	_ =	swait.ge [sflag:s22], $0x4000  }
0x39: {  	[sflag:s22] =	ssyncset.done $0x0  }
0x3a: {  	s5 =	rddreg [dreg:$0x9];
	[sflag:s22] =	ssyncadd.s32 $0xFFFFC000  }
0x3b: {  	[spmem:s5] =	stream.linear.scatter [tilespmem:s21], [sflag:$0x7], $0x4000, $0x38;
	[tilespmem:$0x1C400] =	vst v63  }
0x3c: {  	_ =	swait.ge [sflag:s22], $0x4000  }
0x3d: {  	[sflag:s22] =	ssyncset.done $0x0  }
0x3e: {  	[sflag:s22] =	ssyncadd.s32 $0xFFFFC000  }
0x3f: {  	[spmem:s14] =	stream.linear.scatter [tilespmem:s21], [sflag:$0x7], $0x4000, $0x38;
	[tilespmem:$0x1C400] =	vst v63  }
0x40: {  	_ =	swait.ge [sflag:s22], $0x4000  }
0x41: {  	[sflag:s22] =	ssyncset.done $0x0  }
0x42: {  	[sflag:s22] =	ssyncadd.s32 $0xFFFFC000  }
0x43: {  	[spmem:s15] =	stream.linear.scatter [tilespmem:s21], [sflag:$0x7], $0x4000, $0x38;
	[tilespmem:$0x1C400] =	vst v63  }
0x44: {  	_ =	swait.ge [sflag:s22], $0x4000  }
0x45: {  	[sflag:s22] =	ssyncset.done $0x0  }
0x46: {  	[sflag:s22] =	ssyncadd.s32 $0xFFFFC000  }
0x47: {  	[spmem:s16] =	stream.linear.scatter [tilespmem:s21], [sflag:$0x7], $0x4000, $0x38;
	[tilespmem:$0x1C400] =	vst v63  }
0x48: {  	_ =	swait.ge [sflag:s22], $0x4000  }
0x49: {  	[sflag:s22] =	ssyncset.done $0x0  }
0x4a: {  	[sflag:s22] =	ssyncadd.s32 $0xFFFFC000  }
0x4b: {  	[bflag:$0x0] =	sbarrier.arrive $0xFFFF  }
0x4c: {  	_ =	swait.ge [sflag:s23], $0x100  }
0x4d: {  	[sflag:s23] =	ssyncset.done $0x0  }
0x4e: {  	s9 =	simm.s32 $0x0;
	[sflag:s23] =	ssyncadd.s32 $0xFFFFFF00  }
0x4f: {  	[tilespmem:s21], [sflag:$0x5] =	stream.indirect.gather [hbm4b:s4+s24], $0x80, s9, s24, $0xb8;
	[tilespmem:$0x1C400] =	vst v63  }
.LBB2_4:
0x50: {  	_ =	swait.ge [sflag:s25], $0x4000  }
0x51: {  	[sflag:s25] =	ssyncset.done $0x0  }
0x52: {  	[sflag:s25] =	ssyncadd.s32 $0xFFFFC000  }
0x53: {  	_ =	swait.ge [sflag:s26], $0x100  }
0x54: {  	[sflag:s26] =	ssyncset.done $0x0  }
0x55: {  	[sflag:s26] =	ssyncadd.s32 $0xFFFFFF00  }
0x56: {  	[tilespmem:s28], [sflag:$0x6] =	stream.indirect.gather [hbm4b:s4+s24], $0x80, s18, s24, $0xb8;
	[tilespmem:$0x1C400] =	vst v63  }
0x57: {  	_ = 	snop  }
0x58: {  	[spmem:s2] =	stream.indirect.scatter.add.f32 [tilespmem:s21], [sflag:$0x7], $0x80, s24, s24, $0xb8;
	[tilespmem:$0x1C400] =	vst v63  }
0x59: {  	p0 =	seq.s32 s9, $0x13000;
	_ =	swait.ge [sflag:s22], $0x4000  }
0x5a: {  	s5 =	sadd.s32 @!p0 s9, s17;
	[sflag:s22] =	ssyncset.done $0x0  }
0x5b: {  	s12 =	simm.s32 @!p0 $0x0;
	s11 =	sadd.s32 @!p0 $0x1000, s5;
	[sflag:s22] =	ssyncadd.s32 $0xFFFFC000  }
0x5c: {  	[tilespmem:s12], [sflag:$0x1] =	stream.linear.gather @!p0 [hbm4b:s11+s12], $0x100, $0x38;
	[tilespmem:$0x1C400] =	vst v63  }
0x5d: {  	_ =	swait.ge [sflag:s29], $0x4000  }
0x5e: {  	[sflag:s29] =	ssyncset.done $0x0  }
0x5f: {  	[sflag:s29] =	ssyncadd.s32 $0xFFFFC000  }
0x60: {  	_ =	swait.ge [sflag:s30], $0x100  }
0x61: {  	[sflag:s30] =	ssyncset.done $0x0  }
0x62: {  	[sflag:s30] =	ssyncadd.s32 $0xFFFFFF00  }
0x63: {  	[tilespmem:s21], [sflag:$0x5] =	stream.indirect.gather [hbm4b:s4+s24], $0x80, s19, s24, $0xb8;
	[tilespmem:$0x1C400] =	vst v63  }
0x64: {  	_ = 	snop  }
0x65: {  	[spmem:s2] =	stream.indirect.scatter.add.f32 [tilespmem:s28], [sflag:$0x7], $0x80, s31, s24, $0xb8;
	[tilespmem:$0x1C400] =	vst v63  }
0x66: {  	_ =	swait.ge [sflag:s22], $0x4000  }
0x67: {  	[sflag:s22] =	ssyncset.done $0x0  }
0x68: {  	s5 =	sadd.s32 @!p0 $0x1400, s5;
	s11 =	simm.s32 @!p0 $0x100;
	[sflag:s22] =	ssyncadd.s32 $0xFFFFC000  }
0x69: {  	[tilespmem:s11], [sflag:$0x2] =	stream.linear.gather @!p0 [hbm4b:s5+s12], $0x100, $0x38;
	[tilespmem:$0x1C400] =	vst v63  }
0x6a: {  	_ =	swait.ge [sflag:s25], $0x4000  }
0x6b: {  	[sflag:s25] =	ssyncset.done $0x0  }
0x6c: {  	[sflag:s25] =	ssyncadd.s32 $0xFFFFC000  }
0x6d: {  	_ =	swait.ge [sflag:s1], $0x100  }
0x6e: {  	[sflag:s1] =	ssyncset.done $0x0  }
0x6f: {  	[sflag:s1] =	ssyncadd.s32 $0xFFFFFF00  }
0x70: {  	[tilespmem:s28], [sflag:$0x6] =	stream.indirect.gather [hbm4b:s4+s24], $0x80, s20, s24, $0xb8;
	[tilespmem:$0x1C400] =	vst v63  }
0x71: {  	_ = 	snop  }
0x72: {  	[spmem:s2] =	stream.indirect.scatter.add.f32 [tilespmem:s21], [sflag:$0x7], $0x80, s0, s24, $0xb8;
	[tilespmem:$0x1C400] =	vst v63  }
0x73: {  	p1 =	sne.s32 s9, $0x13000;
	_ =	swait.ge [sflag:s22], $0x4000  }
0x74: {  	s5 =	sadd.s32 @p1 s9, s17;
	s11 =	simm.s32 @p1 $0x0;
	[sflag:s22] =	ssyncset.done $0x0  }
0x75: {  	s12 =	simm.s32 @p1 $0x200;
	s5 =	sadd.s32 @p1 $0x1800, s5;
	[sflag:s22] =	ssyncadd.s32 $0xFFFFC000  }
0x76: {  	[tilespmem:s12], [sflag:$0x3] =	stream.linear.gather @p1 [hbm4b:s5+s11], $0x100, $0x38;
	[tilespmem:$0x1C400] =	vst v63  }
0x77: {  	s5 =	simm.s32 @p1 $0x6  }
0x78: {  	_ =	swait.ge @p1 [sflag:s5], $0x4000  }
0x79: {  	[sflag:s5] =	ssyncset.done @p1 $0x0  }
0x7a: {  	[sflag:s5] =	ssyncadd.s32 @p1 $0xFFFFC000;
	s5 =	simm.s32 @p1 $0x1  }
0x7b: {  	_ =	swait.ge @p1 [sflag:s5], $0x100  }
0x7c: {  	[sflag:s5] =	ssyncset.done @p1 $0x0  }
0x7d: {  	s12 =	simm.s32 @p1 $0x400;
	[sflag:s5] =	ssyncadd.s32 @p1 $0xFFFFFF00;
	s5 =	simm.s32 @p1 $0x80  }
0x7e: {  	[tilespmem:s12], [sflag:$0x5] =	stream.indirect.gather @p1 [hbm4b:s4+s5], $0x80, s11, s5, $0xb8;
	[tilespmem:$0x1C400] =	vst v63  }
0x7f: {  	s5 =	simm.s32 @!p1 $0x6  }
0x80: {  	_ =	swait.ge @!p1 [sflag:s5], $0x4000  }
0x81: {  	[sflag:s5] =	ssyncset.done @!p1 $0x0  }
.Ltmp3:
0x82: {  	[sflag:s5] =	ssyncadd.s32 @!p1 $0xFFFFC000;
	(pc) =	sbr.rel @p0 .LBB2_6-.Ltmp3, $4  }
0x83: {  	[spmem:s2] =	stream.indirect.scatter.add.f32 [tilespmem:s28], [sflag:$0x7], $0x80, s7, s24, $0xb8;
	[tilespmem:$0x1C400] =	vst v63  }
0x84: {  	_ =	swait.ge [sflag:s22], $0x4000  }
0x85: {  	[sflag:s22] =	ssyncset.done $0x0  }
0x86: {  	[sflag:s22] =	ssyncadd.s32 $0xFFFFC000  }
.Ltmp4:
0x87: {  	(pc) =	sbr.rel .LBB2_4-.Ltmp4, $4  }
0x88: {  	_ = 	snop  }
0x89: {  	s5 =	sadd.s32 s9, s17  }
0x8a: {  	s9 =	sadd.s32 $0x1000, s9;
	s5 =	sadd.s32 $0x1C00, s5  }
0x8b: {  	[tilespmem:s20], [sflag:$0x4] =	stream.linear.gather [hbm4b:s5+s3], $0x100, $0x38;
	[tilespmem:$0x1C400] =	vst v63  }
.LBB2_7:
0x8c: {  	_ =	sfence.sel $0x180000  }
0x8d: {  	[bflag:$0x0] =	sbarrier.arrive $0xFFFF  }
0x8e: {  	_ =	strace $0x9000004A  }
0x8f: {  	s0 =	stileid.u32;
	[bflag:$0x2] =	sbarrier.arrive $0xFFFF  }
0x90: {  	p0 =	sne.s32 s0, $0x0;
	s0 =	rddreg [dreg:$0x3]  }
0x91: {  	s0 =	sadd.s32 @!p0 $0x100000, s0  }
0x92: {  	[sflag:s0] =	ssyncadd.tile.s32 @!p0 $0x1;
	_ =	shalt  }
.Lfunc_end2:
_tile_overlayer_lowered:
.L_overlay_start_2:
0x93: {  	(tag) =	ssettag $0x2  }
0x94: {  	s0 =	rddreg [dreg:$0x0];
	s2 =	stileid.u32  }
0x95: {  	s1 =	rddreg [dreg:$0x1];
	p0 =	sne.s32 s2, $0x0  }
0x96: {  	s3 =	rddreg [dreg:$0x2];
	[bflag:$0x3] =	sbarrier.arrive $0xFFFF;
	s2 =	simm.s32 @!p0 $0x1C07  }
0x97: {  	[timem:s3], [sflag:s2] =	dma.local @!p0 [hbm:s0], s1  }
0x98: {  	s0 =	simm.s32 @!p0 $0x7  }
0x99: {  	_ =	swait.ge @!p0 [sflag:s0], s1  }
0x9a: {  	s1 =	ssub.s32 @!p0 $0x0, s1;
	[sflag:s0] =	ssyncset.done @!p0 $0x0  }
0x9b: {  	[sflag:s0] =	ssyncadd.s32 @!p0 s1  }
0x9c: {  	[bflag:$0x3] =	sbarrier.arrive $0xFFFF  }
0x9d: {  	_ =	shalt  }

// kernel: kernel.14.cloned.1.call-start
scs
__scs_entry_jumppad:
0x0: {  	(pc) =	sbr.rel $0x88, $3  }
0x1: {  	(tag) =	ssettag $0x0;
	lr =	simm.s32 $0x1  }
0x2: {  	[smem:$0x3F9D] =	sst lr;
	_ =	strace $0xD0000000  }
0x3: {  	_ = 	snop  }
0x4: {  	_ = 	snop  }
0x5: {  	_ = 	snop  }
0x6: {  	_ = 	snop  }
0x7: {  	_ = 	snop  }
__scs_overlays_trampoline_lowered:
0x8: {  	[smem:$0x3FAC] =	sst s0  }
0x9: {  	[smem:$0x3FAD] =	sst s1  }
0xa: {  	[smem:$0x3FAE] =	sst s2  }
0xb: {  	[smem:$0x3FAF] =	sst s3  }
0xc: {  	[smem:$0x3FB0] =	sst s4  }
0xd: {  	[smem:$0x3FB1] =	sst s5  }
0xe: {  	[smem:$0x3FB2] =	sst s6  }
0xf: {  	[smem:$0x3FB3] =	sst s7  }
0x10: {  	[smem:$0x3FB4] =	sst s8  }
0x11: {  	[smem:$0x3FB5] =	sst s9;
	s0 =	simm.s32 @!p0 $0x0  }
0x12: {  	s1 =	sld [smem:$0x3F9B];
	s0 =	simm.s32 @p0 $0x1  }
0x13: {  	[smem:$0x3FB6] =	sst s0;
	s0 =	simm.s32 @!p1 $0x0  }
0x14: {  	s2 =	sld [smem:$0x3F9A];
	s0 =	simm.s32 @p1 $0x1  }
0x15: {  	[smem:$0x3FB7] =	sst s0;
	s0 =	simm.s32 @!p2 $0x0  }
0x16: {  	s3 =	sld [smem:$0x3FDB];
	s0 =	simm.s32 @p2 $0x1  }
0x17: {  	s4 =	simm.s32 $0x1BF5;
	[smem:$0x3FB9] =	sst s0  }
0x18: {  	s0 =	sld [smem:$0x3F9C];
	_ =	swait.ge [sflag:s4], $0x0  }
0x19: {  	s7 =	sld [smem:$0x3F9D]  }
0x1a: {  	s8 =	sadd.s32 $0xFFFFE003, lr  }
0x1b: {  	s9 =	sadd.s32 $0xFFFFFEF7, lr;
	s5 =	simm.s32 $0xFFFFFFFF;
	p2 =	slt.u32 s8, $0xFFFFF086  }
0x1c: {  	p1 =	slt.u32 s9, $0xF7A;
	s5 =	simm.s32 @!p2 $0x0  }
0x1d: {  	s5 =	simm.s32 @p1 $0x1;
	p0 =	seq.s32 s7, s2  }
0x1e: {  	s7 =	smul.u32 @!p0 $0xF7A, s2;
	p2 =	seq.s32 @!p0 s5, $0x0  }
0x1f: {  	s9 =	smul.u32 $0xF7A, s1;
	s8 =	simm.s32 @!p0 $0x1BF5;
	p2 =	por !p2, p0  }
0x20: {  	[sflag:s8] =	ssyncset.s32 @!p0 $0xFFFFF086;
	s6 =	sadd.s32 @!p0 s3, s7;
	s7 =	simm.s32 @!p0 $0x108  }
0x21: {  	s3 =	sadd.s32 s3, s9;
	s6 =	sadd.s32 @!p0 $0x88, s6;
	s7 =	simm.s32 @p2 $0x1082  }
0x22: {  	[simem:s7], [sflag:s8] =	dma.local @!p0 [hbm:s6], $0xF7A  }
0x23: {  	s9 =	sor.u32 $0xD0000000, s2;
	s6 =	simm.s32 $0x108;
	_ =	swait.ge @!p0 [sflag:s8], $0x0  }
0x24: {  	s3 =	sadd.s32 $0x88, s3;
	s6 =	simm.s32 @!p1 $0x1082;
	[sflag:s4] =	ssyncset.s32 $0xFFFFF086  }
0x25: {  	[simem:s6], [sflag:s4] =	dma.local [hbm:s3], $0xF7A  }
0x26: {  	[smem:$0x3F9D] =	sst s1;
	(tag) =	ssettag s2;
	_ =	strace s9  }
0x27: {  	s1 =	sld [smem:$0x3FAD]  }
0x28: {  	s2 =	sld [smem:$0x3FAE]  }
0x29: {  	s4 =	sld [smem:$0x3FB0]  }
0x2a: {  	p0 =	seq.s32 s5, $0x0;
	s5 =	sld [smem:$0x3FB1]  }
0x2b: {  	s6 =	sld [smem:$0x3FB2]  }
0x2c: {  	s7 =	sld [smem:$0x3FB3]  }
0x2d: {  	s3 =	simm.s32 $0x108;
	s8 =	sld [smem:$0x3FB4]  }
0x2e: {  	s3 =	simm.s32 @!p0 $0x1082;
	s9 =	sld [smem:$0x3FB5]  }
0x2f: {  	lr =	sadd.s32 s0, s3;
	s0 =	sld [smem:$0x3FAC]  }
0x30: {  	s3 =	sld [smem:$0x3FAF]  }
0x31: {  	[smem:$0x3FB8] =	sst s10  }
0x32: {  	s10 =	sld [smem:$0x3FB6];
	_ =	sdelay $0x3  }
0x33: {  	p0 =	seq.s32 s10, $0x1;
	s10 =	sld [smem:$0x3FB8];
	_ =	sdelay $0x3  }
0x34: {  	[smem:$0x3FB8] =	sst s10  }
0x35: {  	s10 =	sld [smem:$0x3FB7];
	_ =	sdelay $0x3  }
0x36: {  	p1 =	seq.s32 s10, $0x1;
	s10 =	sld [smem:$0x3FB8];
	_ =	sdelay $0x3  }
0x37: {  	[smem:$0x3FB8] =	sst s10  }
0x38: {  	s10 =	sld [smem:$0x3FB9]  }
0x39: {  	_ = 	snop;
	(pc) =	sbr.ind lr, $3  }
0x3a: {  	_ = 	snop  }
0x3b: {  	_ = 	snop  }
0x3c: {  	p2 =	seq.s32 s10, $0x1;
	s10 =	sld [smem:$0x3FB8]  }
0x3d: {  	_ =	shalt  }
0x3e: {  	_ =	shalt  }
0x3f: {  	_ =	shalt  }
0x40: {  	_ =	shalt  }
0x41: {  	_ =	shalt  }
0x42: {  	_ =	shalt  }
0x43: {  	_ =	shalt  }
0x44: {  	_ =	shalt  }
0x45: {  	_ =	shalt  }
0x46: {  	_ =	shalt  }
0x47: {  	_ =	shalt  }
0x48: {  	_ =	shalt  }
0x49: {  	_ =	shalt  }
0x4a: {  	_ =	shalt  }
0x4b: {  	_ =	shalt  }
0x4c: {  	_ =	shalt  }
0x4d: {  	_ =	shalt  }
0x4e: {  	_ =	shalt  }
0x4f: {  	_ =	shalt  }
0x50: {  	_ =	shalt  }
0x51: {  	_ =	shalt  }
0x52: {  	_ =	shalt  }
0x53: {  	_ =	shalt  }
0x54: {  	_ =	shalt  }
0x55: {  	_ =	shalt  }
0x56: {  	_ =	shalt  }
0x57: {  	_ =	shalt  }
0x58: {  	_ =	shalt  }
0x59: {  	_ =	shalt  }
0x5a: {  	_ =	shalt  }
0x5b: {  	_ =	shalt  }
0x5c: {  	_ =	shalt  }
0x5d: {  	_ =	shalt  }
0x5e: {  	_ =	shalt  }
0x5f: {  	_ =	shalt  }
0x60: {  	_ =	shalt  }
0x61: {  	_ =	shalt  }
0x62: {  	_ =	shalt  }
0x63: {  	_ =	shalt  }
0x64: {  	_ =	shalt  }
0x65: {  	_ =	shalt  }
0x66: {  	_ =	shalt  }
0x67: {  	_ =	shalt  }
0x68: {  	_ =	shalt  }
0x69: {  	_ =	shalt  }
0x6a: {  	_ =	shalt  }
0x6b: {  	_ =	shalt  }
0x6c: {  	_ =	shalt  }
0x6d: {  	_ =	shalt  }
0x6e: {  	_ =	shalt  }
0x6f: {  	_ =	shalt  }
0x70: {  	_ =	shalt  }
0x71: {  	_ =	shalt  }
0x72: {  	_ =	shalt  }
0x73: {  	_ =	shalt  }
0x74: {  	_ =	shalt  }
0x75: {  	_ =	shalt  }
0x76: {  	_ =	shalt  }
0x77: {  	_ =	shalt  }
0x78: {  	_ =	shalt  }
0x79: {  	_ =	shalt  }
0x7a: {  	_ =	shalt  }
0x7b: {  	_ =	shalt  }
0x7c: {  	_ =	shalt  }
0x7d: {  	_ =	shalt  }
0x7e: {  	_ =	shalt  }
0x7f: {  	_ =	shalt  }
0x80: {  	_ =	shalt  }
0x81: {  	_ =	shalt  }
0x82: {  	_ =	shalt  }
0x83: {  	_ =	shalt  }
0x84: {  	_ =	shalt  }
0x85: {  	_ =	shalt  }
0x86: {  	_ =	shalt  }
0x87: {  	_ =	shalt  }
.Lfunc_end0:
.L_simem_size_0:
called_computation.2_lowered:
.L_overlay_start_0:
0x88: {  	s2 =	sld [smem:$0x3FD9]  }
0x89: {  	s3 =	sld [smem:$0x3FFE];
	_ =	sdelay $0x1  }
0x8a: {  	s1 =	srdreg.scid  }
0x8b: {  	s0 =	sand.u32 $0x1, s1  }
0x8c: {  	s17 =	sshll.u32 s0, $0xA;
	s2 =	sadd.s32 s3, s2  }
0x8d: {  	s2 =	sadd.s32 s2, s17  }
0x8e: {  	[smem:$0x3FC4] =	sst s2  }
0x8f: {  	_ = 	snop  }
0x90: {  	s2 =	sld [smem:$0x3FD0];
	(tm) =	ssettm $0x1  }
0x91: {  	s18 =	sld [smem:$0x3FFB];
	_ =	sdelay $0x3  }
0x92: {  	_ =	strace s18  }
0x93: {  	s3 =	sld [smem:$0x3FFC];
	_ =	sdelay $0x3  }
0x94: {  	_ =	strace s3  }
0x95: {  	s3 =	sld [smem:$0x3FFD];
	_ =	sdelay $0x3  }
0x96: {  	_ =	strace s3  }
0x97: {  	_ =	strace $0x8FFFFFFF  }
0x98: {  	s19 =	sld [smem:$0x3FDB];
	_ =	sdelay $0x1  }
0x99: {  	s4 =	simm.s32 $_scs_section_size  }
0x9a: {  	s5 =	simm.s32 $_size__tile_overlayer_lowered;
	s6 =	simm.s32 $_tile_overlayer_lowered  }
0x9b: {  	s22 =	simm.s32 $0x1BFF;
	s21 =	sshll.u32 s6, $0x1;
	s3 =	sadd.s32 s4, s19  }
0x9c: {  	s7 =	simm.s32 $0x0;
	s20 =	sshll.u32 s5, $0x1;
	s5 =	sadd.s32 s21, s3  }
0x9d: {  	[timem:s7], [sflag:s22] =	dma.local [hbm:s5], s20  }
0x9e: {  	_ =	swait.ge [sflag:s22], s20  }
0x9f: {  	s4 =	ssub.s32 $0x0, s20;
	[sflag:s22] =	ssyncset.done $0x0  }
0xa0: {  	[sflag:s22] =	ssyncadd.s32 s4;
	_ =	sdelay $0x1  }
0xa1: {  	s23 =	simm.s32 $0x1B8B  }
0xa2: {  	_ =	swait.ge [sflag:s23], $0x1  }
0xa3: {  	[sflag:s23] =	ssyncset.done $0x0  }
0xa4: {  	s25 =	simm.s32 $0x1B8E;
	s24 =	sld [smem:$0x3FFE];
	[sflag:s23] =	ssyncadd.s32 $0xFFFFFFFF  }
0xa5: {  	s26 =	simm.s32 $execute0_lowered;
	[smem:$0x3FD2] =	sst s25  }
0xa6: {  	s5 =	sshll.u32 s26, $0x1;
	_ =	strace $0x8000004C;
	[dreg:$0x1] =	wrdreg $0xFFFFFFFF  }
0xa7: {  	s28 =	simm.s32 $_size_execute0_lowered;
	s3 =	sadd.s32 s3, s5;
	[dreg:$0x0] =	wrdreg $0x0  }
0xa8: {  	s5 =	sshll.u32 s28, $0x1;
	[dreg:$0x2] =	wrdreg s3  }
0xa9: {  	[dreg:$0x3] =	wrdreg s5  }
0xaa: {  	[dreg:$0x4] =	wrdreg $0xC0  }
0xab: {  	_ =	task [dreg:s7], $0x5FFFF  }
0xac: {  	[dreg:$0x1] =	wrdreg $0xFFFFFFFF  }
0xad: {  	[dreg:$0x0] =	wrdreg $0x60  }
0xae: {  	[dreg:$0x2] =	wrdreg s24  }
0xaf: {  	[dreg:$0x3] =	wrdreg s2  }
0xb0: {  	[dreg:$0x4] =	wrdreg $0x84000  }
0xb1: {  	[dreg:$0x5] =	wrdreg $0x9  }
0xb2: {  	_ =	task.clear_ibuf [dreg:s7], $0x6FFFF;
	_ =	strace $0x9000004C  }
0xb3: {  	s29 =	simm.s32 $0x9;
	_ =	strace $0x8000004E  }
0xb4: {  	_ =	swait.ge [sflag:s29], $0x1  }
0xb5: {  	[sflag:s29] =	ssyncadd.s32 $0xFFFFFFFF  }
0xb6: {  	_ =	strace $0x9000004E  }
0xb7: {  	_ =	sfence  }
0xb8: {  	s30 =	sld [smem:$0x0];
	_ =	sdelay $0x2  }
0xb9: {  	s31 =	sshll.u32 s1, $0xD;
	s1 =	sshrl.u32 s1, $0x2  }
0xba: {  	s3 =	sand.u32 $0x4000, s31;
	s1 =	sadd.s32 s1, s30  }
0xbb: {  	s0 =	sor.u32 s3, s0;
	s1 =	sshll.u32 s1, $0x11  }
0xbc: {  	s0 =	sor.u32 s1, s0  }
0xbd: {  	s0 =	sadd.s32 $0x8F2B, s0  }
0xbe: {  	[sflag:s0] =	ssyncadd.remote.s32 $0x1  }
0xbf: {  	_ =	sfence.sel $0xFFFF  }
0xc0: {  	[dreg:$0x0] =	wrdreg $0xFFFFFFFF;
	(pc) =	sbr.abs _section_cstart, $3  }
0xc1: {  	[dreg:$0x1] =	wrdreg $0xFFFFFFFF  }
0xc2: {  	_ =	task.clear_ibuf [dreg:s7], $0x2FFFF;
	_ =	strace $0x9FFFFFFF  }
0xc3: {  	(tm) =	ssettm $0x7FFFFFFF  }
tec
execute0_lowered:
.L_overlay_start_1:
0x0: {  	(tag) =	ssettag $0x1  }
0x1: {  	s0 =	rddreg [dreg:$0x0];
	s1 =	srdreg.scid  }
0x2: {  	s5 =	rddreg [dreg:$0x1];
	s10 =	stileid.u32  }
0x3: {  	s2 =	rddreg [dreg:$0x2];
	s3 =	simm.s32 $0x0;
	s18 =	simm.s32 $0x100  }
0x4: {  	s19 =	simm.s32 $0x200;
	s20 =	simm.s32 $0x300;
	s28 =	simm.s32 $0x4400  }
0x5: {  	s29 =	simm.s32 $0x6;
	s30 =	simm.s32 $0x3;
	s6 =	smul.u32 $0x14000, s10  }
0x6: {  	s1 =	sand.u32 $0x1, s1;
	s11 =	sshll.u32 s10, $0x6;
	s10 =	smul.u32 $0x50000, s10  }
0x7: {  	s31 =	simm.s32 $0x180;
	[smem:$0x7FF] =	sst s3;
	s4 =	smul.u32 $0x140000, s1  }
0x8: {  	_ =	strace $0x8000004D;
	s7 =	ssub.s32 $0x2, s1;
	s1 =	sshll.u32 s1, $0x5  }
0x9: {  	s13 =	smov.u32 s11;
	s26 =	sadd.s32 s11, s5;
	s8 =	sshrl.u32 s7, $0x1  }
0xa: {  	s9 =	sor.u32 s1, s11;
	s23 =	sshrl.u32 s10, $0x2;
	s17 =	sadd.s32 s1, s26  }
0xb: {  	s26 =	simm.s32 $0x2;
	s1 =	simm.s32 $0x4;
	s6 =	sadd.s32 s6, s4  }
0xc: {  	s4 =	sadd.s32 $0x2C00, s0;
	s7 =	ssub.s32 s7, s8;
	s10 =	sadd.s32 s23, s2  }
0xd: {  	s23 =	simm.s32 $0x1;
	s8 =	simm.s32 $0x0;
	s6 =	sshrl.u32 s6, $0x3  }
0xe: {  	s24 =	smax.u32 s7, $0x1;
	s25 =	sadd.s32 $0x4000, s10;
	s14 =	sadd.s32 $0x8000, s10  }
0xf: {  	s0 =	sadd.s32 s6, s0;
	s6 =	sadd.s32 s5, s9;
	[dreg:$0x8] =	wrdreg s24  }
0x10: {  	s15 =	sadd.s32 $0xC000, s10;
	[dreg:$0x9] =	wrdreg s25;
	s21 =	sadd.s32 $0x400, s6  }
.Ltmp0:
0x11: {  	s22 =	sadd.s32 $0x800, s6;
	[dreg:$0x4] =	wrdreg s21;
	(pc) =	sbr.rel .LBB2_1-.Ltmp0, $4  }
0x12: {  	s16 =	sadd.s32 $0x10000, s10;
	s9 =	sadd.s32 $0xC00, s6;
	[dreg:$0x5] =	wrdreg s22  }
0x13: {  	s7 =	simm.s32 $0x380;
	s0 =	sadd.s32 $0x52C00, s0;
	[dreg:$0x6] =	wrdreg s9  }
0x14: {  	s24 =	simm.s32 $0x80;
	s25 =	simm.s32 $0x5;
	[dreg:$0x7] =	wrdreg s0  }
0x15: {  	v0 =	vimm.f32 $0.0e+00;
	s21 =	simm.s32 $0x400;
	s22 =	simm.s32 $0x7;
	s0 =	simm.s32 $0x280  }
.LBB2_6:
0x16: {  	[bflag:$0x0] =	sbarrier.arrive $0xFFFF  }
0x17: {  	s5 =	sor.u32 $0x1C07, s13;
	s9 =	sshrl.u32 s10, $0x3;
	s11 =	rddreg [dreg:$0x7]  }
0x18: {  	[hbm:s11], [sflag:s5] =	dma.local [spmem:s9], $0x2800  }
0x19: {  	_ =	swait.ge [sflag:s22], $0x2800  }
0x1a: {  	s8 =	sadd.s32 $0x1, s8;
	s12 =	rddreg [dreg:$0x8]  }
0x1b: {  	p0 =	sne.s32 s8, s12  }
.Ltmp1:
0x1c: {  	_ = 	snop;
	(pc) =	sbr.rel @!p0 .LBB2_7-.Ltmp1, $3  }
0x1d: {  	_ =	sdelay $0x1  }
0x1e: {  	[sflag:s22] =	ssyncset.done $0x0  }
0x1f: {  	[sflag:s22] =	ssyncadd.s32 $0xFFFFD800  }
.LBB2_1:
0x20: {  	[tilespmem:s3], [sflag:$0x1] =	stream.linear.gather [hbm4b:s6+s3], $0x100, $0x38;
	[tilespmem:$0x1C400] =	vst v63  }
0x21: {  	s5 =	rddreg [dreg:$0x4]  }
0x22: {  	[tilespmem:s18], [sflag:$0x2] =	stream.linear.gather [hbm4b:s5+s3], $0x100, $0x38;
	[tilespmem:$0x1C400] =	vst v63  }
0x23: {  	s11 =	rddreg [dreg:$0x5]  }
0x24: {  	[tilespmem:s19], [sflag:$0x3] =	stream.linear.gather [hbm4b:s11+s3], $0x100, $0x38;
	[tilespmem:$0x1C400] =	vst v63  }
0x25: {  	s12 =	rddreg [dreg:$0x6];
	s9 =	simm.s32 $0x0;
	s5 =	simm.s32 $0x200  }
0x26: {  	[tilespmem:s20], [sflag:$0x4] =	stream.linear.gather [hbm4b:s12+s3], $0x100, $0x38;
	[tilespmem:$0x1C400] =	vst v63  }
.LBB2_2:
0x27: {  	p0 =	sne.s32 s5, $0xFE00;
	[tilespmem:s9+$0x470] =	vst v0  }
0x28: {  	[tilespmem:s9+$0x400] =	vst v0  }
0x29: {  	[tilespmem:s9+$0x410] =	vst v0  }
.Ltmp2:
0x2a: {  	[tilespmem:s9+$0x420] =	vst v0;
	(pc) =	sbr.rel @p0 .LBB2_2-.Ltmp2, $4  }
0x2b: {  	[tilespmem:s9+$0x430] =	vst v0  }
0x2c: {  	[tilespmem:s9+$0x440] =	vst v0  }
0x2d: {  	[tilespmem:s9+$0x450] =	vst v0  }
0x2e: {  	[tilespmem:s9+$0x460] =	vst v0;
	s9 =	sshra.s32 s5, $0x2;
	s5 =	sadd.s32 $0x200, s5  }
0x2f: {  	[tilespmem:s9+$0x470] =	vst v0  }
0x30: {  	[tilespmem:s9+$0x400] =	vst v0  }
0x31: {  	[tilespmem:s9+$0x410] =	vst v0  }
0x32: {  	[tilespmem:s9+$0x420] =	vst v0  }
0x33: {  	[tilespmem:s9+$0x430] =	vst v0  }
0x34: {  	[tilespmem:s9+$0x440] =	vst v0  }
0x35: {  	[tilespmem:s9+$0x450] =	vst v0  }
0x36: {  	[tilespmem:s9+$0x460] =	vst v0  }
0x37: {  	[spmem:s10] =	stream.linear.scatter [tilespmem:s21], [sflag:$0x7], $0x4000, $0x38;
	[tilespmem:$0x1C400] =	vst v63  }
0x38: {  	_ =	swait.ge [sflag:s22], $0x4000  }
0x39: {  	[sflag:s22] =	ssyncset.done $0x0  }
0x3a: {  	s5 =	rddreg [dreg:$0x9];
	[sflag:s22] =	ssyncadd.s32 $0xFFFFC000  }
0x3b: {  	[spmem:s5] =	stream.linear.scatter [tilespmem:s21], [sflag:$0x7], $0x4000, $0x38;
	[tilespmem:$0x1C400] =	vst v63  }
0x3c: {  	_ =	swait.ge [sflag:s22], $0x4000  }
0x3d: {  	[sflag:s22] =	ssyncset.done $0x0  }
0x3e: {  	[sflag:s22] =	ssyncadd.s32 $0xFFFFC000  }
0x3f: {  	[spmem:s14] =	stream.linear.scatter [tilespmem:s21], [sflag:$0x7], $0x4000, $0x38;
	[tilespmem:$0x1C400] =	vst v63  }
0x40: {  	_ =	swait.ge [sflag:s22], $0x4000  }
0x41: {  	[sflag:s22] =	ssyncset.done $0x0  }
0x42: {  	[sflag:s22] =	ssyncadd.s32 $0xFFFFC000  }
0x43: {  	[spmem:s15] =	stream.linear.scatter [tilespmem:s21], [sflag:$0x7], $0x4000, $0x38;
	[tilespmem:$0x1C400] =	vst v63  }
0x44: {  	_ =	swait.ge [sflag:s22], $0x4000  }
0x45: {  	[sflag:s22] =	ssyncset.done $0x0  }
0x46: {  	[sflag:s22] =	ssyncadd.s32 $0xFFFFC000  }
0x47: {  	[spmem:s16] =	stream.linear.scatter [tilespmem:s21], [sflag:$0x7], $0x4000, $0x38;
	[tilespmem:$0x1C400] =	vst v63  }
0x48: {  	_ =	swait.ge [sflag:s22], $0x4000  }
0x49: {  	[sflag:s22] =	ssyncset.done $0x0  }
0x4a: {  	[sflag:s22] =	ssyncadd.s32 $0xFFFFC000  }
0x4b: {  	[bflag:$0x0] =	sbarrier.arrive $0xFFFF  }
0x4c: {  	_ =	swait.ge [sflag:s23], $0x100  }
0x4d: {  	[sflag:s23] =	ssyncset.done $0x0  }
0x4e: {  	s9 =	simm.s32 $0x0;
	[sflag:s23] =	ssyncadd.s32 $0xFFFFFF00  }
0x4f: {  	[tilespmem:s21], [sflag:$0x5] =	stream.indirect.gather [hbm4b:s4+s24], $0x80, s9, s24, $0xb8;
	[tilespmem:$0x1C400] =	vst v63  }
.LBB2_4:
0x50: {  	_ =	swait.ge [sflag:s25], $0x4000  }
0x51: {  	[sflag:s25] =	ssyncset.done $0x0  }
0x52: {  	[sflag:s25] =	ssyncadd.s32 $0xFFFFC000  }
0x53: {  	_ =	swait.ge [sflag:s26], $0x100  }
0x54: {  	[sflag:s26] =	ssyncset.done $0x0  }
0x55: {  	[sflag:s26] =	ssyncadd.s32 $0xFFFFFF00  }
0x56: {  	[tilespmem:s28], [sflag:$0x6] =	stream.indirect.gather [hbm4b:s4+s24], $0x80, s18, s24, $0xb8;
	[tilespmem:$0x1C400] =	vst v63  }
0x57: {  	_ = 	snop  }
0x58: {  	[spmem:s2] =	stream.indirect.scatter.add.f32 [tilespmem:s21], [sflag:$0x7], $0x80, s24, s24, $0xb8;
	[tilespmem:$0x1C400] =	vst v63  }
0x59: {  	p0 =	seq.s32 s9, $0x13000;
	_ =	swait.ge [sflag:s22], $0x4000  }
0x5a: {  	s5 =	sadd.s32 @!p0 s9, s17;
	[sflag:s22] =	ssyncset.done $0x0  }
0x5b: {  	s12 =	simm.s32 @!p0 $0x0;
	s11 =	sadd.s32 @!p0 $0x1000, s5;
	[sflag:s22] =	ssyncadd.s32 $0xFFFFC000  }
0x5c: {  	[tilespmem:s12], [sflag:$0x1] =	stream.linear.gather @!p0 [hbm4b:s11+s12], $0x100, $0x38;
	[tilespmem:$0x1C400] =	vst v63  }
0x5d: {  	_ =	swait.ge [sflag:s29], $0x4000  }
0x5e: {  	[sflag:s29] =	ssyncset.done $0x0  }
0x5f: {  	[sflag:s29] =	ssyncadd.s32 $0xFFFFC000  }
0x60: {  	_ =	swait.ge [sflag:s30], $0x100  }
0x61: {  	[sflag:s30] =	ssyncset.done $0x0  }
0x62: {  	[sflag:s30] =	ssyncadd.s32 $0xFFFFFF00  }
0x63: {  	[tilespmem:s21], [sflag:$0x5] =	stream.indirect.gather [hbm4b:s4+s24], $0x80, s19, s24, $0xb8;
	[tilespmem:$0x1C400] =	vst v63  }
0x64: {  	_ = 	snop  }
0x65: {  	[spmem:s2] =	stream.indirect.scatter.add.f32 [tilespmem:s28], [sflag:$0x7], $0x80, s31, s24, $0xb8;
	[tilespmem:$0x1C400] =	vst v63  }
0x66: {  	_ =	swait.ge [sflag:s22], $0x4000  }
0x67: {  	[sflag:s22] =	ssyncset.done $0x0  }
0x68: {  	s5 =	sadd.s32 @!p0 $0x1400, s5;
	s11 =	simm.s32 @!p0 $0x100;
	[sflag:s22] =	ssyncadd.s32 $0xFFFFC000  }
0x69: {  	[tilespmem:s11], [sflag:$0x2] =	stream.linear.gather @!p0 [hbm4b:s5+s12], $0x100, $0x38;
	[tilespmem:$0x1C400] =	vst v63  }
0x6a: {  	_ =	swait.ge [sflag:s25], $0x4000  }
0x6b: {  	[sflag:s25] =	ssyncset.done $0x0  }
0x6c: {  	[sflag:s25] =	ssyncadd.s32 $0xFFFFC000  }
0x6d: {  	_ =	swait.ge [sflag:s1], $0x100  }
0x6e: {  	[sflag:s1] =	ssyncset.done $0x0  }
0x6f: {  	[sflag:s1] =	ssyncadd.s32 $0xFFFFFF00  }
0x70: {  	[tilespmem:s28], [sflag:$0x6] =	stream.indirect.gather [hbm4b:s4+s24], $0x80, s20, s24, $0xb8;
	[tilespmem:$0x1C400] =	vst v63  }
0x71: {  	_ = 	snop  }
0x72: {  	[spmem:s2] =	stream.indirect.scatter.add.f32 [tilespmem:s21], [sflag:$0x7], $0x80, s0, s24, $0xb8;
	[tilespmem:$0x1C400] =	vst v63  }
0x73: {  	p1 =	sne.s32 s9, $0x13000;
	_ =	swait.ge [sflag:s22], $0x4000  }
0x74: {  	s5 =	sadd.s32 @p1 s9, s17;
	s11 =	simm.s32 @p1 $0x0;
	[sflag:s22] =	ssyncset.done $0x0  }
0x75: {  	s12 =	simm.s32 @p1 $0x200;
	s5 =	sadd.s32 @p1 $0x1800, s5;
	[sflag:s22] =	ssyncadd.s32 $0xFFFFC000  }
0x76: {  	[tilespmem:s12], [sflag:$0x3] =	stream.linear.gather @p1 [hbm4b:s5+s11], $0x100, $0x38;
	[tilespmem:$0x1C400] =	vst v63  }
0x77: {  	s5 =	simm.s32 @p1 $0x6  }
0x78: {  	_ =	swait.ge @p1 [sflag:s5], $0x4000  }
0x79: {  	[sflag:s5] =	ssyncset.done @p1 $0x0  }
0x7a: {  	[sflag:s5] =	ssyncadd.s32 @p1 $0xFFFFC000;
	s5 =	simm.s32 @p1 $0x1  }
0x7b: {  	_ =	swait.ge @p1 [sflag:s5], $0x100  }
0x7c: {  	[sflag:s5] =	ssyncset.done @p1 $0x0  }
0x7d: {  	s12 =	simm.s32 @p1 $0x400;
	[sflag:s5] =	ssyncadd.s32 @p1 $0xFFFFFF00;
	s5 =	simm.s32 @p1 $0x80  }
0x7e: {  	[tilespmem:s12], [sflag:$0x5] =	stream.indirect.gather @p1 [hbm4b:s4+s5], $0x80, s11, s5, $0xb8;
	[tilespmem:$0x1C400] =	vst v63  }
0x7f: {  	s5 =	simm.s32 @!p1 $0x6  }
0x80: {  	_ =	swait.ge @!p1 [sflag:s5], $0x4000  }
0x81: {  	[sflag:s5] =	ssyncset.done @!p1 $0x0  }
.Ltmp3:
0x82: {  	[sflag:s5] =	ssyncadd.s32 @!p1 $0xFFFFC000;
	(pc) =	sbr.rel @p0 .LBB2_6-.Ltmp3, $4  }
0x83: {  	[spmem:s2] =	stream.indirect.scatter.add.f32 [tilespmem:s28], [sflag:$0x7], $0x80, s7, s24, $0xb8;
	[tilespmem:$0x1C400] =	vst v63  }
0x84: {  	_ =	swait.ge [sflag:s22], $0x4000  }
0x85: {  	[sflag:s22] =	ssyncset.done $0x0  }
0x86: {  	[sflag:s22] =	ssyncadd.s32 $0xFFFFC000  }
.Ltmp4:
0x87: {  	(pc) =	sbr.rel .LBB2_4-.Ltmp4, $4  }
0x88: {  	_ = 	snop  }
0x89: {  	s5 =	sadd.s32 s9, s17  }
0x8a: {  	s9 =	sadd.s32 $0x1000, s9;
	s5 =	sadd.s32 $0x1C00, s5  }
0x8b: {  	[tilespmem:s20], [sflag:$0x4] =	stream.linear.gather [hbm4b:s5+s3], $0x100, $0x38;
	[tilespmem:$0x1C400] =	vst v63  }
.LBB2_7:
0x8c: {  	_ =	sfence.sel $0x180000  }
0x8d: {  	[bflag:$0x0] =	sbarrier.arrive $0xFFFF  }
0x8e: {  	_ =	strace $0x9000004D  }
0x8f: {  	s0 =	stileid.u32;
	[bflag:$0x2] =	sbarrier.arrive $0xFFFF  }
0x90: {  	p0 =	sne.s32 s0, $0x0;
	s0 =	rddreg [dreg:$0x3]  }
0x91: {  	s0 =	sadd.s32 @!p0 $0x100000, s0  }
0x92: {  	[sflag:s0] =	ssyncadd.tile.s32 @!p0 $0x1;
	_ =	shalt  }
.Lfunc_end2:
_tile_overlayer_lowered:
.L_overlay_start_2:
0x93: {  	(tag) =	ssettag $0x2  }
0x94: {  	s0 =	rddreg [dreg:$0x0];
	s2 =	stileid.u32  }
0x95: {  	s1 =	rddreg [dreg:$0x1];
	p0 =	sne.s32 s2, $0x0  }
0x96: {  	s3 =	rddreg [dreg:$0x2];
	[bflag:$0x3] =	sbarrier.arrive $0xFFFF;
	s2 =	simm.s32 @!p0 $0x1C07  }
0x97: {  	[timem:s3], [sflag:s2] =	dma.local @!p0 [hbm:s0], s1  }
0x98: {  	s0 =	simm.s32 @!p0 $0x7  }
0x99: {  	_ =	swait.ge @!p0 [sflag:s0], s1  }
0x9a: {  	s1 =	ssub.s32 @!p0 $0x0, s1;
	[sflag:s0] =	ssyncset.done @!p0 $0x0  }
0x9b: {  	[sflag:s0] =	ssyncadd.s32 @!p0 s1  }
0x9c: {  	[bflag:$0x3] =	sbarrier.arrive $0xFFFF  }
0x9d: {  	_ =	shalt  }

// kernel: kernel.8.cloned.1.call-start
scs
__scs_entry_jumppad:
0x0: {  	(pc) =	sbr.rel $0x88, $3  }
0x1: {  	(tag) =	ssettag $0x0;
	lr =	simm.s32 $0x1  }
0x2: {  	[smem:$0x3F9D] =	sst lr;
	_ =	strace $0xD0000000  }
0x3: {  	_ = 	snop  }
0x4: {  	_ = 	snop  }
0x5: {  	_ = 	snop  }
0x6: {  	_ = 	snop  }
0x7: {  	_ = 	snop  }
__scs_overlays_trampoline_lowered:
0x8: {  	[smem:$0x3FAC] =	sst s0  }
0x9: {  	[smem:$0x3FAD] =	sst s1  }
0xa: {  	[smem:$0x3FAE] =	sst s2  }
0xb: {  	[smem:$0x3FAF] =	sst s3  }
0xc: {  	[smem:$0x3FB0] =	sst s4  }
0xd: {  	[smem:$0x3FB1] =	sst s5  }
0xe: {  	[smem:$0x3FB2] =	sst s6  }
0xf: {  	[smem:$0x3FB3] =	sst s7  }
0x10: {  	[smem:$0x3FB4] =	sst s8  }
0x11: {  	[smem:$0x3FB5] =	sst s9;
	s0 =	simm.s32 @!p0 $0x0  }
0x12: {  	s1 =	sld [smem:$0x3F9B];
	s0 =	simm.s32 @p0 $0x1  }
0x13: {  	[smem:$0x3FB6] =	sst s0;
	s0 =	simm.s32 @!p1 $0x0  }
0x14: {  	s2 =	sld [smem:$0x3F9A];
	s0 =	simm.s32 @p1 $0x1  }
0x15: {  	[smem:$0x3FB7] =	sst s0;
	s0 =	simm.s32 @!p2 $0x0  }
0x16: {  	s3 =	sld [smem:$0x3FDB];
	s0 =	simm.s32 @p2 $0x1  }
0x17: {  	s4 =	simm.s32 $0x1BF5;
	[smem:$0x3FB9] =	sst s0  }
0x18: {  	s0 =	sld [smem:$0x3F9C];
	_ =	swait.ge [sflag:s4], $0x0  }
0x19: {  	s7 =	sld [smem:$0x3F9D]  }
0x1a: {  	s8 =	sadd.s32 $0xFFFFE003, lr  }
0x1b: {  	s9 =	sadd.s32 $0xFFFFFEF7, lr;
	s5 =	simm.s32 $0xFFFFFFFF;
	p2 =	slt.u32 s8, $0xFFFFF086  }
0x1c: {  	p1 =	slt.u32 s9, $0xF7A;
	s5 =	simm.s32 @!p2 $0x0  }
0x1d: {  	s5 =	simm.s32 @p1 $0x1;
	p0 =	seq.s32 s7, s2  }
0x1e: {  	s7 =	smul.u32 @!p0 $0xF7A, s2;
	p2 =	seq.s32 @!p0 s5, $0x0  }
0x1f: {  	s9 =	smul.u32 $0xF7A, s1;
	s8 =	simm.s32 @!p0 $0x1BF5;
	p2 =	por !p2, p0  }
0x20: {  	[sflag:s8] =	ssyncset.s32 @!p0 $0xFFFFF086;
	s6 =	sadd.s32 @!p0 s3, s7;
	s7 =	simm.s32 @!p0 $0x108  }
0x21: {  	s3 =	sadd.s32 s3, s9;
	s6 =	sadd.s32 @!p0 $0x88, s6;
	s7 =	simm.s32 @p2 $0x1082  }
0x22: {  	[simem:s7], [sflag:s8] =	dma.local @!p0 [hbm:s6], $0xF7A  }
0x23: {  	s9 =	sor.u32 $0xD0000000, s2;
	s6 =	simm.s32 $0x108;
	_ =	swait.ge @!p0 [sflag:s8], $0x0  }
0x24: {  	s3 =	sadd.s32 $0x88, s3;
	s6 =	simm.s32 @!p1 $0x1082;
	[sflag:s4] =	ssyncset.s32 $0xFFFFF086  }
0x25: {  	[simem:s6], [sflag:s4] =	dma.local [hbm:s3], $0xF7A  }
0x26: {  	[smem:$0x3F9D] =	sst s1;
	(tag) =	ssettag s2;
	_ =	strace s9  }
0x27: {  	s1 =	sld [smem:$0x3FAD]  }
0x28: {  	s2 =	sld [smem:$0x3FAE]  }
0x29: {  	s4 =	sld [smem:$0x3FB0]  }
0x2a: {  	p0 =	seq.s32 s5, $0x0;
	s5 =	sld [smem:$0x3FB1]  }
0x2b: {  	s6 =	sld [smem:$0x3FB2]  }
0x2c: {  	s7 =	sld [smem:$0x3FB3]  }
0x2d: {  	s3 =	simm.s32 $0x108;
	s8 =	sld [smem:$0x3FB4]  }
0x2e: {  	s3 =	simm.s32 @!p0 $0x1082;
	s9 =	sld [smem:$0x3FB5]  }
0x2f: {  	lr =	sadd.s32 s0, s3;
	s0 =	sld [smem:$0x3FAC]  }
0x30: {  	s3 =	sld [smem:$0x3FAF]  }
0x31: {  	[smem:$0x3FB8] =	sst s10  }
0x32: {  	s10 =	sld [smem:$0x3FB6];
	_ =	sdelay $0x3  }
0x33: {  	p0 =	seq.s32 s10, $0x1;
	s10 =	sld [smem:$0x3FB8];
	_ =	sdelay $0x3  }
0x34: {  	[smem:$0x3FB8] =	sst s10  }
0x35: {  	s10 =	sld [smem:$0x3FB7];
	_ =	sdelay $0x3  }
0x36: {  	p1 =	seq.s32 s10, $0x1;
	s10 =	sld [smem:$0x3FB8];
	_ =	sdelay $0x3  }
0x37: {  	[smem:$0x3FB8] =	sst s10  }
0x38: {  	s10 =	sld [smem:$0x3FB9]  }
0x39: {  	_ = 	snop;
	(pc) =	sbr.ind lr, $3  }
0x3a: {  	_ = 	snop  }
0x3b: {  	_ = 	snop  }
0x3c: {  	p2 =	seq.s32 s10, $0x1;
	s10 =	sld [smem:$0x3FB8]  }
0x3d: {  	_ =	shalt  }
0x3e: {  	_ =	shalt  }
0x3f: {  	_ =	shalt  }
0x40: {  	_ =	shalt  }
0x41: {  	_ =	shalt  }
0x42: {  	_ =	shalt  }
0x43: {  	_ =	shalt  }
0x44: {  	_ =	shalt  }
0x45: {  	_ =	shalt  }
0x46: {  	_ =	shalt  }
0x47: {  	_ =	shalt  }
0x48: {  	_ =	shalt  }
0x49: {  	_ =	shalt  }
0x4a: {  	_ =	shalt  }
0x4b: {  	_ =	shalt  }
0x4c: {  	_ =	shalt  }
0x4d: {  	_ =	shalt  }
0x4e: {  	_ =	shalt  }
0x4f: {  	_ =	shalt  }
0x50: {  	_ =	shalt  }
0x51: {  	_ =	shalt  }
0x52: {  	_ =	shalt  }
0x53: {  	_ =	shalt  }
0x54: {  	_ =	shalt  }
0x55: {  	_ =	shalt  }
0x56: {  	_ =	shalt  }
0x57: {  	_ =	shalt  }
0x58: {  	_ =	shalt  }
0x59: {  	_ =	shalt  }
0x5a: {  	_ =	shalt  }
0x5b: {  	_ =	shalt  }
0x5c: {  	_ =	shalt  }
0x5d: {  	_ =	shalt  }
0x5e: {  	_ =	shalt  }
0x5f: {  	_ =	shalt  }
0x60: {  	_ =	shalt  }
0x61: {  	_ =	shalt  }
0x62: {  	_ =	shalt  }
0x63: {  	_ =	shalt  }
0x64: {  	_ =	shalt  }
0x65: {  	_ =	shalt  }
0x66: {  	_ =	shalt  }
0x67: {  	_ =	shalt  }
0x68: {  	_ =	shalt  }
0x69: {  	_ =	shalt  }
0x6a: {  	_ =	shalt  }
0x6b: {  	_ =	shalt  }
0x6c: {  	_ =	shalt  }
0x6d: {  	_ =	shalt  }
0x6e: {  	_ =	shalt  }
0x6f: {  	_ =	shalt  }
0x70: {  	_ =	shalt  }
0x71: {  	_ =	shalt  }
0x72: {  	_ =	shalt  }
0x73: {  	_ =	shalt  }
0x74: {  	_ =	shalt  }
0x75: {  	_ =	shalt  }
0x76: {  	_ =	shalt  }
0x77: {  	_ =	shalt  }
0x78: {  	_ =	shalt  }
0x79: {  	_ =	shalt  }
0x7a: {  	_ =	shalt  }
0x7b: {  	_ =	shalt  }
0x7c: {  	_ =	shalt  }
0x7d: {  	_ =	shalt  }
0x7e: {  	_ =	shalt  }
0x7f: {  	_ =	shalt  }
0x80: {  	_ =	shalt  }
0x81: {  	_ =	shalt  }
0x82: {  	_ =	shalt  }
0x83: {  	_ =	shalt  }
0x84: {  	_ =	shalt  }
0x85: {  	_ =	shalt  }
0x86: {  	_ =	shalt  }
0x87: {  	_ =	shalt  }
.Lfunc_end0:
.L_simem_size_0:
called_computation_lowered:
.L_overlay_start_0:
0x88: {  	s2 =	sld [smem:$0x3FD9]  }
0x89: {  	s3 =	sld [smem:$0x3FFE];
	_ =	sdelay $0x1  }
0x8a: {  	s1 =	srdreg.scid  }
0x8b: {  	s0 =	sand.u32 $0x1, s1  }
0x8c: {  	s17 =	sshll.u32 s0, $0xA;
	s2 =	sadd.s32 s3, s2  }
0x8d: {  	s2 =	sadd.s32 s2, s17  }
0x8e: {  	[smem:$0x3FC4] =	sst s2  }
0x8f: {  	_ = 	snop  }
0x90: {  	s2 =	sld [smem:$0x3FD0];
	(tm) =	ssettm $0x1  }
0x91: {  	s18 =	sld [smem:$0x3FFB];
	_ =	sdelay $0x3  }
0x92: {  	_ =	strace s18  }
0x93: {  	s3 =	sld [smem:$0x3FFC];
	_ =	sdelay $0x3  }
0x94: {  	_ =	strace s3  }
0x95: {  	s3 =	sld [smem:$0x3FFD];
	_ =	sdelay $0x3  }
0x96: {  	_ =	strace s3  }
0x97: {  	_ =	strace $0x8FFFFFFF  }
0x98: {  	s19 =	sld [smem:$0x3FDB];
	_ =	sdelay $0x1  }
0x99: {  	s4 =	simm.s32 $_scs_section_size  }
0x9a: {  	s5 =	simm.s32 $_size__tile_overlayer_lowered;
	s6 =	simm.s32 $_tile_overlayer_lowered  }
0x9b: {  	s22 =	simm.s32 $0x1BFF;
	s21 =	sshll.u32 s6, $0x1;
	s3 =	sadd.s32 s4, s19  }
0x9c: {  	s7 =	simm.s32 $0x0;
	s20 =	sshll.u32 s5, $0x1;
	s5 =	sadd.s32 s21, s3  }
0x9d: {  	[timem:s7], [sflag:s22] =	dma.local [hbm:s5], s20  }
0x9e: {  	_ =	swait.ge [sflag:s22], s20  }
0x9f: {  	s4 =	ssub.s32 $0x0, s20;
	[sflag:s22] =	ssyncset.done $0x0  }
0xa0: {  	[sflag:s22] =	ssyncadd.s32 s4;
	_ =	sdelay $0x1  }
0xa1: {  	s23 =	simm.s32 $0x1B8B  }
0xa2: {  	_ =	swait.ge [sflag:s23], $0x1  }
0xa3: {  	[sflag:s23] =	ssyncset.done $0x0  }
0xa4: {  	s25 =	simm.s32 $0x1B8E;
	s24 =	sld [smem:$0x3FFE];
	[sflag:s23] =	ssyncadd.s32 $0xFFFFFFFF  }
0xa5: {  	s26 =	simm.s32 $execute0_lowered;
	[smem:$0x3FD2] =	sst s25  }
0xa6: {  	s5 =	sshll.u32 s26, $0x1;
	_ =	strace $0x80000046;
	[dreg:$0x1] =	wrdreg $0xFFFFFFFF  }
0xa7: {  	s28 =	simm.s32 $_size_execute0_lowered;
	s3 =	sadd.s32 s3, s5;
	[dreg:$0x0] =	wrdreg $0x0  }
0xa8: {  	s5 =	sshll.u32 s28, $0x1;
	[dreg:$0x2] =	wrdreg s3  }
0xa9: {  	[dreg:$0x3] =	wrdreg s5  }
0xaa: {  	[dreg:$0x4] =	wrdreg $0xC0  }
0xab: {  	_ =	task [dreg:s7], $0x5FFFF  }
0xac: {  	[dreg:$0x1] =	wrdreg $0xFFFFFFFF  }
0xad: {  	[dreg:$0x0] =	wrdreg $0x60  }
0xae: {  	[dreg:$0x2] =	wrdreg s2  }
0xaf: {  	[dreg:$0x3] =	wrdreg s24  }
0xb0: {  	[dreg:$0x4] =	wrdreg $0x44000  }
0xb1: {  	[dreg:$0x5] =	wrdreg $0x9  }
0xb2: {  	_ =	task.clear_ibuf [dreg:s7], $0x6FFFF;
	_ =	strace $0x90000046  }
0xb3: {  	s29 =	simm.s32 $0x9;
	_ =	strace $0x80000048  }
0xb4: {  	_ =	swait.ge [sflag:s29], $0x1  }
0xb5: {  	[sflag:s29] =	ssyncadd.s32 $0xFFFFFFFF  }
0xb6: {  	_ =	strace $0x90000048  }
0xb7: {  	_ =	sfence  }
0xb8: {  	s30 =	sld [smem:$0x0];
	_ =	sdelay $0x2  }
0xb9: {  	s31 =	sshll.u32 s1, $0xD;
	s1 =	sshrl.u32 s1, $0x2  }
0xba: {  	s3 =	sand.u32 $0x4000, s31;
	s1 =	sadd.s32 s1, s30  }
0xbb: {  	s0 =	sor.u32 s3, s0;
	s1 =	sshll.u32 s1, $0x11  }
0xbc: {  	s0 =	sor.u32 s1, s0  }
0xbd: {  	s0 =	sadd.s32 $0x8F2B, s0  }
0xbe: {  	[sflag:s0] =	ssyncadd.remote.s32 $0x1  }
0xbf: {  	_ =	sfence.sel $0xFFFF  }
0xc0: {  	[dreg:$0x0] =	wrdreg $0xFFFFFFFF;
	(pc) =	sbr.abs _section_cstart, $3  }
0xc1: {  	[dreg:$0x1] =	wrdreg $0xFFFFFFFF  }
0xc2: {  	_ =	task.clear_ibuf [dreg:s7], $0x2FFFF;
	_ =	strace $0x9FFFFFFF  }
0xc3: {  	(tm) =	ssettm $0x7FFFFFFF  }
tec
execute0_lowered:
.L_overlay_start_1:
0x0: {  	(tag) =	ssettag $0x1  }
0x1: {  	s0 =	rddreg [dreg:$0x0]  }
0x2: {  	s1 =	srdreg.scid;
	s5 =	rddreg [dreg:$0x1]  }
0x3: {  	s8 =	stileid.u32;
	s2 =	rddreg [dreg:$0x2]  }
0x4: {  	s3 =	simm.s32 $0x0;
	s17 =	simm.s32 $0x400;
	s18 =	simm.s32 $0x5  }
0x5: {  	s19 =	simm.s32 $0x100;
	s20 =	simm.s32 $0x200;
	s21 =	simm.s32 $0x300  }
0x6: {  	s22 =	simm.s32 $0x1;
	s23 =	simm.s32 $0x80;
	s28 =	simm.s32 $0x280  }
0x7: {  	s29 =	simm.s32 $0x4;
	s30 =	simm.s32 $0x380;
	s6 =	smul.u32 $0x14000, s8  }
0x8: {  	s1 =	sand.u32 $0x1, s1;
	[smem:$0x7FF] =	sst s3;
	s7 =	smul.u32 $0x50000, s8  }
0x9: {  	s4 =	smul.u32 $0x140000, s1;
	s16 =	sshll.u32 s1, $0x5;
	s1 =	ssub.s32 $0x2, s1  }
0xa: {  	s31 =	simm.s32 $0x0;
	_ =	strace $0x80000047;
	s25 =	sshrl.u32 s1, $0x1  }
0xb: {  	s7 =	sshrl.u32 s7, $0x2;
	s4 =	sadd.s32 s6, s4;
	s1 =	ssub.s32 s1, s25  }
0xc: {  	s25 =	simm.s32 $0x180;
	s6 =	sshrl.u32 s4, $0x3;
	s4 =	sshll.u32 s8, $0x6  }
0xd: {  	s11 =	smax.u32 s1, $0x1;
	s10 =	sadd.s32 s6, s5;
	s24 =	sor.u32 s16, s4  }
0xe: {  	s6 =	sadd.s32 s7, s2;
	s5 =	sadd.s32 s0, s24;
	s10 =	sadd.s32 $0x2C00, s10  }
0xf: {  	s12 =	sadd.s32 $0x4000, s6;
	s13 =	sadd.s32 $0x8000, s6;
	s14 =	sadd.s32 $0xC000, s6  }
0x10: {  	s15 =	sadd.s32 $0x10000, s6;
	s0 =	sadd.s32 s4, s0;
	s24 =	simm.s32 $0x2  }
0x11: {  	s26 =	sadd.s32 $0x400, s5;
	s8 =	sadd.s32 $0x800, s5;
	s9 =	sadd.s32 $0xC00, s5  }
0x12: {  	v0 =	vimm.f32 $0.0e+00;
	v1 =	vimm.f32 $1.000000000e+00;
	s16 =	sadd.s32 s16, s0;
	[dreg:$0x4] =	wrdreg s26;
	s26 =	simm.s32 $0x3  }
.LBB2_1:
0x13: {  	s1 =	simm.s32 $0x0;
	s0 =	simm.s32 $0x200  }
.LBB2_2:
0x14: {  	p0 =	sne.s32 s0, $0xFE00;
	[tilespmem:s1+$0x470] =	vst v0  }
0x15: {  	[tilespmem:s1+$0x400] =	vst v0  }
0x16: {  	[tilespmem:s1+$0x410] =	vst v0  }
.Ltmp0:
0x17: {  	[tilespmem:s1+$0x420] =	vst v0;
	(pc) =	sbr.rel @p0 .LBB2_2-.Ltmp0, $4  }
0x18: {  	[tilespmem:s1+$0x430] =	vst v0  }
0x19: {  	[tilespmem:s1+$0x440] =	vst v0  }
0x1a: {  	[tilespmem:s1+$0x450] =	vst v0  }
0x1b: {  	[tilespmem:s1+$0x460] =	vst v0;
	s1 =	sshra.s32 s0, $0x2;
	s0 =	sadd.s32 $0x200, s0  }
0x1c: {  	[tilespmem:s1+$0x470] =	vst v0  }
0x1d: {  	[tilespmem:s1+$0x400] =	vst v0  }
0x1e: {  	[tilespmem:s1+$0x410] =	vst v0  }
0x1f: {  	[tilespmem:s1+$0x420] =	vst v0  }
0x20: {  	[tilespmem:s1+$0x430] =	vst v0  }
0x21: {  	[tilespmem:s1+$0x440] =	vst v0  }
0x22: {  	[tilespmem:s1+$0x450] =	vst v0  }
0x23: {  	[tilespmem:s1+$0x460] =	vst v0  }
0x24: {  	[spmem:s6] =	stream.linear.scatter [tilespmem:s17], [sflag:$0x5], $0x4000, $0x38;
	[tilespmem:$0x18400] =	vst v63  }
0x25: {  	_ =	swait.ge [sflag:s18], $0x4000  }
0x26: {  	[sflag:s18] =	ssyncset.done $0x0  }
0x27: {  	[sflag:s18] =	ssyncadd.s32 $0xFFFFC000  }
0x28: {  	[spmem:s12] =	stream.linear.scatter [tilespmem:s17], [sflag:$0x5], $0x4000, $0x38;
	[tilespmem:$0x18400] =	vst v63  }
0x29: {  	_ =	swait.ge [sflag:s18], $0x4000  }
0x2a: {  	[sflag:s18] =	ssyncset.done $0x0  }
0x2b: {  	[sflag:s18] =	ssyncadd.s32 $0xFFFFC000  }
0x2c: {  	[spmem:s13] =	stream.linear.scatter [tilespmem:s17], [sflag:$0x5], $0x4000, $0x38;
	[tilespmem:$0x18400] =	vst v63  }
0x2d: {  	_ =	swait.ge [sflag:s18], $0x4000  }
0x2e: {  	[sflag:s18] =	ssyncset.done $0x0  }
0x2f: {  	[sflag:s18] =	ssyncadd.s32 $0xFFFFC000  }
0x30: {  	[spmem:s14] =	stream.linear.scatter [tilespmem:s17], [sflag:$0x5], $0x4000, $0x38;
	[tilespmem:$0x18400] =	vst v63  }
0x31: {  	_ =	swait.ge [sflag:s18], $0x4000  }
0x32: {  	[sflag:s18] =	ssyncset.done $0x0  }
0x33: {  	[sflag:s18] =	ssyncadd.s32 $0xFFFFC000  }
0x34: {  	[spmem:s15] =	stream.linear.scatter [tilespmem:s17], [sflag:$0x5], $0x4000, $0x38;
	[tilespmem:$0x18400] =	vst v63  }
0x35: {  	_ =	swait.ge [sflag:s18], $0x4000  }
0x36: {  	[sflag:s18] =	ssyncset.done $0x0  }
0x37: {  	s1 =	simm.s32 $0x0;
	s0 =	simm.s32 $0x200;
	[sflag:s18] =	ssyncadd.s32 $0xFFFFC000  }
.LBB2_4:
0x38: {  	p0 =	sne.s32 s0, $0xFE00;
	[tilespmem:s1+$0x470] =	vst v1  }
0x39: {  	[tilespmem:s1+$0x400] =	vst v1  }
0x3a: {  	[tilespmem:s1+$0x410] =	vst v1  }
.Ltmp1:
0x3b: {  	[tilespmem:s1+$0x420] =	vst v1;
	(pc) =	sbr.rel @p0 .LBB2_4-.Ltmp1, $4  }
0x3c: {  	[tilespmem:s1+$0x430] =	vst v1  }
0x3d: {  	[tilespmem:s1+$0x440] =	vst v1  }
0x3e: {  	[tilespmem:s1+$0x450] =	vst v1  }
0x3f: {  	[tilespmem:s1+$0x460] =	vst v1;
	s1 =	sshra.s32 s0, $0x2;
	s0 =	sadd.s32 $0x200, s0  }
0x40: {  	[tilespmem:s1+$0x470] =	vst v1  }
0x41: {  	[tilespmem:s1+$0x400] =	vst v1  }
0x42: {  	[tilespmem:s1+$0x410] =	vst v1  }
0x43: {  	[tilespmem:s1+$0x420] =	vst v1  }
0x44: {  	[tilespmem:s1+$0x430] =	vst v1  }
0x45: {  	[tilespmem:s1+$0x440] =	vst v1  }
0x46: {  	[tilespmem:s1+$0x450] =	vst v1  }
0x47: {  	[tilespmem:s1+$0x460] =	vst v1;
	s0 =	simm.s32 $0x0  }
0x48: {  	[tilespmem:s0], [sflag:$0x1] =	stream.linear.gather [hbm4b:s5+s0], $0x100, $0x38;
	[tilespmem:$0x18400] =	vst v63  }
0x49: {  	s7 =	rddreg [dreg:$0x4]  }
0x4a: {  	[tilespmem:s19], [sflag:$0x2] =	stream.linear.gather [hbm4b:s7+s0], $0x100, $0x38;
	[tilespmem:$0x18400] =	vst v63  }
0x4b: {  	_ = 	snop  }
0x4c: {  	[tilespmem:s20], [sflag:$0x3] =	stream.linear.gather [hbm4b:s8+s0], $0x100, $0x38;
	[tilespmem:$0x18400] =	vst v63  }
0x4d: {  	_ = 	snop  }
0x4e: {  	[tilespmem:s21], [sflag:$0x4] =	stream.linear.gather [hbm4b:s9+s0], $0x100, $0x38;
	[tilespmem:$0x18400] =	vst v63  }
0x4f: {  	[bflag:$0x0] =	sbarrier.arrive $0xFFFF  }
0x50: {  	_ =	swait.ge [sflag:s22], $0x100  }
0x51: {  	[sflag:s22] =	ssyncset.done $0x0  }
0x52: {  	[sflag:s22] =	ssyncadd.s32 $0xFFFFFF00  }
0x53: {  	[spmem:s2] =	stream.indirect.scatter.add.f32 [tilespmem:s17], [sflag:$0x5], $0x80, s23, s23, $0xb8;
	[tilespmem:$0x18400] =	vst v63  }
0x54: {  	_ =	swait.ge [sflag:s18], $0x4000  }
0x55: {  	s0 =	sadd.s32 $0x0, s16;
	[sflag:s18] =	ssyncset.done $0x0  }
0x56: {  	s7 =	sadd.s32 $0x1000, s0;
	[sflag:s18] =	ssyncadd.s32 $0xFFFFC000  }
0x57: {  	[tilespmem:s3], [sflag:$0x1] =	stream.linear.gather [hbm4b:s7+s3], $0x100, $0x38;
	[tilespmem:$0x18400] =	vst v63  }
0x58: {  	_ =	swait.ge [sflag:s24], $0x100  }
0x59: {  	[sflag:s24] =	ssyncset.done $0x0  }
0x5a: {  	[sflag:s24] =	ssyncadd.s32 $0xFFFFFF00  }
0x5b: {  	[spmem:s2] =	stream.indirect.scatter.add.f32 [tilespmem:s17], [sflag:$0x5], $0x80, s25, s23, $0xb8;
	[tilespmem:$0x18400] =	vst v63  }
0x5c: {  	_ =	swait.ge [sflag:s18], $0x4000  }
0x5d: {  	[sflag:s18] =	ssyncset.done $0x0  }
0x5e: {  	s7 =	sadd.s32 $0x1400, s0;
	[sflag:s18] =	ssyncadd.s32 $0xFFFFC000  }
0x5f: {  	[tilespmem:s19], [sflag:$0x2] =	stream.linear.gather [hbm4b:s7+s3], $0x100, $0x38;
	[tilespmem:$0x18400] =	vst v63  }
0x60: {  	_ =	swait.ge [sflag:s26], $0x100  }
0x61: {  	[sflag:s26] =	ssyncset.done $0x0  }
0x62: {  	[sflag:s26] =	ssyncadd.s32 $0xFFFFFF00  }
0x63: {  	[spmem:s2] =	stream.indirect.scatter.add.f32 [tilespmem:s17], [sflag:$0x5], $0x80, s28, s23, $0xb8;
	[tilespmem:$0x18400] =	vst v63  }
0x64: {  	_ =	swait.ge [sflag:s18], $0x4000  }
0x65: {  	[sflag:s18] =	ssyncset.done $0x0  }
0x66: {  	s7 =	sadd.s32 $0x1800, s0;
	[sflag:s18] =	ssyncadd.s32 $0xFFFFC000  }
0x67: {  	[tilespmem:s20], [sflag:$0x3] =	stream.linear.gather [hbm4b:s7+s3], $0x100, $0x38;
	[tilespmem:$0x18400] =	vst v63  }
0x68: {  	_ =	swait.ge [sflag:s29], $0x100  }
0x69: {  	[sflag:s29] =	ssyncset.done $0x0  }
0x6a: {  	[sflag:s29] =	ssyncadd.s32 $0xFFFFFF00  }
0x6b: {  	[spmem:s2] =	stream.indirect.scatter.add.f32 [tilespmem:s17], [sflag:$0x5], $0x80, s30, s23, $0xb8;
	[tilespmem:$0x18400] =	vst v63  }
0x6c: {  	_ =	swait.ge [sflag:s18], $0x4000  }
0x6d: {  	[sflag:s18] =	ssyncset.done $0x0  }
0x6e: {  	s1 =	simm.s32 $0x1000;
	s0 =	sadd.s32 $0x1C00, s0;
	[sflag:s18] =	ssyncadd.s32 $0xFFFFC000  }
.LBB2_6:
0x6f: {  	[tilespmem:s21], [sflag:$0x4] =	stream.linear.gather [hbm4b:s0+s3], $0x100, $0x38;
	[tilespmem:$0x18400] =	vst v63  }
0x70: {  	s0 =	smov.u32 s1  }
0x71: {  	p0 =	sne.s32 s1, $0x12000;
	s1 =	sadd.s32 $0x1000, s1;
	_ =	swait.ge [sflag:s22], $0x100  }
0x72: {  	[sflag:s22] =	ssyncset.done $0x0  }
0x73: {  	[sflag:s22] =	ssyncadd.s32 $0xFFFFFF00  }
0x74: {  	[spmem:s2] =	stream.indirect.scatter.add.f32 [tilespmem:s17], [sflag:$0x5], $0x80, s23, s23, $0xb8;
	[tilespmem:$0x18400] =	vst v63  }
0x75: {  	_ =	swait.ge [sflag:s18], $0x4000  }
0x76: {  	s0 =	sadd.s32 s0, s16;
	[sflag:s18] =	ssyncset.done $0x0  }
0x77: {  	s7 =	sadd.s32 $0x1000, s0;
	[sflag:s18] =	ssyncadd.s32 $0xFFFFC000  }
0x78: {  	[tilespmem:s3], [sflag:$0x1] =	stream.linear.gather [hbm4b:s7+s3], $0x100, $0x38;
	[tilespmem:$0x18400] =	vst v63  }
0x79: {  	_ =	swait.ge [sflag:s24], $0x100  }
0x7a: {  	[sflag:s24] =	ssyncset.done $0x0  }
0x7b: {  	[sflag:s24] =	ssyncadd.s32 $0xFFFFFF00  }
0x7c: {  	[spmem:s2] =	stream.indirect.scatter.add.f32 [tilespmem:s17], [sflag:$0x5], $0x80, s25, s23, $0xb8;
	[tilespmem:$0x18400] =	vst v63  }
0x7d: {  	_ =	swait.ge [sflag:s18], $0x4000  }
0x7e: {  	[sflag:s18] =	ssyncset.done $0x0  }
0x7f: {  	s7 =	sadd.s32 $0x1400, s0;
	[sflag:s18] =	ssyncadd.s32 $0xFFFFC000  }
0x80: {  	[tilespmem:s19], [sflag:$0x2] =	stream.linear.gather [hbm4b:s7+s3], $0x100, $0x38;
	[tilespmem:$0x18400] =	vst v63  }
0x81: {  	_ =	swait.ge [sflag:s26], $0x100  }
0x82: {  	[sflag:s26] =	ssyncset.done $0x0  }
0x83: {  	[sflag:s26] =	ssyncadd.s32 $0xFFFFFF00  }
0x84: {  	[spmem:s2] =	stream.indirect.scatter.add.f32 [tilespmem:s17], [sflag:$0x5], $0x80, s28, s23, $0xb8;
	[tilespmem:$0x18400] =	vst v63  }
0x85: {  	_ =	swait.ge [sflag:s18], $0x4000  }
0x86: {  	[sflag:s18] =	ssyncset.done $0x0  }
0x87: {  	s7 =	sadd.s32 $0x1800, s0;
	[sflag:s18] =	ssyncadd.s32 $0xFFFFC000  }
0x88: {  	[tilespmem:s20], [sflag:$0x3] =	stream.linear.gather [hbm4b:s7+s3], $0x100, $0x38;
	[tilespmem:$0x18400] =	vst v63  }
0x89: {  	_ =	swait.ge [sflag:s29], $0x100  }
0x8a: {  	[sflag:s29] =	ssyncset.done $0x0  }
.Ltmp2:
0x8b: {  	[sflag:s29] =	ssyncadd.s32 $0xFFFFFF00;
	(pc) =	sbr.rel @p0 .LBB2_6-.Ltmp2, $4  }
0x8c: {  	[spmem:s2] =	stream.indirect.scatter.add.f32 [tilespmem:s17], [sflag:$0x5], $0x80, s30, s23, $0xb8;
	[tilespmem:$0x18400] =	vst v63  }
0x8d: {  	_ =	swait.ge [sflag:s18], $0x4000  }
0x8e: {  	[sflag:s18] =	ssyncset.done $0x0  }
0x8f: {  	s0 =	sadd.s32 $0x1C00, s0;
	[sflag:s18] =	ssyncadd.s32 $0xFFFFC000  }
0x90: {  	[tilespmem:s21], [sflag:$0x4] =	stream.linear.gather [hbm4b:s0+s3], $0x100, $0x38;
	[tilespmem:$0x18400] =	vst v63  }
0x91: {  	_ =	swait.ge [sflag:s22], $0x100  }
0x92: {  	[sflag:s22] =	ssyncset.done $0x0  }
0x93: {  	[sflag:s22] =	ssyncadd.s32 $0xFFFFFF00  }
0x94: {  	[spmem:s2] =	stream.indirect.scatter.add.f32 [tilespmem:s17], [sflag:$0x5], $0x80, s23, s23, $0xb8;
	[tilespmem:$0x18400] =	vst v63  }
0x95: {  	_ =	swait.ge [sflag:s18], $0x4000  }
0x96: {  	[sflag:s18] =	ssyncset.done $0x0  }
0x97: {  	[sflag:s18] =	ssyncadd.s32 $0xFFFFC000  }
0x98: {  	_ =	swait.ge [sflag:s24], $0x100  }
0x99: {  	[sflag:s24] =	ssyncset.done $0x0  }
0x9a: {  	[sflag:s24] =	ssyncadd.s32 $0xFFFFFF00  }
0x9b: {  	[spmem:s2] =	stream.indirect.scatter.add.f32 [tilespmem:s17], [sflag:$0x5], $0x80, s25, s23, $0xb8;
	[tilespmem:$0x18400] =	vst v63  }
0x9c: {  	_ =	swait.ge [sflag:s18], $0x4000  }
0x9d: {  	[sflag:s18] =	ssyncset.done $0x0  }
0x9e: {  	[sflag:s18] =	ssyncadd.s32 $0xFFFFC000  }
0x9f: {  	_ =	swait.ge [sflag:s26], $0x100  }
0xa0: {  	[sflag:s26] =	ssyncset.done $0x0  }
0xa1: {  	[sflag:s26] =	ssyncadd.s32 $0xFFFFFF00  }
0xa2: {  	[spmem:s2] =	stream.indirect.scatter.add.f32 [tilespmem:s17], [sflag:$0x5], $0x80, s28, s23, $0xb8;
	[tilespmem:$0x18400] =	vst v63  }
0xa3: {  	_ =	swait.ge [sflag:s18], $0x4000  }
0xa4: {  	[sflag:s18] =	ssyncset.done $0x0  }
0xa5: {  	[sflag:s18] =	ssyncadd.s32 $0xFFFFC000  }
0xa6: {  	_ =	swait.ge [sflag:s29], $0x100  }
0xa7: {  	[sflag:s29] =	ssyncset.done $0x0  }
0xa8: {  	[sflag:s29] =	ssyncadd.s32 $0xFFFFFF00  }
0xa9: {  	[spmem:s2] =	stream.indirect.scatter.add.f32 [tilespmem:s17], [sflag:$0x5], $0x80, s30, s23, $0xb8;
	[tilespmem:$0x18400] =	vst v63  }
0xaa: {  	_ =	swait.ge [sflag:s18], $0x4000  }
0xab: {  	s31 =	sadd.s32 $0x1, s31;
	[sflag:s18] =	ssyncset.done $0x0  }
0xac: {  	s7 =	sor.u32 $0x1C05, s4;
	p0 =	sne.s32 s31, s11;
	[sflag:s18] =	ssyncadd.s32 $0xFFFFC000  }
.Ltmp3:
0xad: {  	s1 =	sshrl.u32 s6, $0x3;
	[bflag:$0x0] =	sbarrier.arrive $0xFFFF;
	(pc) =	sbr.rel @p0 .LBB2_1-.Ltmp3, $4  }
0xae: {  	[hbm:s10], [sflag:s7] =	dma.local [spmem:s1], $0x2800  }
0xaf: {  	_ =	swait.ge [sflag:s18], $0x2800  }
0xb0: {  	[sflag:s18] =	ssyncset.done $0x0  }
0xb1: {  	[sflag:s18] =	ssyncadd.s32 $0xFFFFD800  }
0xb2: {  	_ =	sfence.sel $0x180000  }
0xb3: {  	[bflag:$0x0] =	sbarrier.arrive $0xFFFF  }
0xb4: {  	_ =	strace $0x90000047  }
0xb5: {  	s0 =	stileid.u32;
	[bflag:$0x2] =	sbarrier.arrive $0xFFFF  }
0xb6: {  	p0 =	sne.s32 s0, $0x0;
	s0 =	rddreg [dreg:$0x3]  }
0xb7: {  	s0 =	sadd.s32 @!p0 $0x100000, s0  }
0xb8: {  	[sflag:s0] =	ssyncadd.tile.s32 @!p0 $0x1;
	_ =	shalt  }
.Lfunc_end2:
_tile_overlayer_lowered:
.L_overlay_start_2:
0xb9: {  	(tag) =	ssettag $0x2  }
0xba: {  	s0 =	rddreg [dreg:$0x0];
	s2 =	stileid.u32  }
0xbb: {  	s1 =	rddreg [dreg:$0x1];
	p0 =	sne.s32 s2, $0x0  }
0xbc: {  	s3 =	rddreg [dreg:$0x2];
	[bflag:$0x3] =	sbarrier.arrive $0xFFFF;
	s2 =	simm.s32 @!p0 $0x1C05  }
0xbd: {  	[timem:s3], [sflag:s2] =	dma.local @!p0 [hbm:s0], s1  }
0xbe: {  	s0 =	simm.s32 @!p0 $0x5  }
0xbf: {  	_ =	swait.ge @!p0 [sflag:s0], s1  }
0xc0: {  	s1 =	ssub.s32 @!p0 $0x0, s1;
	[sflag:s0] =	ssyncset.done @!p0 $0x0  }
0xc1: {  	[sflag:s0] =	ssyncadd.s32 @!p0 s1  }
0xc2: {  	[bflag:$0x3] =	sbarrier.arrive $0xFFFF  }
0xc3: {  	_ =	shalt  }

</sc_bundles>
